<compile_context>
chip_gen: v7x
topology: tpu7x:2x2x1
jax: 0.10.2.dev20260603
libtpu: 0.0.44.dev20260713+nightly
codegen_flags: <defaults>
</compile_context>

<pallas_src>
import functools

import jax
import jax.numpy as jnp
from jax import lax
from jax.experimental import pallas as pl
from jax.experimental.pallas import tpu as pltpu
from jax.experimental.pallas import tpu_sc as plsc

B = 16384
D = 32
V = 1000000
PK = 4
W = PK * D
NC = 2
NS = 16
NW = NC * NS
BPW = B // NW
SUB = 64
NSUB = BPW // SUB
L = 16
NG = SUB // L

_mesh = plsc.VectorSubcoreMesh(core_axis_name="c", subcore_axis_name="s")


@functools.partial(
    pl.kernel,
    mesh=_mesh,
    compiler_params=pltpu.CompilerParams(needs_layout_passes=False),
    out_type=jax.ShapeDtypeStruct((B,), jnp.float32),
    scratch_types=[
        pltpu.VMEM((NSUB, SUB), jnp.int32),
        pltpu.VMEM((NSUB, SUB), jnp.int32),
        pltpu.VMEM((BPW,), jnp.int32),
        pltpu.VMEM((BPW,), jnp.int32),
        pltpu.VMEM((SUB, W), jnp.float32),
        pltpu.VMEM((SUB, W), jnp.float32),
        pltpu.VMEM((SUB, W), jnp.float32),
        pltpu.VMEM((SUB, W), jnp.float32),
        pltpu.VMEM((BPW,), jnp.float32),
        pltpu.SemaphoreType.DMA,
    ],
)
def _line_sc(ubi_hbm, ubj_hbm, ri_hbm, rj_hbm, fw_hbm, sw_hbm, cw_hbm,
             out_hbm, ubi_v, ubj_v, ri_v, rj_v, a_v, b_v, c_v, e_v, o_v,
             sem):
    wid = lax.axis_index("s") * NC + lax.axis_index("c")
    base = wid * BPW

    pltpu.sync_copy(ubi_hbm.at[wid], ubi_v)
    pltpu.sync_copy(ubj_hbm.at[wid], ubj_v)
    pltpu.sync_copy(ri_hbm.at[wid], ri_v)
    pltpu.sync_copy(rj_hbm.at[wid], rj_v)

    def round_(r, carry):
        descs = [
            pltpu.async_copy(fw_hbm.at[ubi_v.at[r]], a_v, sem),
            pltpu.async_copy(fw_hbm.at[ubj_v.at[r]], b_v, sem),
            pltpu.async_copy(sw_hbm.at[ubi_v.at[r]], c_v, sem),
            pltpu.async_copy(cw_hbm.at[ubj_v.at[r]], e_v, sem),
        ]
        for dsc in descs:
            dsc.wait()
        for gg in range(NG):
            off = r * SUB + gg * L
            rows = gg * L + lax.iota(jnp.int32, L)
            rem_i = ri_v[pl.ds(off, L)]
            rem_j = rj_v[pl.ds(off, L)]
            acc = jnp.zeros((L,), jnp.float32)
            for d in range(D):
                ci = rem_i + d
                cj = rem_j + d
                av = plsc.load_gather(a_v, [rows, ci])
                bv = plsc.load_gather(b_v, [rows, cj])
                cv = plsc.load_gather(c_v, [rows, ci])
                ev = plsc.load_gather(e_v, [rows, cj])
                acc = acc + av * bv + cv * ev
            o_v[pl.ds(off, L)] = acc
        return carry

    lax.fori_loop(0, NSUB, round_, 0)

    pltpu.sync_copy(o_v, out_hbm.at[pl.ds(base, BPW)])


def kernel(u_i, u_j, first_w, second_w, context_w):
    ui = u_i.astype(jnp.int32)
    uj = u_j.astype(jnp.int32)
    ubi = (ui >> 2).reshape(NW, NSUB, SUB)
    ubj = (uj >> 2).reshape(NW, NSUB, SUB)
    ri = ((ui & 3) * D).reshape(NW, BPW)
    rj = ((uj & 3) * D).reshape(NW, BPW)
    fw2 = first_w.reshape(V // PK, W)
    sw2 = second_w.reshape(V // PK, W)
    cw2 = context_w.reshape(V // PK, W)
    return _line_sc(ubi, ubj, ri, rj, fw2, sw2, cw2)

# --- scband reference (transcript-rebuilt; emitter-appended) ---
"""Pipeline reference for scband-line-11716670783778 (READ-ONLY COPY).

The authoritative reference and input builder live on the scoring server;
editing this copy changes nothing except your own understanding.
"""

import jax, jax.numpy as jnp
import numpy as np

NUM_VERTICES = 1000000
EMBEDDING_SIZE = 32
BATCH = 16384
ORDER = 'both'

def setup_inputs(seed: int = 0) -> dict:
    key = jax.random.key(seed)
    k1, k2, k3, k4, k5 = jax.random.split(key, 5)
    u_i = jax.random.randint(k1, (BATCH,), 0, NUM_VERTICES, dtype=jnp.int64 if jax.config.jax_enable_x64 else jnp.int32)
    u_j = jax.random.randint(k2, (BATCH,), 0, NUM_VERTICES, dtype=jnp.int64 if jax.config.jax_enable_x64 else jnp.int32)
    # Embedding tables initialized uniform(-1, 1) as in _init_model
    first_w = jax.random.uniform(k3, (NUM_VERTICES, EMBEDDING_SIZE), dtype=jnp.float32, minval=-1.0, maxval=1.0)
    second_w = jax.random.uniform(k4, (NUM_VERTICES, EMBEDDING_SIZE), dtype=jnp.float32, minval=-1.0, maxval=1.0)
    context_w = jax.random.uniform(k5, (NUM_VERTICES, EMBEDDING_SIZE), dtype=jnp.float32, minval=-1.0, maxval=1.0)
    return {"u_i": u_i, "u_j": u_j, "first_w": first_w, "second_w": second_w, "context_w": context_w}

def reference(u_i, u_j, first_w, second_w, context_w):
    # order == 'both' branch of LINE.forward
    out_i = jnp.take(first_w, u_i, axis=0)
    out_j = jnp.take(first_w, u_j, axis=0)
    out_first_order = jnp.sum(out_i * out_j, axis=1)
    out_i2 = jnp.take(second_w, u_i, axis=0)
    out_j2 = jnp.take(context_w, u_j, axis=0)
    out_second_order = jnp.sum(out_i2 * out_j2, axis=1)
    return out_first_order + out_second_order

if __name__ == "__main__":
    import jax
    _d = setup_inputs()
    print(jax.jit(kernel)(*tuple(_d.values())))

</pallas_src>

<mosaic_0001>
#map = affine_map<(d0, d1) -> (0, 0, 0)>
#map1 = affine_map<(d0, d1) -> (0, 0)>
#map2 = affine_map<(d0, d1) -> (0)>
module attributes {stable_mosaic.version = 14 : i64} {
  func.func @_line_sc(%arg0: i32, %arg1: i32, %arg2: memref<32x8x64xi32, #tpu.memory_space<hbm>>, %arg3: memref<32x8x64xi32, #tpu.memory_space<hbm>>, %arg4: memref<32x512xi32, #tpu.memory_space<hbm>>, %arg5: memref<32x512xi32, #tpu.memory_space<hbm>>, %arg6: memref<250000x128xf32, #tpu.memory_space<hbm>>, %arg7: memref<250000x128xf32, #tpu.memory_space<hbm>>, %arg8: memref<250000x128xf32, #tpu.memory_space<hbm>>, %arg9: memref<16384xf32, #tpu.memory_space<hbm>>, %arg10: memref<8x64xi32, #tpu.memory_space<vmem>>, %arg11: memref<8x64xi32, #tpu.memory_space<vmem>>, %arg12: memref<512xi32, #tpu.memory_space<vmem>>, %arg13: memref<512xi32, #tpu.memory_space<vmem>>, %arg14: memref<64x128xf32, #tpu.memory_space<vmem>>, %arg15: memref<64x128xf32, #tpu.memory_space<vmem>>, %arg16: memref<64x128xf32, #tpu.memory_space<vmem>>, %arg17: memref<64x128xf32, #tpu.memory_space<vmem>>, %arg18: memref<512xf32, #tpu.memory_space<vmem>>, %arg19: memref<!tpu.dma_semaphore, #tpu.memory_space<semaphore_mem>>) attributes {dimension_semantics = [#tpu.dimension_semantics<core_parallel>, #tpu.dimension_semantics<subcore_parallel>], iteration_bounds = array<i64: 2, 16>, scalar_prefetch = 0 : i64, scratch_operands = 10 : i64, tpu.core_type = #tpu.core_type<sc_vector_subcore>, window_params = [{transform_indices = #map}, {transform_indices = #map}, {transform_indices = #map1}, {transform_indices = #map1}, {transform_indices = #map1}, {transform_indices = #map1}, {transform_indices = #map1}, {transform_indices = #map2}]} {
    %mul3A = arith.constant 2 : i32
    %mul3A_0 = arith.muli %arg1, %mul3A : i32
    %add3A = arith.addi %mul3A_0, %arg0 : i32
    %mul3A_1 = arith.constant 512 : i32
    %mul3A_2 = arith.muli %add3A, %mul3A_1 : i32
    "tpu.region"() ({
      %run_scoped3A = tpu.sem_alloc : memref<!tpu.dma_semaphore, #tpu.memory_space<semaphore_mem>>
      %dma_start3A = arith.constant 0 : i32
      %dma_start3A_8 = arith.constant 0 : i32
      %dma_start3A_9 = tpu.memref_slice %arg2[%add3A, %dma_start3A, %dma_start3A_8] : memref<32x8x64xi32, #tpu.memory_space<hbm>> -> memref<1x8x64xi32, #tpu.memory_space<hbm>>
      %dma_start3A_10 = tpu.memref_squeeze %dma_start3A_9 : memref<1x8x64xi32, #tpu.memory_space<hbm>> -> memref<8x64xi32, #tpu.memory_space<hbm>>
      %dma_start3A_11 = arith.constant 0 : i32
      %dma_start3A_12 = arith.constant 0 : i32
      %dma_start3A_13 = tpu.memref_slice %arg2[%add3A, %dma_start3A_11, %dma_start3A_12] : memref<32x8x64xi32, #tpu.memory_space<hbm>> -> memref<1x8x64xi32, #tpu.memory_space<hbm>>
      %dma_start3A_14 = tpu.memref_squeeze %dma_start3A_13 : memref<1x8x64xi32, #tpu.memory_space<hbm>> -> memref<8x64xi32, #tpu.memory_space<hbm>>
      tpu.enqueue_dma source(%dma_start3A_14 : memref<8x64xi32, #tpu.memory_space<hbm>>) target(%arg10 : memref<8x64xi32, #tpu.memory_space<vmem>>) target_semaphore(%run_scoped3A : memref<!tpu.dma_semaphore, #tpu.memory_space<semaphore_mem>>)
      %dma_wait3A = arith.constant 0 : i32
      %dma_wait3A_15 = arith.constant 0 : i32
      %dma_wait3A_16 = tpu.memref_slice %arg2[%add3A, %dma_wait3A, %dma_wait3A_15] : memref<32x8x64xi32, #tpu.memory_space<hbm>> -> memref<1x8x64xi32, #tpu.memory_space<hbm>>
      %dma_wait3A_17 = tpu.memref_squeeze %dma_wait3A_16 : memref<1x8x64xi32, #tpu.memory_space<hbm>> -> memref<8x64xi32, #tpu.memory_space<hbm>>
      %dma_wait3A_18 = arith.constant 0 : i32
      %dma_wait3A_19 = arith.constant 0 : i32
      %dma_wait3A_20 = tpu.memref_slice %arg2[%add3A, %dma_wait3A_18, %dma_wait3A_19] : memref<32x8x64xi32, #tpu.memory_space<hbm>> -> memref<1x8x64xi32, #tpu.memory_space<hbm>>
      %dma_wait3A_21 = tpu.memref_squeeze %dma_wait3A_20 : memref<1x8x64xi32, #tpu.memory_space<hbm>> -> memref<8x64xi32, #tpu.memory_space<hbm>>
      tpu.wait_dma2 semaphore(%run_scoped3A : memref<!tpu.dma_semaphore, #tpu.memory_space<semaphore_mem>>) src(%dma_wait3A_21 : memref<8x64xi32, #tpu.memory_space<hbm>>) dst(%arg10 : memref<8x64xi32, #tpu.memory_space<vmem>>)
      tpu.yield
    }) : () -> ()
    "tpu.region"() ({
      %run_scoped3A = tpu.sem_alloc : memref<!tpu.dma_semaphore, #tpu.memory_space<semaphore_mem>>
      %dma_start3A = arith.constant 0 : i32
      %dma_start3A_8 = arith.constant 0 : i32
      %dma_start3A_9 = tpu.memref_slice %arg3[%add3A, %dma_start3A, %dma_start3A_8] : memref<32x8x64xi32, #tpu.memory_space<hbm>> -> memref<1x8x64xi32, #tpu.memory_space<hbm>>
      %dma_start3A_10 = tpu.memref_squeeze %dma_start3A_9 : memref<1x8x64xi32, #tpu.memory_space<hbm>> -> memref<8x64xi32, #tpu.memory_space<hbm>>
      %dma_start3A_11 = arith.constant 0 : i32
      %dma_start3A_12 = arith.constant 0 : i32
      %dma_start3A_13 = tpu.memref_slice %arg3[%add3A, %dma_start3A_11, %dma_start3A_12] : memref<32x8x64xi32, #tpu.memory_space<hbm>> -> memref<1x8x64xi32, #tpu.memory_space<hbm>>
      %dma_start3A_14 = tpu.memref_squeeze %dma_start3A_13 : memref<1x8x64xi32, #tpu.memory_space<hbm>> -> memref<8x64xi32, #tpu.memory_space<hbm>>
      tpu.enqueue_dma source(%dma_start3A_14 : memref<8x64xi32, #tpu.memory_space<hbm>>) target(%arg11 : memref<8x64xi32, #tpu.memory_space<vmem>>) target_semaphore(%run_scoped3A : memref<!tpu.dma_semaphore, #tpu.memory_space<semaphore_mem>>)
      %dma_wait3A = arith.constant 0 : i32
      %dma_wait3A_15 = arith.constant 0 : i32
      %dma_wait3A_16 = tpu.memref_slice %arg3[%add3A, %dma_wait3A, %dma_wait3A_15] : memref<32x8x64xi32, #tpu.memory_space<hbm>> -> memref<1x8x64xi32, #tpu.memory_space<hbm>>
      %dma_wait3A_17 = tpu.memref_squeeze %dma_wait3A_16 : memref<1x8x64xi32, #tpu.memory_space<hbm>> -> memref<8x64xi32, #tpu.memory_space<hbm>>
      %dma_wait3A_18 = arith.constant 0 : i32
      %dma_wait3A_19 = arith.constant 0 : i32
      %dma_wait3A_20 = tpu.memref_slice %arg3[%add3A, %dma_wait3A_18, %dma_wait3A_19] : memref<32x8x64xi32, #tpu.memory_space<hbm>> -> memref<1x8x64xi32, #tpu.memory_space<hbm>>
      %dma_wait3A_21 = tpu.memref_squeeze %dma_wait3A_20 : memref<1x8x64xi32, #tpu.memory_space<hbm>> -> memref<8x64xi32, #tpu.memory_space<hbm>>
      tpu.wait_dma2 semaphore(%run_scoped3A : memref<!tpu.dma_semaphore, #tpu.memory_space<semaphore_mem>>) src(%dma_wait3A_21 : memref<8x64xi32, #tpu.memory_space<hbm>>) dst(%arg11 : memref<8x64xi32, #tpu.memory_space<vmem>>)
      tpu.yield
    }) : () -> ()
    "tpu.region"() ({
      %run_scoped3A = tpu.sem_alloc : memref<!tpu.dma_semaphore, #tpu.memory_space<semaphore_mem>>
      %dma_start3A = arith.constant 0 : i32
      %dma_start3A_8 = tpu.memref_slice %arg4[%add3A, %dma_start3A] : memref<32x512xi32, #tpu.memory_space<hbm>> -> memref<1x512xi32, #tpu.memory_space<hbm>>
      %dma_start3A_9 = tpu.memref_squeeze %dma_start3A_8 : memref<1x512xi32, #tpu.memory_space<hbm>> -> memref<512xi32, #tpu.memory_space<hbm>>
      %dma_start3A_10 = arith.constant 0 : i32
      %dma_start3A_11 = tpu.memref_slice %arg4[%add3A, %dma_start3A_10] : memref<32x512xi32, #tpu.memory_space<hbm>> -> memref<1x512xi32, #tpu.memory_space<hbm>>
      %dma_start3A_12 = tpu.memref_squeeze %dma_start3A_11 : memref<1x512xi32, #tpu.memory_space<hbm>> -> memref<512xi32, #tpu.memory_space<hbm>>
      tpu.enqueue_dma source(%dma_start3A_12 : memref<512xi32, #tpu.memory_space<hbm>>) target(%arg12 : memref<512xi32, #tpu.memory_space<vmem>>) target_semaphore(%run_scoped3A : memref<!tpu.dma_semaphore, #tpu.memory_space<semaphore_mem>>)
      %dma_wait3A = arith.constant 0 : i32
      %dma_wait3A_13 = tpu.memref_slice %arg4[%add3A, %dma_wait3A] : memref<32x512xi32, #tpu.memory_space<hbm>> -> memref<1x512xi32, #tpu.memory_space<hbm>>
      %dma_wait3A_14 = tpu.memref_squeeze %dma_wait3A_13 : memref<1x512xi32, #tpu.memory_space<hbm>> -> memref<512xi32, #tpu.memory_space<hbm>>
      %dma_wait3A_15 = arith.constant 0 : i32
      %dma_wait3A_16 = tpu.memref_slice %arg4[%add3A, %dma_wait3A_15] : memref<32x512xi32, #tpu.memory_space<hbm>> -> memref<1x512xi32, #tpu.memory_space<hbm>>
      %dma_wait3A_17 = tpu.memref_squeeze %dma_wait3A_16 : memref<1x512xi32, #tpu.memory_space<hbm>> -> memref<512xi32, #tpu.memory_space<hbm>>
      tpu.wait_dma2 semaphore(%run_scoped3A : memref<!tpu.dma_semaphore, #tpu.memory_space<semaphore_mem>>) src(%dma_wait3A_17 : memref<512xi32, #tpu.memory_space<hbm>>) dst(%arg12 : memref<512xi32, #tpu.memory_space<vmem>>)
      tpu.yield
    }) : () -> ()
    "tpu.region"() ({
      %run_scoped3A = tpu.sem_alloc : memref<!tpu.dma_semaphore, #tpu.memory_space<semaphore_mem>>
      %dma_start3A = arith.constant 0 : i32
      %dma_start3A_8 = tpu.memref_slice %arg5[%add3A, %dma_start3A] : memref<32x512xi32, #tpu.memory_space<hbm>> -> memref<1x512xi32, #tpu.memory_space<hbm>>
      %dma_start3A_9 = tpu.memref_squeeze %dma_start3A_8 : memref<1x512xi32, #tpu.memory_space<hbm>> -> memref<512xi32, #tpu.memory_space<hbm>>
      %dma_start3A_10 = arith.constant 0 : i32
      %dma_start3A_11 = tpu.memref_slice %arg5[%add3A, %dma_start3A_10] : memref<32x512xi32, #tpu.memory_space<hbm>> -> memref<1x512xi32, #tpu.memory_space<hbm>>
      %dma_start3A_12 = tpu.memref_squeeze %dma_start3A_11 : memref<1x512xi32, #tpu.memory_space<hbm>> -> memref<512xi32, #tpu.memory_space<hbm>>
      tpu.enqueue_dma source(%dma_start3A_12 : memref<512xi32, #tpu.memory_space<hbm>>) target(%arg13 : memref<512xi32, #tpu.memory_space<vmem>>) target_semaphore(%run_scoped3A : memref<!tpu.dma_semaphore, #tpu.memory_space<semaphore_mem>>)
      %dma_wait3A = arith.constant 0 : i32
      %dma_wait3A_13 = tpu.memref_slice %arg5[%add3A, %dma_wait3A] : memref<32x512xi32, #tpu.memory_space<hbm>> -> memref<1x512xi32, #tpu.memory_space<hbm>>
      %dma_wait3A_14 = tpu.memref_squeeze %dma_wait3A_13 : memref<1x512xi32, #tpu.memory_space<hbm>> -> memref<512xi32, #tpu.memory_space<hbm>>
      %dma_wait3A_15 = arith.constant 0 : i32
      %dma_wait3A_16 = tpu.memref_slice %arg5[%add3A, %dma_wait3A_15] : memref<32x512xi32, #tpu.memory_space<hbm>> -> memref<1x512xi32, #tpu.memory_space<hbm>>
      %dma_wait3A_17 = tpu.memref_squeeze %dma_wait3A_16 : memref<1x512xi32, #tpu.memory_space<hbm>> -> memref<512xi32, #tpu.memory_space<hbm>>
      tpu.wait_dma2 semaphore(%run_scoped3A : memref<!tpu.dma_semaphore, #tpu.memory_space<semaphore_mem>>) src(%dma_wait3A_17 : memref<512xi32, #tpu.memory_space<hbm>>) dst(%arg13 : memref<512xi32, #tpu.memory_space<vmem>>)
      tpu.yield
    }) : () -> ()
    %scan3A = arith.constant 0 : i32
    %scan3A_3 = arith.constant 0 : i32
    %scan3A_4 = arith.constant 8 : i32
    %scan3A_5 = arith.addi %scan3A_3, %scan3A_4 : i32
    %scan3A_6 = arith.constant 1 : i32
    scf.for %scan3A_8 = %scan3A_3 to %scan3A_5 step %scan3A_6  : i32 {
      %dma_start3A = arith.constant 0 : i32
      %dma_start3A_9 = tpu.memref_slice %arg10[%scan3A_8, %dma_start3A] : memref<8x64xi32, #tpu.memory_space<vmem>> -> memref<1x64xi32, #tpu.memory_space<vmem>>
      %dma_start3A_10 = tpu.memref_squeeze %dma_start3A_9 : memref<1x64xi32, #tpu.memory_space<vmem>> -> memref<64xi32, #tpu.memory_space<vmem>>
      %dma_start3A_11 = arith.constant 0 : i32
      %dma_start3A_12 = arith.constant 0 : i32
      %dma_start3A_13 = tpu.memref_slice %arg6[%dma_start3A_11, %dma_start3A_12] : memref<250000x128xf32, #tpu.memory_space<hbm>> -> memref<250000x128xf32, #tpu.memory_space<hbm>>
      tpu.enqueue_indirect_dma source(%dma_start3A_13 : memref<250000x128xf32, #tpu.memory_space<hbm>>) target(%arg14 : memref<64x128xf32, #tpu.memory_space<vmem>>) offsets(%dma_start3A_10 : memref<64xi32, #tpu.memory_space<vmem>>) semaphore(%arg19 : memref<!tpu.dma_semaphore, #tpu.memory_space<semaphore_mem>>)
      %dma_start3A_14 = arith.constant 0 : i32
      %dma_start3A_15 = tpu.memref_slice %arg11[%scan3A_8, %dma_start3A_14] : memref<8x64xi32, #tpu.memory_space<vmem>> -> memref<1x64xi32, #tpu.memory_space<vmem>>
      %dma_start3A_16 = tpu.memref_squeeze %dma_start3A_15 : memref<1x64xi32, #tpu.memory_space<vmem>> -> memref<64xi32, #tpu.memory_space<vmem>>
      %dma_start3A_17 = arith.constant 0 : i32
      %dma_start3A_18 = arith.constant 0 : i32
      %dma_start3A_19 = tpu.memref_slice %arg6[%dma_start3A_17, %dma_start3A_18] : memref<250000x128xf32, #tpu.memory_space<hbm>> -> memref<250000x128xf32, #tpu.memory_space<hbm>>
      tpu.enqueue_indirect_dma source(%dma_start3A_19 : memref<250000x128xf32, #tpu.memory_space<hbm>>) target(%arg15 : memref<64x128xf32, #tpu.memory_space<vmem>>) offsets(%dma_start3A_16 : memref<64xi32, #tpu.memory_space<vmem>>) semaphore(%arg19 : memref<!tpu.dma_semaphore, #tpu.memory_space<semaphore_mem>>)
      %dma_start3A_20 = arith.constant 0 : i32
      %dma_start3A_21 = tpu.memref_slice %arg10[%scan3A_8, %dma_start3A_20] : memref<8x64xi32, #tpu.memory_space<vmem>> -> memref<1x64xi32, #tpu.memory_space<vmem>>
      %dma_start3A_22 = tpu.memref_squeeze %dma_start3A_21 : memref<1x64xi32, #tpu.memory_space<vmem>> -> memref<64xi32, #tpu.memory_space<vmem>>
      %dma_start3A_23 = arith.constant 0 : i32
      %dma_start3A_24 = arith.constant 0 : i32
      %dma_start3A_25 = tpu.memref_slice %arg7[%dma_start3A_23, %dma_start3A_24] : memref<250000x128xf32, #tpu.memory_space<hbm>> -> memref<250000x128xf32, #tpu.memory_space<hbm>>
      tpu.enqueue_indirect_dma source(%dma_start3A_25 : memref<250000x128xf32, #tpu.memory_space<hbm>>) target(%arg16 : memref<64x128xf32, #tpu.memory_space<vmem>>) offsets(%dma_start3A_22 : memref<64xi32, #tpu.memory_space<vmem>>) semaphore(%arg19 : memref<!tpu.dma_semaphore, #tpu.memory_space<semaphore_mem>>)
      %dma_start3A_26 = arith.constant 0 : i32
      %dma_start3A_27 = tpu.memref_slice %arg11[%scan3A_8, %dma_start3A_26] : memref<8x64xi32, #tpu.memory_space<vmem>> -> memref<1x64xi32, #tpu.memory_space<vmem>>
      %dma_start3A_28 = tpu.memref_squeeze %dma_start3A_27 : memref<1x64xi32, #tpu.memory_space<vmem>> -> memref<64xi32, #tpu.memory_space<vmem>>
      %dma_start3A_29 = arith.constant 0 : i32
      %dma_start3A_30 = arith.constant 0 : i32
      %dma_start3A_31 = tpu.memref_slice %arg8[%dma_start3A_29, %dma_start3A_30] : memref<250000x128xf32, #tpu.memory_space<hbm>> -> memref<250000x128xf32, #tpu.memory_space<hbm>>
      tpu.enqueue_indirect_dma source(%dma_start3A_31 : memref<250000x128xf32, #tpu.memory_space<hbm>>) target(%arg17 : memref<64x128xf32, #tpu.memory_space<vmem>>) offsets(%dma_start3A_28 : memref<64xi32, #tpu.memory_space<vmem>>) semaphore(%arg19 : memref<!tpu.dma_semaphore, #tpu.memory_space<semaphore_mem>>)
      %dma_wait3A = arith.constant 0 : i32
      %dma_wait3A_32 = tpu.memref_slice %arg10[%scan3A_8, %dma_wait3A] : memref<8x64xi32, #tpu.memory_space<vmem>> -> memref<1x64xi32, #tpu.memory_space<vmem>>
      %dma_wait3A_33 = tpu.memref_squeeze %dma_wait3A_32 : memref<1x64xi32, #tpu.memory_space<vmem>> -> memref<64xi32, #tpu.memory_space<vmem>>
      %dma_wait3A_34 = arith.constant 0 : i32
      %dma_wait3A_35 = arith.constant 0 : i32
      %dma_wait3A_36 = tpu.memref_slice %arg6[%dma_wait3A_34, %dma_wait3A_35] : memref<250000x128xf32, #tpu.memory_space<hbm>> -> memref<250000x128xf32, #tpu.memory_space<hbm>>
      tpu.wait_indirect_dma semaphore(%arg19 : memref<!tpu.dma_semaphore, #tpu.memory_space<semaphore_mem>>) src(%dma_wait3A_36 : memref<250000x128xf32, #tpu.memory_space<hbm>>) dst(%arg14 : memref<64x128xf32, #tpu.memory_space<vmem>>)
      %dma_wait3A_37 = arith.constant 0 : i32
      %dma_wait3A_38 = tpu.memref_slice %arg11[%scan3A_8, %dma_wait3A_37] : memref<8x64xi32, #tpu.memory_space<vmem>> -> memref<1x64xi32, #tpu.memory_space<vmem>>
      %dma_wait3A_39 = tpu.memref_squeeze %dma_wait3A_38 : memref<1x64xi32, #tpu.memory_space<vmem>> -> memref<64xi32, #tpu.memory_space<vmem>>
      %dma_wait3A_40 = arith.constant 0 : i32
      %dma_wait3A_41 = arith.constant 0 : i32
      %dma_wait3A_42 = tpu.memref_slice %arg6[%dma_wait3A_40, %dma_wait3A_41] : memref<250000x128xf32, #tpu.memory_space<hbm>> -> memref<250000x128xf32, #tpu.memory_space<hbm>>
      tpu.wait_indirect_dma semaphore(%arg19 : memref<!tpu.dma_semaphore, #tpu.memory_space<semaphore_mem>>) src(%dma_wait3A_42 : memref<250000x128xf32, #tpu.memory_space<hbm>>) dst(%arg15 : memref<64x128xf32, #tpu.memory_space<vmem>>)
      %dma_wait3A_43 = arith.constant 0 : i32
      %dma_wait3A_44 = tpu.memref_slice %arg10[%scan3A_8, %dma_wait3A_43] : memref<8x64xi32, #tpu.memory_space<vmem>> -> memref<1x64xi32, #tpu.memory_space<vmem>>
      %dma_wait3A_45 = tpu.memref_squeeze %dma_wait3A_44 : memref<1x64xi32, #tpu.memory_space<vmem>> -> memref<64xi32, #tpu.memory_space<vmem>>
      %dma_wait3A_46 = arith.constant 0 : i32
      %dma_wait3A_47 = arith.constant 0 : i32
      %dma_wait3A_48 = tpu.memref_slice %arg7[%dma_wait3A_46, %dma_wait3A_47] : memref<250000x128xf32, #tpu.memory_space<hbm>> -> memref<250000x128xf32, #tpu.memory_space<hbm>>
      tpu.wait_indirect_dma semaphore(%arg19 : memref<!tpu.dma_semaphore, #tpu.memory_space<semaphore_mem>>) src(%dma_wait3A_48 : memref<250000x128xf32, #tpu.memory_space<hbm>>) dst(%arg16 : memref<64x128xf32, #tpu.memory_space<vmem>>)
      %dma_wait3A_49 = arith.constant 0 : i32
      %dma_wait3A_50 = tpu.memref_slice %arg11[%scan3A_8, %dma_wait3A_49] : memref<8x64xi32, #tpu.memory_space<vmem>> -> memref<1x64xi32, #tpu.memory_space<vmem>>
      %dma_wait3A_51 = tpu.memref_squeeze %dma_wait3A_50 : memref<1x64xi32, #tpu.memory_space<vmem>> -> memref<64xi32, #tpu.memory_space<vmem>>
      %dma_wait3A_52 = arith.constant 0 : i32
      %dma_wait3A_53 = arith.constant 0 : i32
      %dma_wait3A_54 = tpu.memref_slice %arg8[%dma_wait3A_52, %dma_wait3A_53] : memref<250000x128xf32, #tpu.memory_space<hbm>> -> memref<250000x128xf32, #tpu.memory_space<hbm>>
      tpu.wait_indirect_dma semaphore(%arg19 : memref<!tpu.dma_semaphore, #tpu.memory_space<semaphore_mem>>) src(%dma_wait3A_54 : memref<250000x128xf32, #tpu.memory_space<hbm>>) dst(%arg17 : memref<64x128xf32, #tpu.memory_space<vmem>>)
      %mul3A_55 = arith.constant 64 : i32
      %mul3A_56 = arith.muli %scan3A_8, %mul3A_55 : i32
      %add3A_57 = arith.constant 0 : i32
      %add3A_58 = arith.addi %mul3A_56, %add3A_57 : i32
      %iota3A = tpu.iota {dimensions = array<i32: 0>} : vector<16xi32>
      %add3A_59 = arith.constant 0 : i32
      %add3A_60 = vector.broadcast %add3A_59 : i32 to vector<16xi32>
      %add3A_61 = arith.addi %add3A_60, %iota3A : vector<16xi32>
      %get3A = arith.index_cast %add3A_58 : i32 to index
      %get3A_62 = tpu.vector_load %arg12[%get3A] {strides = array<i32>} : memref<512xi32, #tpu.memory_space<vmem>>, vector<16xi32>,
      %get3A_63 = arith.index_cast %add3A_58 : i32 to index
      %get3A_64 = tpu.vector_load %arg13[%get3A_63] {strides = array<i32>} : memref<512xi32, #tpu.memory_space<vmem>>, vector<16xi32>,
      %broadcast_in_dim3A = arith.constant 0.000000e+00 : f32
      %broadcast_in_dim3A_65 = vector.broadcast %broadcast_in_dim3A : f32 to vector<16xf32>
      %add3A_66 = arith.constant 0 : i32
      %add3A_67 = vector.broadcast %add3A_66 : i32 to vector<16xi32>
      %add3A_68 = arith.addi %get3A_62, %add3A_67 : vector<16xi32>
      %add3A_69 = arith.constant 0 : i32
      %add3A_70 = vector.broadcast %add3A_69 : i32 to vector<16xi32>
      %add3A_71 = arith.addi %get3A_64, %add3A_70 : vector<16xi32>
      %gather3A = tpu.vector_load_idx %arg14[%add3A_61, %add3A_68] : memref<64x128xf32, #tpu.memory_space<vmem>>[vector<16xi32>, vector<16xi32>], vector<16xf32>,
      %gather3A_72 = tpu.vector_load_idx %arg15[%add3A_61, %add3A_71] : memref<64x128xf32, #tpu.memory_space<vmem>>[vector<16xi32>, vector<16xi32>], vector<16xf32>,
      %gather3A_73 = tpu.vector_load_idx %arg16[%add3A_61, %add3A_68] : memref<64x128xf32, #tpu.memory_space<vmem>>[vector<16xi32>, vector<16xi32>], vector<16xf32>,
      %gather3A_74 = tpu.vector_load_idx %arg17[%add3A_61, %add3A_71] : memref<64x128xf32, #tpu.memory_space<vmem>>[vector<16xi32>, vector<16xi32>], vector<16xf32>,
      %mul3A_75 = arith.mulf %gather3A, %gather3A_72 : vector<16xf32>
      %add3A_76 = arith.addf %broadcast_in_dim3A_65, %mul3A_75 : vector<16xf32>
      %mul3A_77 = arith.mulf %gather3A_73, %gather3A_74 : vector<16xf32>
      %add3A_78 = arith.addf %add3A_76, %mul3A_77 : vector<16xf32>
      %add3A_79 = arith.constant 1 : i32
      %add3A_80 = vector.broadcast %add3A_79 : i32 to vector<16xi32>
      %add3A_81 = arith.addi %get3A_62, %add3A_80 : vector<16xi32>
      %add3A_82 = arith.constant 1 : i32
      %add3A_83 = vector.broadcast %add3A_82 : i32 to vector<16xi32>
      %add3A_84 = arith.addi %get3A_64, %add3A_83 : vector<16xi32>
      %gather3A_85 = tpu.vector_load_idx %arg14[%add3A_61, %add3A_81] : memref<64x128xf32, #tpu.memory_space<vmem>>[vector<16xi32>, vector<16xi32>], vector<16xf32>,
      %gather3A_86 = tpu.vector_load_idx %arg15[%add3A_61, %add3A_84] : memref<64x128xf32, #tpu.memory_space<vmem>>[vector<16xi32>, vector<16xi32>], vector<16xf32>,
      %gather3A_87 = tpu.vector_load_idx %arg16[%add3A_61, %add3A_81] : memref<64x128xf32, #tpu.memory_space<vmem>>[vector<16xi32>, vector<16xi32>], vector<16xf32>,
      %gather3A_88 = tpu.vector_load_idx %arg17[%add3A_61, %add3A_84] : memref<64x128xf32, #tpu.memory_space<vmem>>[vector<16xi32>, vector<16xi32>], vector<16xf32>,
      %mul3A_89 = arith.mulf %gather3A_85, %gather3A_86 : vector<16xf32>
      %add3A_90 = arith.addf %add3A_78, %mul3A_89 : vector<16xf32>
      %mul3A_91 = arith.mulf %gather3A_87, %gather3A_88 : vector<16xf32>
      %add3A_92 = arith.addf %add3A_90, %mul3A_91 : vector<16xf32>
      %add3A_93 = arith.constant 2 : i32
      %add3A_94 = vector.broadcast %add3A_93 : i32 to vector<16xi32>
      %add3A_95 = arith.addi %get3A_62, %add3A_94 : vector<16xi32>
      %add3A_96 = arith.constant 2 : i32
      %add3A_97 = vector.broadcast %add3A_96 : i32 to vector<16xi32>
      %add3A_98 = arith.addi %get3A_64, %add3A_97 : vector<16xi32>
      %gather3A_99 = tpu.vector_load_idx %arg14[%add3A_61, %add3A_95] : memref<64x128xf32, #tpu.memory_space<vmem>>[vector<16xi32>, vector<16xi32>], vector<16xf32>,
      %gather3A_100 = tpu.vector_load_idx %arg15[%add3A_61, %add3A_98] : memref<64x128xf32, #tpu.memory_space<vmem>>[vector<16xi32>, vector<16xi32>], vector<16xf32>,
      %gather3A_101 = tpu.vector_load_idx %arg16[%add3A_61, %add3A_95] : memref<64x128xf32, #tpu.memory_space<vmem>>[vector<16xi32>, vector<16xi32>], vector<16xf32>,
      %gather3A_102 = tpu.vector_load_idx %arg17[%add3A_61, %add3A_98] : memref<64x128xf32, #tpu.memory_space<vmem>>[vector<16xi32>, vector<16xi32>], vector<16xf32>,
      %mul3A_103 = arith.mulf %gather3A_99, %gather3A_100 : vector<16xf32>
      %add3A_104 = arith.addf %add3A_92, %mul3A_103 : vector<16xf32>
      %mul3A_105 = arith.mulf %gather3A_101, %gather3A_102 : vector<16xf32>
      %add3A_106 = arith.addf %add3A_104, %mul3A_105 : vector<16xf32>
      %add3A_107 = arith.constant 3 : i32
      %add3A_108 = vector.broadcast %add3A_107 : i32 to vector<16xi32>
      %add3A_109 = arith.addi %get3A_62, %add3A_108 : vector<16xi32>
      %add3A_110 = arith.constant 3 : i32
      %add3A_111 = vector.broadcast %add3A_110 : i32 to vector<16xi32>
      %add3A_112 = arith.addi %get3A_64, %add3A_111 : vector<16xi32>
      %gather3A_113 = tpu.vector_load_idx %arg14[%add3A_61, %add3A_109] : memref<64x128xf32, #tpu.memory_space<vmem>>[vector<16xi32>, vector<16xi32>], vector<16xf32>,
      %gather3A_114 = tpu.vector_load_idx %arg15[%add3A_61, %add3A_112] : memref<64x128xf32, #tpu.memory_space<vmem>>[vector<16xi32>, vector<16xi32>], vector<16xf32>,
      %gather3A_115 = tpu.vector_load_idx %arg16[%add3A_61, %add3A_109] : memref<64x128xf32, #tpu.memory_space<vmem>>[vector<16xi32>, vector<16xi32>], vector<16xf32>,
      %gather3A_116 = tpu.vector_load_idx %arg17[%add3A_61, %add3A_112] : memref<64x128xf32, #tpu.memory_space<vmem>>[vector<16xi32>, vector<16xi32>], vector<16xf32>,
      %mul3A_117 = arith.mulf %gather3A_113, %gather3A_114 : vector<16xf32>
      %add3A_118 = arith.addf %add3A_106, %mul3A_117 : vector<16xf32>
      %mul3A_119 = arith.mulf %gather3A_115, %gather3A_116 : vector<16xf32>
      %add3A_120 = arith.addf %add3A_118, %mul3A_119 : vector<16xf32>
      %add3A_121 = arith.constant 4 : i32
      %add3A_122 = vector.broadcast %add3A_121 : i32 to vector<16xi32>
      %add3A_123 = arith.addi %get3A_62, %add3A_122 : vector<16xi32>
      %add3A_124 = arith.constant 4 : i32
      %add3A_125 = vector.broadcast %add3A_124 : i32 to vector<16xi32>
      %add3A_126 = arith.addi %get3A_64, %add3A_125 : vector<16xi32>
      %gather3A_127 = tpu.vector_load_idx %arg14[%add3A_61, %add3A_123] : memref<64x128xf32, #tpu.memory_space<vmem>>[vector<16xi32>, vector<16xi32>], vector<16xf32>,
      %gather3A_128 = tpu.vector_load_idx %arg15[%add3A_61, %add3A_126] : memref<64x128xf32, #tpu.memory_space<vmem>>[vector<16xi32>, vector<16xi32>], vector<16xf32>,
      %gather3A_129 = tpu.vector_load_idx %arg16[%add3A_61, %add3A_123] : memref<64x128xf32, #tpu.memory_space<vmem>>[vector<16xi32>, vector<16xi32>], vector<16xf32>,
      %gather3A_130 = tpu.vector_load_idx %arg17[%add3A_61, %add3A_126] : memref<64x128xf32, #tpu.memory_space<vmem>>[vector<16xi32>, vector<16xi32>], vector<16xf32>,
      %mul3A_131 = arith.mulf %gather3A_127, %gather3A_128 : vector<16xf32>
      %add3A_132 = arith.addf %add3A_120, %mul3A_131 : vector<16xf32>
      %mul3A_133 = arith.mulf %gather3A_129, %gather3A_130 : vector<16xf32>
      %add3A_134 = arith.addf %add3A_132, %mul3A_133 : vector<16xf32>
      %add3A_135 = arith.constant 5 : i32
      %add3A_136 = vector.broadcast %add3A_135 : i32 to vector<16xi32>
      %add3A_137 = arith.addi %get3A_62, %add3A_136 : vector<16xi32>
      %add3A_138 = arith.constant 5 : i32
      %add3A_139 = vector.broadcast %add3A_138 : i32 to vector<16xi32>
      %add3A_140 = arith.addi %get3A_64, %add3A_139 : vector<16xi32>
      %gather3A_141 = tpu.vector_load_idx %arg14[%add3A_61, %add3A_137] : memref<64x128xf32, #tpu.memory_space<vmem>>[vector<16xi32>, vector<16xi32>], vector<16xf32>,
      %gather3A_142 = tpu.vector_load_idx %arg15[%add3A_61, %add3A_140] : memref<64x128xf32, #tpu.memory_space<vmem>>[vector<16xi32>, vector<16xi32>], vector<16xf32>,
      %gather3A_143 = tpu.vector_load_idx %arg16[%add3A_61, %add3A_137] : memref<64x128xf32, #tpu.memory_space<vmem>>[vector<16xi32>, vector<16xi32>], vector<16xf32>,
      %gather3A_144 = tpu.vector_load_idx %arg17[%add3A_61, %add3A_140] : memref<64x128xf32, #tpu.memory_space<vmem>>[vector<16xi32>, vector<16xi32>], vector<16xf32>,
      %mul3A_145 = arith.mulf %gather3A_141, %gather3A_142 : vector<16xf32>
      %add3A_146 = arith.addf %add3A_134, %mul3A_145 : vector<16xf32>
      %mul3A_147 = arith.mulf %gather3A_143, %gather3A_144 : vector<16xf32>
      %add3A_148 = arith.addf %add3A_146, %mul3A_147 : vector<16xf32>
      %add3A_149 = arith.constant 6 : i32
      %add3A_150 = vector.broadcast %add3A_149 : i32 to vector<16xi32>
      %add3A_151 = arith.addi %get3A_62, %add3A_150 : vector<16xi32>
      %add3A_152 = arith.constant 6 : i32
      %add3A_153 = vector.broadcast %add3A_152 : i32 to vector<16xi32>
      %add3A_154 = arith.addi %get3A_64, %add3A_153 : vector<16xi32>
      %gather3A_155 = tpu.vector_load_idx %arg14[%add3A_61, %add3A_151] : memref<64x128xf32, #tpu.memory_space<vmem>>[vector<16xi32>, vector<16xi32>], vector<16xf32>,
      %gather3A_156 = tpu.vector_load_idx %arg15[%add3A_61, %add3A_154] : memref<64x128xf32, #tpu.memory_space<vmem>>[vector<16xi32>, vector<16xi32>], vector<16xf32>,
      %gather3A_157 = tpu.vector_load_idx %arg16[%add3A_61, %add3A_151] : memref<64x128xf32, #tpu.memory_space<vmem>>[vector<16xi32>, vector<16xi32>], vector<16xf32>,
      %gather3A_158 = tpu.vector_load_idx %arg17[%add3A_61, %add3A_154] : memref<64x128xf32, #tpu.memory_space<vmem>>[vector<16xi32>, vector<16xi32>], vector<16xf32>,
      %mul3A_159 = arith.mulf %gather3A_155, %gather3A_156 : vector<16xf32>
      %add3A_160 = arith.addf %add3A_148, %mul3A_159 : vector<16xf32>
      %mul3A_161 = arith.mulf %gather3A_157, %gather3A_158 : vector<16xf32>
      %add3A_162 = arith.addf %add3A_160, %mul3A_161 : vector<16xf32>
      %add3A_163 = arith.constant 7 : i32
      %add3A_164 = vector.broadcast %add3A_163 : i32 to vector<16xi32>
      %add3A_165 = arith.addi %get3A_62, %add3A_164 : vector<16xi32>
      %add3A_166 = arith.constant 7 : i32
      %add3A_167 = vector.broadcast %add3A_166 : i32 to vector<16xi32>
      %add3A_168 = arith.addi %get3A_64, %add3A_167 : vector<16xi32>
      %gather3A_169 = tpu.vector_load_idx %arg14[%add3A_61, %add3A_165] : memref<64x128xf32, #tpu.memory_space<vmem>>[vector<16xi32>, vector<16xi32>], vector<16xf32>,
      %gather3A_170 = tpu.vector_load_idx %arg15[%add3A_61, %add3A_168] : memref<64x128xf32, #tpu.memory_space<vmem>>[vector<16xi32>, vector<16xi32>], vector<16xf32>,
      %gather3A_171 = tpu.vector_load_idx %arg16[%add3A_61, %add3A_165] : memref<64x128xf32, #tpu.memory_space<vmem>>[vector<16xi32>, vector<16xi32>], vector<16xf32>,
      %gather3A_172 = tpu.vector_load_idx %arg17[%add3A_61, %add3A_168] : memref<64x128xf32, #tpu.memory_space<vmem>>[vector<16xi32>, vector<16xi32>], vector<16xf32>,
      %mul3A_173 = arith.mulf %gather3A_169, %gather3A_170 : vector<16xf32>
      %add3A_174 = arith.addf %add3A_162, %mul3A_173 : vector<16xf32>
      %mul3A_175 = arith.mulf %gather3A_171, %gather3A_172 : vector<16xf32>
      %add3A_176 = arith.addf %add3A_174, %mul3A_175 : vector<16xf32>
      %add3A_177 = arith.constant 8 : i32
      %add3A_178 = vector.broadcast %add3A_177 : i32 to vector<16xi32>
      %add3A_179 = arith.addi %get3A_62, %add3A_178 : vector<16xi32>
      %add3A_180 = arith.constant 8 : i32
      %add3A_181 = vector.broadcast %add3A_180 : i32 to vector<16xi32>
      %add3A_182 = arith.addi %get3A_64, %add3A_181 : vector<16xi32>
      %gather3A_183 = tpu.vector_load_idx %arg14[%add3A_61, %add3A_179] : memref<64x128xf32, #tpu.memory_space<vmem>>[vector<16xi32>, vector<16xi32>], vector<16xf32>,
      %gather3A_184 = tpu.vector_load_idx %arg15[%add3A_61, %add3A_182] : memref<64x128xf32, #tpu.memory_space<vmem>>[vector<16xi32>, vector<16xi32>], vector<16xf32>,
      %gather3A_185 = tpu.vector_load_idx %arg16[%add3A_61, %add3A_179] : memref<64x128xf32, #tpu.memory_space<vmem>>[vector<16xi32>, vector<16xi32>], vector<16xf32>,
      %gather3A_186 = tpu.vector_load_idx %arg17[%add3A_61, %add3A_182] : memref<64x128xf32, #tpu.memory_space<vmem>>[vector<16xi32>, vector<16xi32>], vector<16xf32>,
      %mul3A_187 = arith.mulf %gather3A_183, %gather3A_184 : vector<16xf32>
      %add3A_188 = arith.addf %add3A_176, %mul3A_187 : vector<16xf32>
      %mul3A_189 = arith.mulf %gather3A_185, %gather3A_186 : vector<16xf32>
      %add3A_190 = arith.addf %add3A_188, %mul3A_189 : vector<16xf32>
      %add3A_191 = arith.constant 9 : i32
      %add3A_192 = vector.broadcast %add3A_191 : i32 to vector<16xi32>
      %add3A_193 = arith.addi %get3A_62, %add3A_192 : vector<16xi32>
      %add3A_194 = arith.constant 9 : i32
      %add3A_195 = vector.broadcast %add3A_194 : i32 to vector<16xi32>
      %add3A_196 = arith.addi %get3A_64, %add3A_195 : vector<16xi32>
      %gather3A_197 = tpu.vector_load_idx %arg14[%add3A_61, %add3A_193] : memref<64x128xf32, #tpu.memory_space<vmem>>[vector<16xi32>, vector<16xi32>], vector<16xf32>,
      %gather3A_198 = tpu.vector_load_idx %arg15[%add3A_61, %add3A_196] : memref<64x128xf32, #tpu.memory_space<vmem>>[vector<16xi32>, vector<16xi32>], vector<16xf32>,
      %gather3A_199 = tpu.vector_load_idx %arg16[%add3A_61, %add3A_193] : memref<64x128xf32, #tpu.memory_space<vmem>>[vector<16xi32>, vector<16xi32>], vector<16xf32>,
      %gather3A_200 = tpu.vector_load_idx %arg17[%add3A_61, %add3A_196] : memref<64x128xf32, #tpu.memory_space<vmem>>[vector<16xi32>, vector<16xi32>], vector<16xf32>,
      %mul3A_201 = arith.mulf %gather3A_197, %gather3A_198 : vector<16xf32>
      %add3A_202 = arith.addf %add3A_190, %mul3A_201 : vector<16xf32>
      %mul3A_203 = arith.mulf %gather3A_199, %gather3A_200 : vector<16xf32>
      %add3A_204 = arith.addf %add3A_202, %mul3A_203 : vector<16xf32>
      %add3A_205 = arith.constant 10 : i32
      %add3A_206 = vector.broadcast %add3A_205 : i32 to vector<16xi32>
      %add3A_207 = arith.addi %get3A_62, %add3A_206 : vector<16xi32>
      %add3A_208 = arith.constant 10 : i32
      %add3A_209 = vector.broadcast %add3A_208 : i32 to vector<16xi32>
      %add3A_210 = arith.addi %get3A_64, %add3A_209 : vector<16xi32>
      %gather3A_211 = tpu.vector_load_idx %arg14[%add3A_61, %add3A_207] : memref<64x128xf32, #tpu.memory_space<vmem>>[vector<16xi32>, vector<16xi32>], vector<16xf32>,
      %gather3A_212 = tpu.vector_load_idx %arg15[%add3A_61, %add3A_210] : memref<64x128xf32, #tpu.memory_space<vmem>>[vector<16xi32>, vector<16xi32>], vector<16xf32>,
      %gather3A_213 = tpu.vector_load_idx %arg16[%add3A_61, %add3A_207] : memref<64x128xf32, #tpu.memory_space<vmem>>[vector<16xi32>, vector<16xi32>], vector<16xf32>,
      %gather3A_214 = tpu.vector_load_idx %arg17[%add3A_61, %add3A_210] : memref<64x128xf32, #tpu.memory_space<vmem>>[vector<16xi32>, vector<16xi32>], vector<16xf32>,
      %mul3A_215 = arith.mulf %gather3A_211, %gather3A_212 : vector<16xf32>
      %add3A_216 = arith.addf %add3A_204, %mul3A_215 : vector<16xf32>
      %mul3A_217 = arith.mulf %gather3A_213, %gather3A_214 : vector<16xf32>
      %add3A_218 = arith.addf %add3A_216, %mul3A_217 : vector<16xf32>
      %add3A_219 = arith.constant 11 : i32
      %add3A_220 = vector.broadcast %add3A_219 : i32 to vector<16xi32>
      %add3A_221 = arith.addi %get3A_62, %add3A_220 : vector<16xi32>
      %add3A_222 = arith.constant 11 : i32
      %add3A_223 = vector.broadcast %add3A_222 : i32 to vector<16xi32>
      %add3A_224 = arith.addi %get3A_64, %add3A_223 : vector<16xi32>
      %gather3A_225 = tpu.vector_load_idx %arg14[%add3A_61, %add3A_221] : memref<64x128xf32, #tpu.memory_space<vmem>>[vector<16xi32>, vector<16xi32>], vector<16xf32>,
      %gather3A_226 = tpu.vector_load_idx %arg15[%add3A_61, %add3A_224] : memref<64x128xf32, #tpu.memory_space<vmem>>[vector<16xi32>, vector<16xi32>], vector<16xf32>,
      %gather3A_227 = tpu.vector_load_idx %arg16[%add3A_61, %add3A_221] : memref<64x128xf32, #tpu.memory_space<vmem>>[vector<16xi32>, vector<16xi32>], vector<16xf32>,
      %gather3A_228 = tpu.vector_load_idx %arg17[%add3A_61, %add3A_224] : memref<64x128xf32, #tpu.memory_space<vmem>>[vector<16xi32>, vector<16xi32>], vector<16xf32>,
      %mul3A_229 = arith.mulf %gather3A_225, %gather3A_226 : vector<16xf32>
      %add3A_230 = arith.addf %add3A_218, %mul3A_229 : vector<16xf32>
      %mul3A_231 = arith.mulf %gather3A_227, %gather3A_228 : vector<16xf32>
      %add3A_232 = arith.addf %add3A_230, %mul3A_231 : vector<16xf32>
      %add3A_233 = arith.constant 12 : i32
      %add3A_234 = vector.broadcast %add3A_233 : i32 to vector<16xi32>
      %add3A_235 = arith.addi %get3A_62, %add3A_234 : vector<16xi32>
      %add3A_236 = arith.constant 12 : i32
      %add3A_237 = vector.broadcast %add3A_236 : i32 to vector<16xi32>
      %add3A_238 = arith.addi %get3A_64, %add3A_237 : vector<16xi32>
      %gather3A_239 = tpu.vector_load_idx %arg14[%add3A_61, %add3A_235] : memref<64x128xf32, #tpu.memory_space<vmem>>[vector<16xi32>, vector<16xi32>], vector<16xf32>,
      %gather3A_240 = tpu.vector_load_idx %arg15[%add3A_61, %add3A_238] : memref<64x128xf32, #tpu.memory_space<vmem>>[vector<16xi32>, vector<16xi32>], vector<16xf32>,
      %gather3A_241 = tpu.vector_load_idx %arg16[%add3A_61, %add3A_235] : memref<64x128xf32, #tpu.memory_space<vmem>>[vector<16xi32>, vector<16xi32>], vector<16xf32>,
      %gather3A_242 = tpu.vector_load_idx %arg17[%add3A_61, %add3A_238] : memref<64x128xf32, #tpu.memory_space<vmem>>[vector<16xi32>, vector<16xi32>], vector<16xf32>,
      %mul3A_243 = arith.mulf %gather3A_239, %gather3A_240 : vector<16xf32>
      %add3A_244 = arith.addf %add3A_232, %mul3A_243 : vector<16xf32>
      %mul3A_245 = arith.mulf %gather3A_241, %gather3A_242 : vector<16xf32>
      %add3A_246 = arith.addf %add3A_244, %mul3A_245 : vector<16xf32>
      %add3A_247 = arith.constant 13 : i32
      %add3A_248 = vector.broadcast %add3A_247 : i32 to vector<16xi32>
      %add3A_249 = arith.addi %get3A_62, %add3A_248 : vector<16xi32>
      %add3A_250 = arith.constant 13 : i32
      %add3A_251 = vector.broadcast %add3A_250 : i32 to vector<16xi32>
      %add3A_252 = arith.addi %get3A_64, %add3A_251 : vector<16xi32>
      %gather3A_253 = tpu.vector_load_idx %arg14[%add3A_61, %add3A_249] : memref<64x128xf32, #tpu.memory_space<vmem>>[vector<16xi32>, vector<16xi32>], vector<16xf32>,
      %gather3A_254 = tpu.vector_load_idx %arg15[%add3A_61, %add3A_252] : memref<64x128xf32, #tpu.memory_space<vmem>>[vector<16xi32>, vector<16xi32>], vector<16xf32>,
      %gather3A_255 = tpu.vector_load_idx %arg16[%add3A_61, %add3A_249] : memref<64x128xf32, #tpu.memory_space<vmem>>[vector<16xi32>, vector<16xi32>], vector<16xf32>,
      %gather3A_256 = tpu.vector_load_idx %arg17[%add3A_61, %add3A_252] : memref<64x128xf32, #tpu.memory_space<vmem>>[vector<16xi32>, vector<16xi32>], vector<16xf32>,
      %mul3A_257 = arith.mulf %gather3A_253, %gather3A_254 : vector<16xf32>
      %add3A_258 = arith.addf %add3A_246, %mul3A_257 : vector<16xf32>
      %mul3A_259 = arith.mulf %gather3A_255, %gather3A_256 : vector<16xf32>
      %add3A_260 = arith.addf %add3A_258, %mul3A_259 : vector<16xf32>
      %add3A_261 = arith.constant 14 : i32
      %add3A_262 = vector.broadcast %add3A_261 : i32 to vector<16xi32>
      %add3A_263 = arith.addi %get3A_62, %add3A_262 : vector<16xi32>
      %add3A_264 = arith.constant 14 : i32
      %add3A_265 = vector.broadcast %add3A_264 : i32 to vector<16xi32>
      %add3A_266 = arith.addi %get3A_64, %add3A_265 : vector<16xi32>
      %gather3A_267 = tpu.vector_load_idx %arg14[%add3A_61, %add3A_263] : memref<64x128xf32, #tpu.memory_space<vmem>>[vector<16xi32>, vector<16xi32>], vector<16xf32>,
      %gather3A_268 = tpu.vector_load_idx %arg15[%add3A_61, %add3A_266] : memref<64x128xf32, #tpu.memory_space<vmem>>[vector<16xi32>, vector<16xi32>], vector<16xf32>,
      %gather3A_269 = tpu.vector_load_idx %arg16[%add3A_61, %add3A_263] : memref<64x128xf32, #tpu.memory_space<vmem>>[vector<16xi32>, vector<16xi32>], vector<16xf32>,
      %gather3A_270 = tpu.vector_load_idx %arg17[%add3A_61, %add3A_266] : memref<64x128xf32, #tpu.memory_space<vmem>>[vector<16xi32>, vector<16xi32>], vector<16xf32>,
      %mul3A_271 = arith.mulf %gather3A_267, %gather3A_268 : vector<16xf32>
      %add3A_272 = arith.addf %add3A_260, %mul3A_271 : vector<16xf32>
      %mul3A_273 = arith.mulf %gather3A_269, %gather3A_270 : vector<16xf32>
      %add3A_274 = arith.addf %add3A_272, %mul3A_273 : vector<16xf32>
      %add3A_275 = arith.constant 15 : i32
      %add3A_276 = vector.broadcast %add3A_275 : i32 to vector<16xi32>
      %add3A_277 = arith.addi %get3A_62, %add3A_276 : vector<16xi32>
      %add3A_278 = arith.constant 15 : i32
      %add3A_279 = vector.broadcast %add3A_278 : i32 to vector<16xi32>
      %add3A_280 = arith.addi %get3A_64, %add3A_279 : vector<16xi32>
      %gather3A_281 = tpu.vector_load_idx %arg14[%add3A_61, %add3A_277] : memref<64x128xf32, #tpu.memory_space<vmem>>[vector<16xi32>, vector<16xi32>], vector<16xf32>,
      %gather3A_282 = tpu.vector_load_idx %arg15[%add3A_61, %add3A_280] : memref<64x128xf32, #tpu.memory_space<vmem>>[vector<16xi32>, vector<16xi32>], vector<16xf32>,
      %gather3A_283 = tpu.vector_load_idx %arg16[%add3A_61, %add3A_277] : memref<64x128xf32, #tpu.memory_space<vmem>>[vector<16xi32>, vector<16xi32>], vector<16xf32>,
      %gather3A_284 = tpu.vector_load_idx %arg17[%add3A_61, %add3A_280] : memref<64x128xf32, #tpu.memory_space<vmem>>[vector<16xi32>, vector<16xi32>], vector<16xf32>,
      %mul3A_285 = arith.mulf %gather3A_281, %gather3A_282 : vector<16xf32>
      %add3A_286 = arith.addf %add3A_274, %mul3A_285 : vector<16xf32>
      %mul3A_287 = arith.mulf %gather3A_283, %gather3A_284 : vector<16xf32>
      %add3A_288 = arith.addf %add3A_286, %mul3A_287 : vector<16xf32>
      %add3A_289 = arith.constant 16 : i32
      %add3A_290 = vector.broadcast %add3A_289 : i32 to vector<16xi32>
      %add3A_291 = arith.addi %get3A_62, %add3A_290 : vector<16xi32>
      %add3A_292 = arith.constant 16 : i32
      %add3A_293 = vector.broadcast %add3A_292 : i32 to vector<16xi32>
      %add3A_294 = arith.addi %get3A_64, %add3A_293 : vector<16xi32>
      %gather3A_295 = tpu.vector_load_idx %arg14[%add3A_61, %add3A_291] : memref<64x128xf32, #tpu.memory_space<vmem>>[vector<16xi32>, vector<16xi32>], vector<16xf32>,
      %gather3A_296 = tpu.vector_load_idx %arg15[%add3A_61, %add3A_294] : memref<64x128xf32, #tpu.memory_space<vmem>>[vector<16xi32>, vector<16xi32>], vector<16xf32>,
      %gather3A_297 = tpu.vector_load_idx %arg16[%add3A_61, %add3A_291] : memref<64x128xf32, #tpu.memory_space<vmem>>[vector<16xi32>, vector<16xi32>], vector<16xf32>,
      %gather3A_298 = tpu.vector_load_idx %arg17[%add3A_61, %add3A_294] : memref<64x128xf32, #tpu.memory_space<vmem>>[vector<16xi32>, vector<16xi32>], vector<16xf32>,
      %mul3A_299 = arith.mulf %gather3A_295, %gather3A_296 : vector<16xf32>
      %add3A_300 = arith.addf %add3A_288, %mul3A_299 : vector<16xf32>
      %mul3A_301 = arith.mulf %gather3A_297, %gather3A_298 : vector<16xf32>
      %add3A_302 = arith.addf %add3A_300, %mul3A_301 : vector<16xf32>
      %add3A_303 = arith.constant 17 : i32
      %add3A_304 = vector.broadcast %add3A_303 : i32 to vector<16xi32>
      %add3A_305 = arith.addi %get3A_62, %add3A_304 : vector<16xi32>
      %add3A_306 = arith.constant 17 : i32
      %add3A_307 = vector.broadcast %add3A_306 : i32 to vector<16xi32>
      %add3A_308 = arith.addi %get3A_64, %add3A_307 : vector<16xi32>
      %gather3A_309 = tpu.vector_load_idx %arg14[%add3A_61, %add3A_305] : memref<64x128xf32, #tpu.memory_space<vmem>>[vector<16xi32>, vector<16xi32>], vector<16xf32>,
      %gather3A_310 = tpu.vector_load_idx %arg15[%add3A_61, %add3A_308] : memref<64x128xf32, #tpu.memory_space<vmem>>[vector<16xi32>, vector<16xi32>], vector<16xf32>,
      %gather3A_311 = tpu.vector_load_idx %arg16[%add3A_61, %add3A_305] : memref<64x128xf32, #tpu.memory_space<vmem>>[vector<16xi32>, vector<16xi32>], vector<16xf32>,
      %gather3A_312 = tpu.vector_load_idx %arg17[%add3A_61, %add3A_308] : memref<64x128xf32, #tpu.memory_space<vmem>>[vector<16xi32>, vector<16xi32>], vector<16xf32>,
      %mul3A_313 = arith.mulf %gather3A_309, %gather3A_310 : vector<16xf32>
      %add3A_314 = arith.addf %add3A_302, %mul3A_313 : vector<16xf32>
      %mul3A_315 = arith.mulf %gather3A_311, %gather3A_312 : vector<16xf32>
      %add3A_316 = arith.addf %add3A_314, %mul3A_315 : vector<16xf32>
      %add3A_317 = arith.constant 18 : i32
      %add3A_318 = vector.broadcast %add3A_317 : i32 to vector<16xi32>
      %add3A_319 = arith.addi %get3A_62, %add3A_318 : vector<16xi32>
      %add3A_320 = arith.constant 18 : i32
      %add3A_321 = vector.broadcast %add3A_320 : i32 to vector<16xi32>
      %add3A_322 = arith.addi %get3A_64, %add3A_321 : vector<16xi32>
      %gather3A_323 = tpu.vector_load_idx %arg14[%add3A_61, %add3A_319] : memref<64x128xf32, #tpu.memory_space<vmem>>[vector<16xi32>, vector<16xi32>], vector<16xf32>,
      %gather3A_324 = tpu.vector_load_idx %arg15[%add3A_61, %add3A_322] : memref<64x128xf32, #tpu.memory_space<vmem>>[vector<16xi32>, vector<16xi32>], vector<16xf32>,
      %gather3A_325 = tpu.vector_load_idx %arg16[%add3A_61, %add3A_319] : memref<64x128xf32, #tpu.memory_space<vmem>>[vector<16xi32>, vector<16xi32>], vector<16xf32>,
      %gather3A_326 = tpu.vector_load_idx %arg17[%add3A_61, %add3A_322] : memref<64x128xf32, #tpu.memory_space<vmem>>[vector<16xi32>, vector<16xi32>], vector<16xf32>,
      %mul3A_327 = arith.mulf %gather3A_323, %gather3A_324 : vector<16xf32>
      %add3A_328 = arith.addf %add3A_316, %mul3A_327 : vector<16xf32>
      %mul3A_329 = arith.mulf %gather3A_325, %gather3A_326 : vector<16xf32>
      %add3A_330 = arith.addf %add3A_328, %mul3A_329 : vector<16xf32>
      %add3A_331 = arith.constant 19 : i32
      %add3A_332 = vector.broadcast %add3A_331 : i32 to vector<16xi32>
      %add3A_333 = arith.addi %get3A_62, %add3A_332 : vector<16xi32>
      %add3A_334 = arith.constant 19 : i32
      %add3A_335 = vector.broadcast %add3A_334 : i32 to vector<16xi32>
      %add3A_336 = arith.addi %get3A_64, %add3A_335 : vector<16xi32>
      %gather3A_337 = tpu.vector_load_idx %arg14[%add3A_61, %add3A_333] : memref<64x128xf32, #tpu.memory_space<vmem>>[vector<16xi32>, vector<16xi32>], vector<16xf32>,
      %gather3A_338 = tpu.vector_load_idx %arg15[%add3A_61, %add3A_336] : memref<64x128xf32, #tpu.memory_space<vmem>>[vector<16xi32>, vector<16xi32>], vector<16xf32>,
      %gather3A_339 = tpu.vector_load_idx %arg16[%add3A_61, %add3A_333] : memref<64x128xf32, #tpu.memory_space<vmem>>[vector<16xi32>, vector<16xi32>], vector<16xf32>,
      %gather3A_340 = tpu.vector_load_idx %arg17[%add3A_61, %add3A_336] : memref<64x128xf32, #tpu.memory_space<vmem>>[vector<16xi32>, vector<16xi32>], vector<16xf32>,
      %mul3A_341 = arith.mulf %gather3A_337, %gather3A_338 : vector<16xf32>
      %add3A_342 = arith.addf %add3A_330, %mul3A_341 : vector<16xf32>
      %mul3A_343 = arith.mulf %gather3A_339, %gather3A_340 : vector<16xf32>
      %add3A_344 = arith.addf %add3A_342, %mul3A_343 : vector<16xf32>
      %add3A_345 = arith.constant 20 : i32
      %add3A_346 = vector.broadcast %add3A_345 : i32 to vector<16xi32>
      %add3A_347 = arith.addi %get3A_62, %add3A_346 : vector<16xi32>
      %add3A_348 = arith.constant 20 : i32
      %add3A_349 = vector.broadcast %add3A_348 : i32 to vector<16xi32>
      %add3A_350 = arith.addi %get3A_64, %add3A_349 : vector<16xi32>
      %gather3A_351 = tpu.vector_load_idx %arg14[%add3A_61, %add3A_347] : memref<64x128xf32, #tpu.memory_space<vmem>>[vector<16xi32>, vector<16xi32>], vector<16xf32>,
      %gather3A_352 = tpu.vector_load_idx %arg15[%add3A_61, %add3A_350] : memref<64x128xf32, #tpu.memory_space<vmem>>[vector<16xi32>, vector<16xi32>], vector<16xf32>,
      %gather3A_353 = tpu.vector_load_idx %arg16[%add3A_61, %add3A_347] : memref<64x128xf32, #tpu.memory_space<vmem>>[vector<16xi32>, vector<16xi32>], vector<16xf32>,
      %gather3A_354 = tpu.vector_load_idx %arg17[%add3A_61, %add3A_350] : memref<64x128xf32, #tpu.memory_space<vmem>>[vector<16xi32>, vector<16xi32>], vector<16xf32>,
      %mul3A_355 = arith.mulf %gather3A_351, %gather3A_352 : vector<16xf32>
      %add3A_356 = arith.addf %add3A_344, %mul3A_355 : vector<16xf32>
      %mul3A_357 = arith.mulf %gather3A_353, %gather3A_354 : vector<16xf32>
      %add3A_358 = arith.addf %add3A_356, %mul3A_357 : vector<16xf32>
      %add3A_359 = arith.constant 21 : i32
      %add3A_360 = vector.broadcast %add3A_359 : i32 to vector<16xi32>
      %add3A_361 = arith.addi %get3A_62, %add3A_360 : vector<16xi32>
      %add3A_362 = arith.constant 21 : i32
      %add3A_363 = vector.broadcast %add3A_362 : i32 to vector<16xi32>
      %add3A_364 = arith.addi %get3A_64, %add3A_363 : vector<16xi32>
      %gather3A_365 = tpu.vector_load_idx %arg14[%add3A_61, %add3A_361] : memref<64x128xf32, #tpu.memory_space<vmem>>[vector<16xi32>, vector<16xi32>], vector<16xf32>,
      %gather3A_366 = tpu.vector_load_idx %arg15[%add3A_61, %add3A_364] : memref<64x128xf32, #tpu.memory_space<vmem>>[vector<16xi32>, vector<16xi32>], vector<16xf32>,
      %gather3A_367 = tpu.vector_load_idx %arg16[%add3A_61, %add3A_361] : memref<64x128xf32, #tpu.memory_space<vmem>>[vector<16xi32>, vector<16xi32>], vector<16xf32>,
      %gather3A_368 = tpu.vector_load_idx %arg17[%add3A_61, %add3A_364] : memref<64x128xf32, #tpu.memory_space<vmem>>[vector<16xi32>, vector<16xi32>], vector<16xf32>,
      %mul3A_369 = arith.mulf %gather3A_365, %gather3A_366 : vector<16xf32>
      %add3A_370 = arith.addf %add3A_358, %mul3A_369 : vector<16xf32>
      %mul3A_371 = arith.mulf %gather3A_367, %gather3A_368 : vector<16xf32>
      %add3A_372 = arith.addf %add3A_370, %mul3A_371 : vector<16xf32>
      %add3A_373 = arith.constant 22 : i32
      %add3A_374 = vector.broadcast %add3A_373 : i32 to vector<16xi32>
      %add3A_375 = arith.addi %get3A_62, %add3A_374 : vector<16xi32>
      %add3A_376 = arith.constant 22 : i32
      %add3A_377 = vector.broadcast %add3A_376 : i32 to vector<16xi32>
      %add3A_378 = arith.addi %get3A_64, %add3A_377 : vector<16xi32>
      %gather3A_379 = tpu.vector_load_idx %arg14[%add3A_61, %add3A_375] : memref<64x128xf32, #tpu.memory_space<vmem>>[vector<16xi32>, vector<16xi32>], vector<16xf32>,
      %gather3A_380 = tpu.vector_load_idx %arg15[%add3A_61, %add3A_378] : memref<64x128xf32, #tpu.memory_space<vmem>>[vector<16xi32>, vector<16xi32>], vector<16xf32>,
      %gather3A_381 = tpu.vector_load_idx %arg16[%add3A_61, %add3A_375] : memref<64x128xf32, #tpu.memory_space<vmem>>[vector<16xi32>, vector<16xi32>], vector<16xf32>,
      %gather3A_382 = tpu.vector_load_idx %arg17[%add3A_61, %add3A_378] : memref<64x128xf32, #tpu.memory_space<vmem>>[vector<16xi32>, vector<16xi32>], vector<16xf32>,
      %mul3A_383 = arith.mulf %gather3A_379, %gather3A_380 : vector<16xf32>
      %add3A_384 = arith.addf %add3A_372, %mul3A_383 : vector<16xf32>
      %mul3A_385 = arith.mulf %gather3A_381, %gather3A_382 : vector<16xf32>
      %add3A_386 = arith.addf %add3A_384, %mul3A_385 : vector<16xf32>
      %add3A_387 = arith.constant 23 : i32
      %add3A_388 = vector.broadcast %add3A_387 : i32 to vector<16xi32>
      %add3A_389 = arith.addi %get3A_62, %add3A_388 : vector<16xi32>
      %add3A_390 = arith.constant 23 : i32
      %add3A_391 = vector.broadcast %add3A_390 : i32 to vector<16xi32>
      %add3A_392 = arith.addi %get3A_64, %add3A_391 : vector<16xi32>
      %gather3A_393 = tpu.vector_load_idx %arg14[%add3A_61, %add3A_389] : memref<64x128xf32, #tpu.memory_space<vmem>>[vector<16xi32>, vector<16xi32>], vector<16xf32>,
      %gather3A_394 = tpu.vector_load_idx %arg15[%add3A_61, %add3A_392] : memref<64x128xf32, #tpu.memory_space<vmem>>[vector<16xi32>, vector<16xi32>], vector<16xf32>,
      %gather3A_395 = tpu.vector_load_idx %arg16[%add3A_61, %add3A_389] : memref<64x128xf32, #tpu.memory_space<vmem>>[vector<16xi32>, vector<16xi32>], vector<16xf32>,
      %gather3A_396 = tpu.vector_load_idx %arg17[%add3A_61, %add3A_392] : memref<64x128xf32, #tpu.memory_space<vmem>>[vector<16xi32>, vector<16xi32>], vector<16xf32>,
      %mul3A_397 = arith.mulf %gather3A_393, %gather3A_394 : vector<16xf32>
      %add3A_398 = arith.addf %add3A_386, %mul3A_397 : vector<16xf32>
      %mul3A_399 = arith.mulf %gather3A_395, %gather3A_396 : vector<16xf32>
      %add3A_400 = arith.addf %add3A_398, %mul3A_399 : vector<16xf32>
      %add3A_401 = arith.constant 24 : i32
      %add3A_402 = vector.broadcast %add3A_401 : i32 to vector<16xi32>
      %add3A_403 = arith.addi %get3A_62, %add3A_402 : vector<16xi32>
      %add3A_404 = arith.constant 24 : i32
      %add3A_405 = vector.broadcast %add3A_404 : i32 to vector<16xi32>
      %add3A_406 = arith.addi %get3A_64, %add3A_405 : vector<16xi32>
      %gather3A_407 = tpu.vector_load_idx %arg14[%add3A_61, %add3A_403] : memref<64x128xf32, #tpu.memory_space<vmem>>[vector<16xi32>, vector<16xi32>], vector<16xf32>,
      %gather3A_408 = tpu.vector_load_idx %arg15[%add3A_61, %add3A_406] : memref<64x128xf32, #tpu.memory_space<vmem>>[vector<16xi32>, vector<16xi32>], vector<16xf32>,
      %gather3A_409 = tpu.vector_load_idx %arg16[%add3A_61, %add3A_403] : memref<64x128xf32, #tpu.memory_space<vmem>>[vector<16xi32>, vector<16xi32>], vector<16xf32>,
      %gather3A_410 = tpu.vector_load_idx %arg17[%add3A_61, %add3A_406] : memref<64x128xf32, #tpu.memory_space<vmem>>[vector<16xi32>, vector<16xi32>], vector<16xf32>,
      %mul3A_411 = arith.mulf %gather3A_407, %gather3A_408 : vector<16xf32>
      %add3A_412 = arith.addf %add3A_400, %mul3A_411 : vector<16xf32>
      %mul3A_413 = arith.mulf %gather3A_409, %gather3A_410 : vector<16xf32>
      %add3A_414 = arith.addf %add3A_412, %mul3A_413 : vector<16xf32>
      %add3A_415 = arith.constant 25 : i32
      %add3A_416 = vector.broadcast %add3A_415 : i32 to vector<16xi32>
      %add3A_417 = arith.addi %get3A_62, %add3A_416 : vector<16xi32>
      %add3A_418 = arith.constant 25 : i32
      %add3A_419 = vector.broadcast %add3A_418 : i32 to vector<16xi32>
      %add3A_420 = arith.addi %get3A_64, %add3A_419 : vector<16xi32>
      %gather3A_421 = tpu.vector_load_idx %arg14[%add3A_61, %add3A_417] : memref<64x128xf32, #tpu.memory_space<vmem>>[vector<16xi32>, vector<16xi32>], vector<16xf32>,
      %gather3A_422 = tpu.vector_load_idx %arg15[%add3A_61, %add3A_420] : memref<64x128xf32, #tpu.memory_space<vmem>>[vector<16xi32>, vector<16xi32>], vector<16xf32>,
      %gather3A_423 = tpu.vector_load_idx %arg16[%add3A_61, %add3A_417] : memref<64x128xf32, #tpu.memory_space<vmem>>[vector<16xi32>, vector<16xi32>], vector<16xf32>,
      %gather3A_424 = tpu.vector_load_idx %arg17[%add3A_61, %add3A_420] : memref<64x128xf32, #tpu.memory_space<vmem>>[vector<16xi32>, vector<16xi32>], vector<16xf32>,
      %mul3A_425 = arith.mulf %gather3A_421, %gather3A_422 : vector<16xf32>
      %add3A_426 = arith.addf %add3A_414, %mul3A_425 : vector<16xf32>
      %mul3A_427 = arith.mulf %gather3A_423, %gather3A_424 : vector<16xf32>
      %add3A_428 = arith.addf %add3A_426, %mul3A_427 : vector<16xf32>
      %add3A_429 = arith.constant 26 : i32
      %add3A_430 = vector.broadcast %add3A_429 : i32 to vector<16xi32>
      %add3A_431 = arith.addi %get3A_62, %add3A_430 : vector<16xi32>
      %add3A_432 = arith.constant 26 : i32
      %add3A_433 = vector.broadcast %add3A_432 : i32 to vector<16xi32>
      %add3A_434 = arith.addi %get3A_64, %add3A_433 : vector<16xi32>
      %gather3A_435 = tpu.vector_load_idx %arg14[%add3A_61, %add3A_431] : memref<64x128xf32, #tpu.memory_space<vmem>>[vector<16xi32>, vector<16xi32>], vector<16xf32>,
      %gather3A_436 = tpu.vector_load_idx %arg15[%add3A_61, %add3A_434] : memref<64x128xf32, #tpu.memory_space<vmem>>[vector<16xi32>, vector<16xi32>], vector<16xf32>,
      %gather3A_437 = tpu.vector_load_idx %arg16[%add3A_61, %add3A_431] : memref<64x128xf32, #tpu.memory_space<vmem>>[vector<16xi32>, vector<16xi32>], vector<16xf32>,
      %gather3A_438 = tpu.vector_load_idx %arg17[%add3A_61, %add3A_434] : memref<64x128xf32, #tpu.memory_space<vmem>>[vector<16xi32>, vector<16xi32>], vector<16xf32>,
      %mul3A_439 = arith.mulf %gather3A_435, %gather3A_436 : vector<16xf32>
      %add3A_440 = arith.addf %add3A_428, %mul3A_439 : vector<16xf32>
      %mul3A_441 = arith.mulf %gather3A_437, %gather3A_438 : vector<16xf32>
      %add3A_442 = arith.addf %add3A_440, %mul3A_441 : vector<16xf32>
      %add3A_443 = arith.constant 27 : i32
      %add3A_444 = vector.broadcast %add3A_443 : i32 to vector<16xi32>
      %add3A_445 = arith.addi %get3A_62, %add3A_444 : vector<16xi32>
      %add3A_446 = arith.constant 27 : i32
      %add3A_447 = vector.broadcast %add3A_446 : i32 to vector<16xi32>
      %add3A_448 = arith.addi %get3A_64, %add3A_447 : vector<16xi32>
      %gather3A_449 = tpu.vector_load_idx %arg14[%add3A_61, %add3A_445] : memref<64x128xf32, #tpu.memory_space<vmem>>[vector<16xi32>, vector<16xi32>], vector<16xf32>,
      %gather3A_450 = tpu.vector_load_idx %arg15[%add3A_61, %add3A_448] : memref<64x128xf32, #tpu.memory_space<vmem>>[vector<16xi32>, vector<16xi32>], vector<16xf32>,
      %gather3A_451 = tpu.vector_load_idx %arg16[%add3A_61, %add3A_445] : memref<64x128xf32, #tpu.memory_space<vmem>>[vector<16xi32>, vector<16xi32>], vector<16xf32>,
      %gather3A_452 = tpu.vector_load_idx %arg17[%add3A_61, %add3A_448] : memref<64x128xf32, #tpu.memory_space<vmem>>[vector<16xi32>, vector<16xi32>], vector<16xf32>,
      %mul3A_453 = arith.mulf %gather3A_449, %gather3A_450 : vector<16xf32>
      %add3A_454 = arith.addf %add3A_442, %mul3A_453 : vector<16xf32>
      %mul3A_455 = arith.mulf %gather3A_451, %gather3A_452 : vector<16xf32>
      %add3A_456 = arith.addf %add3A_454, %mul3A_455 : vector<16xf32>
      %add3A_457 = arith.constant 28 : i32
      %add3A_458 = vector.broadcast %add3A_457 : i32 to vector<16xi32>
      %add3A_459 = arith.addi %get3A_62, %add3A_458 : vector<16xi32>
      %add3A_460 = arith.constant 28 : i32
      %add3A_461 = vector.broadcast %add3A_460 : i32 to vector<16xi32>
      %add3A_462 = arith.addi %get3A_64, %add3A_461 : vector<16xi32>
      %gather3A_463 = tpu.vector_load_idx %arg14[%add3A_61, %add3A_459] : memref<64x128xf32, #tpu.memory_space<vmem>>[vector<16xi32>, vector<16xi32>], vector<16xf32>,
      %gather3A_464 = tpu.vector_load_idx %arg15[%add3A_61, %add3A_462] : memref<64x128xf32, #tpu.memory_space<vmem>>[vector<16xi32>, vector<16xi32>], vector<16xf32>,
      %gather3A_465 = tpu.vector_load_idx %arg16[%add3A_61, %add3A_459] : memref<64x128xf32, #tpu.memory_space<vmem>>[vector<16xi32>, vector<16xi32>], vector<16xf32>,
      %gather3A_466 = tpu.vector_load_idx %arg17[%add3A_61, %add3A_462] : memref<64x128xf32, #tpu.memory_space<vmem>>[vector<16xi32>, vector<16xi32>], vector<16xf32>,
      %mul3A_467 = arith.mulf %gather3A_463, %gather3A_464 : vector<16xf32>
      %add3A_468 = arith.addf %add3A_456, %mul3A_467 : vector<16xf32>
      %mul3A_469 = arith.mulf %gather3A_465, %gather3A_466 : vector<16xf32>
      %add3A_470 = arith.addf %add3A_468, %mul3A_469 : vector<16xf32>
      %add3A_471 = arith.constant 29 : i32
      %add3A_472 = vector.broadcast %add3A_471 : i32 to vector<16xi32>
      %add3A_473 = arith.addi %get3A_62, %add3A_472 : vector<16xi32>
      %add3A_474 = arith.constant 29 : i32
      %add3A_475 = vector.broadcast %add3A_474 : i32 to vector<16xi32>
      %add3A_476 = arith.addi %get3A_64, %add3A_475 : vector<16xi32>
      %gather3A_477 = tpu.vector_load_idx %arg14[%add3A_61, %add3A_473] : memref<64x128xf32, #tpu.memory_space<vmem>>[vector<16xi32>, vector<16xi32>], vector<16xf32>,
      %gather3A_478 = tpu.vector_load_idx %arg15[%add3A_61, %add3A_476] : memref<64x128xf32, #tpu.memory_space<vmem>>[vector<16xi32>, vector<16xi32>], vector<16xf32>,
      %gather3A_479 = tpu.vector_load_idx %arg16[%add3A_61, %add3A_473] : memref<64x128xf32, #tpu.memory_space<vmem>>[vector<16xi32>, vector<16xi32>], vector<16xf32>,
      %gather3A_480 = tpu.vector_load_idx %arg17[%add3A_61, %add3A_476] : memref<64x128xf32, #tpu.memory_space<vmem>>[vector<16xi32>, vector<16xi32>], vector<16xf32>,
      %mul3A_481 = arith.mulf %gather3A_477, %gather3A_478 : vector<16xf32>
      %add3A_482 = arith.addf %add3A_470, %mul3A_481 : vector<16xf32>
      %mul3A_483 = arith.mulf %gather3A_479, %gather3A_480 : vector<16xf32>
      %add3A_484 = arith.addf %add3A_482, %mul3A_483 : vector<16xf32>
      %add3A_485 = arith.constant 30 : i32
      %add3A_486 = vector.broadcast %add3A_485 : i32 to vector<16xi32>
      %add3A_487 = arith.addi %get3A_62, %add3A_486 : vector<16xi32>
      %add3A_488 = arith.constant 30 : i32
      %add3A_489 = vector.broadcast %add3A_488 : i32 to vector<16xi32>
      %add3A_490 = arith.addi %get3A_64, %add3A_489 : vector<16xi32>
      %gather3A_491 = tpu.vector_load_idx %arg14[%add3A_61, %add3A_487] : memref<64x128xf32, #tpu.memory_space<vmem>>[vector<16xi32>, vector<16xi32>], vector<16xf32>,
      %gather3A_492 = tpu.vector_load_idx %arg15[%add3A_61, %add3A_490] : memref<64x128xf32, #tpu.memory_space<vmem>>[vector<16xi32>, vector<16xi32>], vector<16xf32>,
      %gather3A_493 = tpu.vector_load_idx %arg16[%add3A_61, %add3A_487] : memref<64x128xf32, #tpu.memory_space<vmem>>[vector<16xi32>, vector<16xi32>], vector<16xf32>,
      %gather3A_494 = tpu.vector_load_idx %arg17[%add3A_61, %add3A_490] : memref<64x128xf32, #tpu.memory_space<vmem>>[vector<16xi32>, vector<16xi32>], vector<16xf32>,
      %mul3A_495 = arith.mulf %gather3A_491, %gather3A_492 : vector<16xf32>
      %add3A_496 = arith.addf %add3A_484, %mul3A_495 : vector<16xf32>
      %mul3A_497 = arith.mulf %gather3A_493, %gather3A_494 : vector<16xf32>
      %add3A_498 = arith.addf %add3A_496, %mul3A_497 : vector<16xf32>
      %add3A_499 = arith.constant 31 : i32
      %add3A_500 = vector.broadcast %add3A_499 : i32 to vector<16xi32>
      %add3A_501 = arith.addi %get3A_62, %add3A_500 : vector<16xi32>
      %add3A_502 = arith.constant 31 : i32
      %add3A_503 = vector.broadcast %add3A_502 : i32 to vector<16xi32>
      %add3A_504 = arith.addi %get3A_64, %add3A_503 : vector<16xi32>
      %gather3A_505 = tpu.vector_load_idx %arg14[%add3A_61, %add3A_501] : memref<64x128xf32, #tpu.memory_space<vmem>>[vector<16xi32>, vector<16xi32>], vector<16xf32>,
      %gather3A_506 = tpu.vector_load_idx %arg15[%add3A_61, %add3A_504] : memref<64x128xf32, #tpu.memory_space<vmem>>[vector<16xi32>, vector<16xi32>], vector<16xf32>,
      %gather3A_507 = tpu.vector_load_idx %arg16[%add3A_61, %add3A_501] : memref<64x128xf32, #tpu.memory_space<vmem>>[vector<16xi32>, vector<16xi32>], vector<16xf32>,
      %gather3A_508 = tpu.vector_load_idx %arg17[%add3A_61, %add3A_504] : memref<64x128xf32, #tpu.memory_space<vmem>>[vector<16xi32>, vector<16xi32>], vector<16xf32>,
      %mul3A_509 = arith.mulf %gather3A_505, %gather3A_506 : vector<16xf32>
      %add3A_510 = arith.addf %add3A_498, %mul3A_509 : vector<16xf32>
      %mul3A_511 = arith.mulf %gather3A_507, %gather3A_508 : vector<16xf32>
      %add3A_512 = arith.addf %add3A_510, %mul3A_511 : vector<16xf32>
      %swap3A = arith.index_cast %add3A_58 : i32 to index
      %swap3A_513 = tpu.vector_load %arg18[%swap3A] {strides = array<i32>} : memref<512xf32, #tpu.memory_space<vmem>>, vector<16xf32>,
      tpu.vector_store %arg18[%swap3A], %add3A_512 {strides = array<i32>} : memref<512xf32, #tpu.memory_space<vmem>>, vector<16xf32>,
      %mul3A_514 = arith.constant 64 : i32
      %mul3A_515 = arith.muli %scan3A_8, %mul3A_514 : i32
      %add3A_516 = arith.constant 16 : i32
      %add3A_517 = arith.addi %mul3A_515, %add3A_516 : i32
      %iota3A_518 = tpu.iota {dimensions = array<i32: 0>} : vector<16xi32>
      %add3A_519 = arith.constant 16 : i32
      %add3A_520 = vector.broadcast %add3A_519 : i32 to vector<16xi32>
      %add3A_521 = arith.addi %add3A_520, %iota3A_518 : vector<16xi32>
      %get3A_522 = arith.index_cast %add3A_517 : i32 to index
      %get3A_523 = tpu.vector_load %arg12[%get3A_522] {strides = array<i32>} : memref<512xi32, #tpu.memory_space<vmem>>, vector<16xi32>,
      %get3A_524 = arith.index_cast %add3A_517 : i32 to index
      %get3A_525 = tpu.vector_load %arg13[%get3A_524] {strides = array<i32>} : memref<512xi32, #tpu.memory_space<vmem>>, vector<16xi32>,
      %broadcast_in_dim3A_526 = arith.constant 0.000000e+00 : f32
      %broadcast_in_dim3A_527 = vector.broadcast %broadcast_in_dim3A_526 : f32 to vector<16xf32>
      %add3A_528 = arith.constant 0 : i32
      %add3A_529 = vector.broadcast %add3A_528 : i32 to vector<16xi32>
      %add3A_530 = arith.addi %get3A_523, %add3A_529 : vector<16xi32>
      %add3A_531 = arith.constant 0 : i32
      %add3A_532 = vector.broadcast %add3A_531 : i32 to vector<16xi32>
      %add3A_533 = arith.addi %get3A_525, %add3A_532 : vector<16xi32>
      %gather3A_534 = tpu.vector_load_idx %arg14[%add3A_521, %add3A_530] : memref<64x128xf32, #tpu.memory_space<vmem>>[vector<16xi32>, vector<16xi32>], vector<16xf32>,
      %gather3A_535 = tpu.vector_load_idx %arg15[%add3A_521, %add3A_533] : memref<64x128xf32, #tpu.memory_space<vmem>>[vector<16xi32>, vector<16xi32>], vector<16xf32>,
      %gather3A_536 = tpu.vector_load_idx %arg16[%add3A_521, %add3A_530] : memref<64x128xf32, #tpu.memory_space<vmem>>[vector<16xi32>, vector<16xi32>], vector<16xf32>,
      %gather3A_537 = tpu.vector_load_idx %arg17[%add3A_521, %add3A_533] : memref<64x128xf32, #tpu.memory_space<vmem>>[vector<16xi32>, vector<16xi32>], vector<16xf32>,
      %mul3A_538 = arith.mulf %gather3A_534, %gather3A_535 : vector<16xf32>
      %add3A_539 = arith.addf %broadcast_in_dim3A_527, %mul3A_538 : vector<16xf32>
      %mul3A_540 = arith.mulf %gather3A_536, %gather3A_537 : vector<16xf32>
      %add3A_541 = arith.addf %add3A_539, %mul3A_540 : vector<16xf32>
      %add3A_542 = arith.constant 1 : i32
      %add3A_543 = vector.broadcast %add3A_542 : i32 to vector<16xi32>
      %add3A_544 = arith.addi %get3A_523, %add3A_543 : vector<16xi32>
      %add3A_545 = arith.constant 1 : i32
      %add3A_546 = vector.broadcast %add3A_545 : i32 to vector<16xi32>
      %add3A_547 = arith.addi %get3A_525, %add3A_546 : vector<16xi32>
      %gather3A_548 = tpu.vector_load_idx %arg14[%add3A_521, %add3A_544] : memref<64x128xf32, #tpu.memory_space<vmem>>[vector<16xi32>, vector<16xi32>], vector<16xf32>,
      %gather3A_549 = tpu.vector_load_idx %arg15[%add3A_521, %add3A_547] : memref<64x128xf32, #tpu.memory_space<vmem>>[vector<16xi32>, vector<16xi32>], vector<16xf32>,
      %gather3A_550 = tpu.vector_load_idx %arg16[%add3A_521, %add3A_544] : memref<64x128xf32, #tpu.memory_space<vmem>>[vector<16xi32>, vector<16xi32>], vector<16xf32>,
      %gather3A_551 = tpu.vector_load_idx %arg17[%add3A_521, %add3A_547] : memref<64x128xf32, #tpu.memory_space<vmem>>[vector<16xi32>, vector<16xi32>], vector<16xf32>,
      %mul3A_552 = arith.mulf %gather3A_548, %gather3A_549 : vector<16xf32>
      %add3A_553 = arith.addf %add3A_541, %mul3A_552 : vector<16xf32>
      %mul3A_554 = arith.mulf %gather3A_550, %gather3A_551 : vector<16xf32>
      %add3A_555 = arith.addf %add3A_553, %mul3A_554 : vector<16xf32>
      %add3A_556 = arith.constant 2 : i32
      %add3A_557 = vector.broadcast %add3A_556 : i32 to vector<16xi32>
      %add3A_558 = arith.addi %get3A_523, %add3A_557 : vector<16xi32>
      %add3A_559 = arith.constant 2 : i32
      %add3A_560 = vector.broadcast %add3A_559 : i32 to vector<16xi32>
      %add3A_561 = arith.addi %get3A_525, %add3A_560 : vector<16xi32>
      %gather3A_562 = tpu.vector_load_idx %arg14[%add3A_521, %add3A_558] : memref<64x128xf32, #tpu.memory_space<vmem>>[vector<16xi32>, vector<16xi32>], vector<16xf32>,
      %gather3A_563 = tpu.vector_load_idx %arg15[%add3A_521, %add3A_561] : memref<64x128xf32, #tpu.memory_space<vmem>>[vector<16xi32>, vector<16xi32>], vector<16xf32>,
      %gather3A_564 = tpu.vector_load_idx %arg16[%add3A_521, %add3A_558] : memref<64x128xf32, #tpu.memory_space<vmem>>[vector<16xi32>, vector<16xi32>], vector<16xf32>,
      %gather3A_565 = tpu.vector_load_idx %arg17[%add3A_521, %add3A_561] : memref<64x128xf32, #tpu.memory_space<vmem>>[vector<16xi32>, vector<16xi32>], vector<16xf32>,
      %mul3A_566 = arith.mulf %gather3A_562, %gather3A_563 : vector<16xf32>
      %add3A_567 = arith.addf %add3A_555, %mul3A_566 : vector<16xf32>
      %mul3A_568 = arith.mulf %gather3A_564, %gather3A_565 : vector<16xf32>
      %add3A_569 = arith.addf %add3A_567, %mul3A_568 : vector<16xf32>
      %add3A_570 = arith.constant 3 : i32
      %add3A_571 = vector.broadcast %add3A_570 : i32 to vector<16xi32>
      %add3A_572 = arith.addi %get3A_523, %add3A_571 : vector<16xi32>
      %add3A_573 = arith.constant 3 : i32
      %add3A_574 = vector.broadcast %add3A_573 : i32 to vector<16xi32>
      %add3A_575 = arith.addi %get3A_525, %add3A_574 : vector<16xi32>
      %gather3A_576 = tpu.vector_load_idx %arg14[%add3A_521, %add3A_572] : memref<64x128xf32, #tpu.memory_space<vmem>>[vector<16xi32>, vector<16xi32>], vector<16xf32>,
      %gather3A_577 = tpu.vector_load_idx %arg15[%add3A_521, %add3A_575] : memref<64x128xf32, #tpu.memory_space<vmem>>[vector<16xi32>, vector<16xi32>], vector<16xf32>,
      %gather3A_578 = tpu.vector_load_idx %arg16[%add3A_521, %add3A_572] : memref<64x128xf32, #tpu.memory_space<vmem>>[vector<16xi32>, vector<16xi32>], vector<16xf32>,
      %gather3A_579 = tpu.vector_load_idx %arg17[%add3A_521, %add3A_575] : memref<64x128xf32, #tpu.memory_space<vmem>>[vector<16xi32>, vector<16xi32>], vector<16xf32>,
      %mul3A_580 = arith.mulf %gather3A_576, %gather3A_577 : vector<16xf32>
      %add3A_581 = arith.addf %add3A_569, %mul3A_580 : vector<16xf32>
      %mul3A_582 = arith.mulf %gather3A_578, %gather3A_579 : vector<16xf32>
      %add3A_583 = arith.addf %add3A_581, %mul3A_582 : vector<16xf32>
      %add3A_584 = arith.constant 4 : i32
      %add3A_585 = vector.broadcast %add3A_584 : i32 to vector<16xi32>
      %add3A_586 = arith.addi %get3A_523, %add3A_585 : vector<16xi32>
      %add3A_587 = arith.constant 4 : i32
      %add3A_588 = vector.broadcast %add3A_587 : i32 to vector<16xi32>
      %add3A_589 = arith.addi %get3A_525, %add3A_588 : vector<16xi32>
      %gather3A_590 = tpu.vector_load_idx %arg14[%add3A_521, %add3A_586] : memref<64x128xf32, #tpu.memory_space<vmem>>[vector<16xi32>, vector<16xi32>], vector<16xf32>,
      %gather3A_591 = tpu.vector_load_idx %arg15[%add3A_521, %add3A_589] : memref<64x128xf32, #tpu.memory_space<vmem>>[vector<16xi32>, vector<16xi32>], vector<16xf32>,
      %gather3A_592 = tpu.vector_load_idx %arg16[%add3A_521, %add3A_586] : memref<64x128xf32, #tpu.memory_space<vmem>>[vector<16xi32>, vector<16xi32>], vector<16xf32>,
      %gather3A_593 = tpu.vector_load_idx %arg17[%add3A_521, %add3A_589] : memref<64x128xf32, #tpu.memory_space<vmem>>[vector<16xi32>, vector<16xi32>], vector<16xf32>,
      %mul3A_594 = arith.mulf %gather3A_590, %gather3A_591 : vector<16xf32>
      %add3A_595 = arith.addf %add3A_583, %mul3A_594 : vector<16xf32>
      %mul3A_596 = arith.mulf %gather3A_592, %gather3A_593 : vector<16xf32>
      %add3A_597 = arith.addf %add3A_595, %mul3A_596 : vector<16xf32>
      %add3A_598 = arith.constant 5 : i32
      %add3A_599 = vector.broadcast %add3A_598 : i32 to vector<16xi32>
      %add3A_600 = arith.addi %get3A_523, %add3A_599 : vector<16xi32>
      %add3A_601 = arith.constant 5 : i32
      %add3A_602 = vector.broadcast %add3A_601 : i32 to vector<16xi32>
      %add3A_603 = arith.addi %get3A_525, %add3A_602 : vector<16xi32>
      %gather3A_604 = tpu.vector_load_idx %arg14[%add3A_521, %add3A_600] : memref<64x128xf32, #tpu.memory_space<vmem>>[vector<16xi32>, vector<16xi32>], vector<16xf32>,
      %gather3A_605 = tpu.vector_load_idx %arg15[%add3A_521, %add3A_603] : memref<64x128xf32, #tpu.memory_space<vmem>>[vector<16xi32>, vector<16xi32>], vector<16xf32>,
      %gather3A_606 = tpu.vector_load_idx %arg16[%add3A_521, %add3A_600] : memref<64x128xf32, #tpu.memory_space<vmem>>[vector<16xi32>, vector<16xi32>], vector<16xf32>,
      %gather3A_607 = tpu.vector_load_idx %arg17[%add3A_521, %add3A_603] : memref<64x128xf32, #tpu.memory_space<vmem>>[vector<16xi32>, vector<16xi32>], vector<16xf32>,
      %mul3A_608 = arith.mulf %gather3A_604, %gather3A_605 : vector<16xf32>
      %add3A_609 = arith.addf %add3A_597, %mul3A_608 : vector<16xf32>
      %mul3A_610 = arith.mulf %gather3A_606, %gather3A_607 : vector<16xf32>
      %add3A_611 = arith.addf %add3A_609, %mul3A_610 : vector<16xf32>
      %add3A_612 = arith.constant 6 : i32
      %add3A_613 = vector.broadcast %add3A_612 : i32 to vector<16xi32>
      %add3A_614 = arith.addi %get3A_523, %add3A_613 : vector<16xi32>
      %add3A_615 = arith.constant 6 : i32
      %add3A_616 = vector.broadcast %add3A_615 : i32 to vector<16xi32>
      %add3A_617 = arith.addi %get3A_525, %add3A_616 : vector<16xi32>
      %gather3A_618 = tpu.vector_load_idx %arg14[%add3A_521, %add3A_614] : memref<64x128xf32, #tpu.memory_space<vmem>>[vector<16xi32>, vector<16xi32>], vector<16xf32>,
      %gather3A_619 = tpu.vector_load_idx %arg15[%add3A_521, %add3A_617] : memref<64x128xf32, #tpu.memory_space<vmem>>[vector<16xi32>, vector<16xi32>], vector<16xf32>,
      %gather3A_620 = tpu.vector_load_idx %arg16[%add3A_521, %add3A_614] : memref<64x128xf32, #tpu.memory_space<vmem>>[vector<16xi32>, vector<16xi32>], vector<16xf32>,
      %gather3A_621 = tpu.vector_load_idx %arg17[%add3A_521, %add3A_617] : memref<64x128xf32, #tpu.memory_space<vmem>>[vector<16xi32>, vector<16xi32>], vector<16xf32>,
      %mul3A_622 = arith.mulf %gather3A_618, %gather3A_619 : vector<16xf32>
      %add3A_623 = arith.addf %add3A_611, %mul3A_622 : vector<16xf32>
      %mul3A_624 = arith.mulf %gather3A_620, %gather3A_621 : vector<16xf32>
      %add3A_625 = arith.addf %add3A_623, %mul3A_624 : vector<16xf32>
      %add3A_626 = arith.constant 7 : i32
      %add3A_627 = vector.broadcast %add3A_626 : i32 to vector<16xi32>
      %add3A_628 = arith.addi %get3A_523, %add3A_627 : vector<16xi32>
      %add3A_629 = arith.constant 7 : i32
      %add3A_630 = vector.broadcast %add3A_629 : i32 to vector<16xi32>
      %add3A_631 = arith.addi %get3A_525, %add3A_630 : vector<16xi32>
      %gather3A_632 = tpu.vector_load_idx %arg14[%add3A_521, %add3A_628] : memref<64x128xf32, #tpu.memory_space<vmem>>[vector<16xi32>, vector<16xi32>], vector<16xf32>,
      %gather3A_633 = tpu.vector_load_idx %arg15[%add3A_521, %add3A_631] : memref<64x128xf32, #tpu.memory_space<vmem>>[vector<16xi32>, vector<16xi32>], vector<16xf32>,
      %gather3A_634 = tpu.vector_load_idx %arg16[%add3A_521, %add3A_628] : memref<64x128xf32, #tpu.memory_space<vmem>>[vector<16xi32>, vector<16xi32>], vector<16xf32>,
      %gather3A_635 = tpu.vector_load_idx %arg17[%add3A_521, %add3A_631] : memref<64x128xf32, #tpu.memory_space<vmem>>[vector<16xi32>, vector<16xi32>], vector<16xf32>,
      %mul3A_636 = arith.mulf %gather3A_632, %gather3A_633 : vector<16xf32>
      %add3A_637 = arith.addf %add3A_625, %mul3A_636 : vector<16xf32>
      %mul3A_638 = arith.mulf %gather3A_634, %gather3A_635 : vector<16xf32>
      %add3A_639 = arith.addf %add3A_637, %mul3A_638 : vector<16xf32>
      %add3A_640 = arith.constant 8 : i32
      %add3A_641 = vector.broadcast %add3A_640 : i32 to vector<16xi32>
      %add3A_642 = arith.addi %get3A_523, %add3A_641 : vector<16xi32>
      %add3A_643 = arith.constant 8 : i32
      %add3A_644 = vector.broadcast %add3A_643 : i32 to vector<16xi32>
      %add3A_645 = arith.addi %get3A_525, %add3A_644 : vector<16xi32>
      %gather3A_646 = tpu.vector_load_idx %arg14[%add3A_521, %add3A_642] : memref<64x128xf32, #tpu.memory_space<vmem>>[vector<16xi32>, vector<16xi32>], vector<16xf32>,
      %gather3A_647 = tpu.vector_load_idx %arg15[%add3A_521, %add3A_645] : memref<64x128xf32, #tpu.memory_space<vmem>>[vector<16xi32>, vector<16xi32>], vector<16xf32>,
      %gather3A_648 = tpu.vector_load_idx %arg16[%add3A_521, %add3A_642] : memref<64x128xf32, #tpu.memory_space<vmem>>[vector<16xi32>, vector<16xi32>], vector<16xf32>,
      %gather3A_649 = tpu.vector_load_idx %arg17[%add3A_521, %add3A_645] : memref<64x128xf32, #tpu.memory_space<vmem>>[vector<16xi32>, vector<16xi32>], vector<16xf32>,
      %mul3A_650 = arith.mulf %gather3A_646, %gather3A_647 : vector<16xf32>
      %add3A_651 = arith.addf %add3A_639, %mul3A_650 : vector<16xf32>
      %mul3A_652 = arith.mulf %gather3A_648, %gather3A_649 : vector<16xf32>
      %add3A_653 = arith.addf %add3A_651, %mul3A_652 : vector<16xf32>
      %add3A_654 = arith.constant 9 : i32
      %add3A_655 = vector.broadcast %add3A_654 : i32 to vector<16xi32>
      %add3A_656 = arith.addi %get3A_523, %add3A_655 : vector<16xi32>
      %add3A_657 = arith.constant 9 : i32
      %add3A_658 = vector.broadcast %add3A_657 : i32 to vector<16xi32>
      %add3A_659 = arith.addi %get3A_525, %add3A_658 : vector<16xi32>
      %gather3A_660 = tpu.vector_load_idx %arg14[%add3A_521, %add3A_656] : memref<64x128xf32, #tpu.memory_space<vmem>>[vector<16xi32>, vector<16xi32>], vector<16xf32>,
      %gather3A_661 = tpu.vector_load_idx %arg15[%add3A_521, %add3A_659] : memref<64x128xf32, #tpu.memory_space<vmem>>[vector<16xi32>, vector<16xi32>], vector<16xf32>,
      %gather3A_662 = tpu.vector_load_idx %arg16[%add3A_521, %add3A_656] : memref<64x128xf32, #tpu.memory_space<vmem>>[vector<16xi32>, vector<16xi32>], vector<16xf32>,
      %gather3A_663 = tpu.vector_load_idx %arg17[%add3A_521, %add3A_659] : memref<64x128xf32, #tpu.memory_space<vmem>>[vector<16xi32>, vector<16xi32>], vector<16xf32>,
      %mul3A_664 = arith.mulf %gather3A_660, %gather3A_661 : vector<16xf32>
      %add3A_665 = arith.addf %add3A_653, %mul3A_664 : vector<16xf32>
      %mul3A_666 = arith.mulf %gather3A_662, %gather3A_663 : vector<16xf32>
      %add3A_667 = arith.addf %add3A_665, %mul3A_666 : vector<16xf32>
      %add3A_668 = arith.constant 10 : i32
      %add3A_669 = vector.broadcast %add3A_668 : i32 to vector<16xi32>
      %add3A_670 = arith.addi %get3A_523, %add3A_669 : vector<16xi32>
      %add3A_671 = arith.constant 10 : i32
      %add3A_672 = vector.broadcast %add3A_671 : i32 to vector<16xi32>
      %add3A_673 = arith.addi %get3A_525, %add3A_672 : vector<16xi32>
      %gather3A_674 = tpu.vector_load_idx %arg14[%add3A_521, %add3A_670] : memref<64x128xf32, #tpu.memory_space<vmem>>[vector<16xi32>, vector<16xi32>], vector<16xf32>,
      %gather3A_675 = tpu.vector_load_idx %arg15[%add3A_521, %add3A_673] : memref<64x128xf32, #tpu.memory_space<vmem>>[vector<16xi32>, vector<16xi32>], vector<16xf32>,
      %gather3A_676 = tpu.vector_load_idx %arg16[%add3A_521, %add3A_670] : memref<64x128xf32, #tpu.memory_space<vmem>>[vector<16xi32>, vector<16xi32>], vector<16xf32>,
      %gather3A_677 = tpu.vector_load_idx %arg17[%add3A_521, %add3A_673] : memref<64x128xf32, #tpu.memory_space<vmem>>[vector<16xi32>, vector<16xi32>], vector<16xf32>,
      %mul3A_678 = arith.mulf %gather3A_674, %gather3A_675 : vector<16xf32>
      %add3A_679 = arith.addf %add3A_667, %mul3A_678 : vector<16xf32>
      %mul3A_680 = arith.mulf %gather3A_676, %gather3A_677 : vector<16xf32>
      %add3A_681 = arith.addf %add3A_679, %mul3A_680 : vector<16xf32>
      %add3A_682 = arith.constant 11 : i32
      %add3A_683 = vector.broadcast %add3A_682 : i32 to vector<16xi32>
      %add3A_684 = arith.addi %get3A_523, %add3A_683 : vector<16xi32>
      %add3A_685 = arith.constant 11 : i32
      %add3A_686 = vector.broadcast %add3A_685 : i32 to vector<16xi32>
      %add3A_687 = arith.addi %get3A_525, %add3A_686 : vector<16xi32>
      %gather3A_688 = tpu.vector_load_idx %arg14[%add3A_521, %add3A_684] : memref<64x128xf32, #tpu.memory_space<vmem>>[vector<16xi32>, vector<16xi32>], vector<16xf32>,
      %gather3A_689 = tpu.vector_load_idx %arg15[%add3A_521, %add3A_687] : memref<64x128xf32, #tpu.memory_space<vmem>>[vector<16xi32>, vector<16xi32>], vector<16xf32>,
      %gather3A_690 = tpu.vector_load_idx %arg16[%add3A_521, %add3A_684] : memref<64x128xf32, #tpu.memory_space<vmem>>[vector<16xi32>, vector<16xi32>], vector<16xf32>,
      %gather3A_691 = tpu.vector_load_idx %arg17[%add3A_521, %add3A_687] : memref<64x128xf32, #tpu.memory_space<vmem>>[vector<16xi32>, vector<16xi32>], vector<16xf32>,
      %mul3A_692 = arith.mulf %gather3A_688, %gather3A_689 : vector<16xf32>
      %add3A_693 = arith.addf %add3A_681, %mul3A_692 : vector<16xf32>
      %mul3A_694 = arith.mulf %gather3A_690, %gather3A_691 : vector<16xf32>
      %add3A_695 = arith.addf %add3A_693, %mul3A_694 : vector<16xf32>
      %add3A_696 = arith.constant 12 : i32
      %add3A_697 = vector.broadcast %add3A_696 : i32 to vector<16xi32>
      %add3A_698 = arith.addi %get3A_523, %add3A_697 : vector<16xi32>
      %add3A_699 = arith.constant 12 : i32
      %add3A_700 = vector.broadcast %add3A_699 : i32 to vector<16xi32>
      %add3A_701 = arith.addi %get3A_525, %add3A_700 : vector<16xi32>
      %gather3A_702 = tpu.vector_load_idx %arg14[%add3A_521, %add3A_698] : memref<64x128xf32, #tpu.memory_space<vmem>>[vector<16xi32>, vector<16xi32>], vector<16xf32>,
      %gather3A_703 = tpu.vector_load_idx %arg15[%add3A_521, %add3A_701] : memref<64x128xf32, #tpu.memory_space<vmem>>[vector<16xi32>, vector<16xi32>], vector<16xf32>,
      %gather3A_704 = tpu.vector_load_idx %arg16[%add3A_521, %add3A_698] : memref<64x128xf32, #tpu.memory_space<vmem>>[vector<16xi32>, vector<16xi32>], vector<16xf32>,
      %gather3A_705 = tpu.vector_load_idx %arg17[%add3A_521, %add3A_701] : memref<64x128xf32, #tpu.memory_space<vmem>>[vector<16xi32>, vector<16xi32>], vector<16xf32>,
      %mul3A_706 = arith.mulf %gather3A_702, %gather3A_703 : vector<16xf32>
      %add3A_707 = arith.addf %add3A_695, %mul3A_706 : vector<16xf32>
      %mul3A_708 = arith.mulf %gather3A_704, %gather3A_705 : vector<16xf32>
      %add3A_709 = arith.addf %add3A_707, %mul3A_708 : vector<16xf32>
      %add3A_710 = arith.constant 13 : i32
      %add3A_711 = vector.broadcast %add3A_710 : i32 to vector<16xi32>
      %add3A_712 = arith.addi %get3A_523, %add3A_711 : vector<16xi32>
      %add3A_713 = arith.constant 13 : i32
      %add3A_714 = vector.broadcast %add3A_713 : i32 to vector<16xi32>
      %add3A_715 = arith.addi %get3A_525, %add3A_714 : vector<16xi32>
      %gather3A_716 = tpu.vector_load_idx %arg14[%add3A_521, %add3A_712] : memref<64x128xf32, #tpu.memory_space<vmem>>[vector<16xi32>, vector<16xi32>], vector<16xf32>,
      %gather3A_717 = tpu.vector_load_idx %arg15[%add3A_521, %add3A_715] : memref<64x128xf32, #tpu.memory_space<vmem>>[vector<16xi32>, vector<16xi32>], vector<16xf32>,
      %gather3A_718 = tpu.vector_load_idx %arg16[%add3A_521, %add3A_712] : memref<64x128xf32, #tpu.memory_space<vmem>>[vector<16xi32>, vector<16xi32>], vector<16xf32>,
      %gather3A_719 = tpu.vector_load_idx %arg17[%add3A_521, %add3A_715] : memref<64x128xf32, #tpu.memory_space<vmem>>[vector<16xi32>, vector<16xi32>], vector<16xf32>,
      %mul3A_720 = arith.mulf %gather3A_716, %gather3A_717 : vector<16xf32>
      %add3A_721 = arith.addf %add3A_709, %mul3A_720 : vector<16xf32>
      %mul3A_722 = arith.mulf %gather3A_718, %gather3A_719 : vector<16xf32>
      %add3A_723 = arith.addf %add3A_721, %mul3A_722 : vector<16xf32>
      %add3A_724 = arith.constant 14 : i32
      %add3A_725 = vector.broadcast %add3A_724 : i32 to vector<16xi32>
      %add3A_726 = arith.addi %get3A_523, %add3A_725 : vector<16xi32>
      %add3A_727 = arith.constant 14 : i32
      %add3A_728 = vector.broadcast %add3A_727 : i32 to vector<16xi32>
      %add3A_729 = arith.addi %get3A_525, %add3A_728 : vector<16xi32>
      %gather3A_730 = tpu.vector_load_idx %arg14[%add3A_521, %add3A_726] : memref<64x128xf32, #tpu.memory_space<vmem>>[vector<16xi32>, vector<16xi32>], vector<16xf32>,
      %gather3A_731 = tpu.vector_load_idx %arg15[%add3A_521, %add3A_729] : memref<64x128xf32, #tpu.memory_space<vmem>>[vector<16xi32>, vector<16xi32>], vector<16xf32>,
      %gather3A_732 = tpu.vector_load_idx %arg16[%add3A_521, %add3A_726] : memref<64x128xf32, #tpu.memory_space<vmem>>[vector<16xi32>, vector<16xi32>], vector<16xf32>,
      %gather3A_733 = tpu.vector_load_idx %arg17[%add3A_521, %add3A_729] : memref<64x128xf32, #tpu.memory_space<vmem>>[vector<16xi32>, vector<16xi32>], vector<16xf32>,
      %mul3A_734 = arith.mulf %gather3A_730, %gather3A_731 : vector<16xf32>
      %add3A_735 = arith.addf %add3A_723, %mul3A_734 : vector<16xf32>
      %mul3A_736 = arith.mulf %gather3A_732, %gather3A_733 : vector<16xf32>
      %add3A_737 = arith.addf %add3A_735, %mul3A_736 : vector<16xf32>
      %add3A_738 = arith.constant 15 : i32
      %add3A_739 = vector.broadcast %add3A_738 : i32 to vector<16xi32>
      %add3A_740 = arith.addi %get3A_523, %add3A_739 : vector<16xi32>
      %add3A_741 = arith.constant 15 : i32
      %add3A_742 = vector.broadcast %add3A_741 : i32 to vector<16xi32>
      %add3A_743 = arith.addi %get3A_525, %add3A_742 : vector<16xi32>
      %gather3A_744 = tpu.vector_load_idx %arg14[%add3A_521, %add3A_740] : memref<64x128xf32, #tpu.memory_space<vmem>>[vector<16xi32>, vector<16xi32>], vector<16xf32>,
      %gather3A_745 = tpu.vector_load_idx %arg15[%add3A_521, %add3A_743] : memref<64x128xf32, #tpu.memory_space<vmem>>[vector<16xi32>, vector<16xi32>], vector<16xf32>,
      %gather3A_746 = tpu.vector_load_idx %arg16[%add3A_521, %add3A_740] : memref<64x128xf32, #tpu.memory_space<vmem>>[vector<16xi32>, vector<16xi32>], vector<16xf32>,
      %gather3A_747 = tpu.vector_load_idx %arg17[%add3A_521, %add3A_743] : memref<64x128xf32, #tpu.memory_space<vmem>>[vector<16xi32>, vector<16xi32>], vector<16xf32>,
      %mul3A_748 = arith.mulf %gather3A_744, %gather3A_745 : vector<16xf32>
      %add3A_749 = arith.addf %add3A_737, %mul3A_748 : vector<16xf32>
      %mul3A_750 = arith.mulf %gather3A_746, %gather3A_747 : vector<16xf32>
      %add3A_751 = arith.addf %add3A_749, %mul3A_750 : vector<16xf32>
      %add3A_752 = arith.constant 16 : i32
      %add3A_753 = vector.broadcast %add3A_752 : i32 to vector<16xi32>
      %add3A_754 = arith.addi %get3A_523, %add3A_753 : vector<16xi32>
      %add3A_755 = arith.constant 16 : i32
      %add3A_756 = vector.broadcast %add3A_755 : i32 to vector<16xi32>
      %add3A_757 = arith.addi %get3A_525, %add3A_756 : vector<16xi32>
      %gather3A_758 = tpu.vector_load_idx %arg14[%add3A_521, %add3A_754] : memref<64x128xf32, #tpu.memory_space<vmem>>[vector<16xi32>, vector<16xi32>], vector<16xf32>,
      %gather3A_759 = tpu.vector_load_idx %arg15[%add3A_521, %add3A_757] : memref<64x128xf32, #tpu.memory_space<vmem>>[vector<16xi32>, vector<16xi32>], vector<16xf32>,
      %gather3A_760 = tpu.vector_load_idx %arg16[%add3A_521, %add3A_754] : memref<64x128xf32, #tpu.memory_space<vmem>>[vector<16xi32>, vector<16xi32>], vector<16xf32>,
      %gather3A_761 = tpu.vector_load_idx %arg17[%add3A_521, %add3A_757] : memref<64x128xf32, #tpu.memory_space<vmem>>[vector<16xi32>, vector<16xi32>], vector<16xf32>,
      %mul3A_762 = arith.mulf %gather3A_758, %gather3A_759 : vector<16xf32>
      %add3A_763 = arith.addf %add3A_751, %mul3A_762 : vector<16xf32>
      %mul3A_764 = arith.mulf %gather3A_760, %gather3A_761 : vector<16xf32>
      %add3A_765 = arith.addf %add3A_763, %mul3A_764 : vector<16xf32>
      %add3A_766 = arith.constant 17 : i32
      %add3A_767 = vector.broadcast %add3A_766 : i32 to vector<16xi32>
      %add3A_768 = arith.addi %get3A_523, %add3A_767 : vector<16xi32>
      %add3A_769 = arith.constant 17 : i32
      %add3A_770 = vector.broadcast %add3A_769 : i32 to vector<16xi32>
      %add3A_771 = arith.addi %get3A_525, %add3A_770 : vector<16xi32>
      %gather3A_772 = tpu.vector_load_idx %arg14[%add3A_521, %add3A_768] : memref<64x128xf32, #tpu.memory_space<vmem>>[vector<16xi32>, vector<16xi32>], vector<16xf32>,
      %gather3A_773 = tpu.vector_load_idx %arg15[%add3A_521, %add3A_771] : memref<64x128xf32, #tpu.memory_space<vmem>>[vector<16xi32>, vector<16xi32>], vector<16xf32>,
      %gather3A_774 = tpu.vector_load_idx %arg16[%add3A_521, %add3A_768] : memref<64x128xf32, #tpu.memory_space<vmem>>[vector<16xi32>, vector<16xi32>], vector<16xf32>,
      %gather3A_775 = tpu.vector_load_idx %arg17[%add3A_521, %add3A_771] : memref<64x128xf32, #tpu.memory_space<vmem>>[vector<16xi32>, vector<16xi32>], vector<16xf32>,
      %mul3A_776 = arith.mulf %gather3A_772, %gather3A_773 : vector<16xf32>
      %add3A_777 = arith.addf %add3A_765, %mul3A_776 : vector<16xf32>
      %mul3A_778 = arith.mulf %gather3A_774, %gather3A_775 : vector<16xf32>
      %add3A_779 = arith.addf %add3A_777, %mul3A_778 : vector<16xf32>
      %add3A_780 = arith.constant 18 : i32
      %add3A_781 = vector.broadcast %add3A_780 : i32 to vector<16xi32>
      %add3A_782 = arith.addi %get3A_523, %add3A_781 : vector<16xi32>
      %add3A_783 = arith.constant 18 : i32
      %add3A_784 = vector.broadcast %add3A_783 : i32 to vector<16xi32>
      %add3A_785 = arith.addi %get3A_525, %add3A_784 : vector<16xi32>
      %gather3A_786 = tpu.vector_load_idx %arg14[%add3A_521, %add3A_782] : memref<64x128xf32, #tpu.memory_space<vmem>>[vector<16xi32>, vector<16xi32>], vector<16xf32>,
      %gather3A_787 = tpu.vector_load_idx %arg15[%add3A_521, %add3A_785] : memref<64x128xf32, #tpu.memory_space<vmem>>[vector<16xi32>, vector<16xi32>], vector<16xf32>,
      %gather3A_788 = tpu.vector_load_idx %arg16[%add3A_521, %add3A_782] : memref<64x128xf32, #tpu.memory_space<vmem>>[vector<16xi32>, vector<16xi32>], vector<16xf32>,
      %gather3A_789 = tpu.vector_load_idx %arg17[%add3A_521, %add3A_785] : memref<64x128xf32, #tpu.memory_space<vmem>>[vector<16xi32>, vector<16xi32>], vector<16xf32>,
      %mul3A_790 = arith.mulf %gather3A_786, %gather3A_787 : vector<16xf32>
      %add3A_791 = arith.addf %add3A_779, %mul3A_790 : vector<16xf32>
      %mul3A_792 = arith.mulf %gather3A_788, %gather3A_789 : vector<16xf32>
      %add3A_793 = arith.addf %add3A_791, %mul3A_792 : vector<16xf32>
      %add3A_794 = arith.constant 19 : i32
      %add3A_795 = vector.broadcast %add3A_794 : i32 to vector<16xi32>
      %add3A_796 = arith.addi %get3A_523, %add3A_795 : vector<16xi32>
      %add3A_797 = arith.constant 19 : i32
      %add3A_798 = vector.broadcast %add3A_797 : i32 to vector<16xi32>
      %add3A_799 = arith.addi %get3A_525, %add3A_798 : vector<16xi32>
      %gather3A_800 = tpu.vector_load_idx %arg14[%add3A_521, %add3A_796] : memref<64x128xf32, #tpu.memory_space<vmem>>[vector<16xi32>, vector<16xi32>], vector<16xf32>,
      %gather3A_801 = tpu.vector_load_idx %arg15[%add3A_521, %add3A_799] : memref<64x128xf32, #tpu.memory_space<vmem>>[vector<16xi32>, vector<16xi32>], vector<16xf32>,
      %gather3A_802 = tpu.vector_load_idx %arg16[%add3A_521, %add3A_796] : memref<64x128xf32, #tpu.memory_space<vmem>>[vector<16xi32>, vector<16xi32>], vector<16xf32>,
      %gather3A_803 = tpu.vector_load_idx %arg17[%add3A_521, %add3A_799] : memref<64x128xf32, #tpu.memory_space<vmem>>[vector<16xi32>, vector<16xi32>], vector<16xf32>,
      %mul3A_804 = arith.mulf %gather3A_800, %gather3A_801 : vector<16xf32>
      %add3A_805 = arith.addf %add3A_793, %mul3A_804 : vector<16xf32>
      %mul3A_806 = arith.mulf %gather3A_802, %gather3A_803 : vector<16xf32>
      %add3A_807 = arith.addf %add3A_805, %mul3A_806 : vector<16xf32>
      %add3A_808 = arith.constant 20 : i32
      %add3A_809 = vector.broadcast %add3A_808 : i32 to vector<16xi32>
      %add3A_810 = arith.addi %get3A_523, %add3A_809 : vector<16xi32>
      %add3A_811 = arith.constant 20 : i32
      %add3A_812 = vector.broadcast %add3A_811 : i32 to vector<16xi32>
      %add3A_813 = arith.addi %get3A_525, %add3A_812 : vector<16xi32>
      %gather3A_814 = tpu.vector_load_idx %arg14[%add3A_521, %add3A_810] : memref<64x128xf32, #tpu.memory_space<vmem>>[vector<16xi32>, vector<16xi32>], vector<16xf32>,
      %gather3A_815 = tpu.vector_load_idx %arg15[%add3A_521, %add3A_813] : memref<64x128xf32, #tpu.memory_space<vmem>>[vector<16xi32>, vector<16xi32>], vector<16xf32>,
      %gather3A_816 = tpu.vector_load_idx %arg16[%add3A_521, %add3A_810] : memref<64x128xf32, #tpu.memory_space<vmem>>[vector<16xi32>, vector<16xi32>], vector<16xf32>,
      %gather3A_817 = tpu.vector_load_idx %arg17[%add3A_521, %add3A_813] : memref<64x128xf32, #tpu.memory_space<vmem>>[vector<16xi32>, vector<16xi32>], vector<16xf32>,
      %mul3A_818 = arith.mulf %gather3A_814, %gather3A_815 : vector<16xf32>
      %add3A_819 = arith.addf %add3A_807, %mul3A_818 : vector<16xf32>
      %mul3A_820 = arith.mulf %gather3A_816, %gather3A_817 : vector<16xf32>
      %add3A_821 = arith.addf %add3A_819, %mul3A_820 : vector<16xf32>
      %add3A_822 = arith.constant 21 : i32
      %add3A_823 = vector.broadcast %add3A_822 : i32 to vector<16xi32>
      %add3A_824 = arith.addi %get3A_523, %add3A_823 : vector<16xi32>
      %add3A_825 = arith.constant 21 : i32
      %add3A_826 = vector.broadcast %add3A_825 : i32 to vector<16xi32>
      %add3A_827 = arith.addi %get3A_525, %add3A_826 : vector<16xi32>
      %gather3A_828 = tpu.vector_load_idx %arg14[%add3A_521, %add3A_824] : memref<64x128xf32, #tpu.memory_space<vmem>>[vector<16xi32>, vector<16xi32>], vector<16xf32>,
      %gather3A_829 = tpu.vector_load_idx %arg15[%add3A_521, %add3A_827] : memref<64x128xf32, #tpu.memory_space<vmem>>[vector<16xi32>, vector<16xi32>], vector<16xf32>,
      %gather3A_830 = tpu.vector_load_idx %arg16[%add3A_521, %add3A_824] : memref<64x128xf32, #tpu.memory_space<vmem>>[vector<16xi32>, vector<16xi32>], vector<16xf32>,
      %gather3A_831 = tpu.vector_load_idx %arg17[%add3A_521, %add3A_827] : memref<64x128xf32, #tpu.memory_space<vmem>>[vector<16xi32>, vector<16xi32>], vector<16xf32>,
      %mul3A_832 = arith.mulf %gather3A_828, %gather3A_829 : vector<16xf32>
      %add3A_833 = arith.addf %add3A_821, %mul3A_832 : vector<16xf32>
      %mul3A_834 = arith.mulf %gather3A_830, %gather3A_831 : vector<16xf32>
      %add3A_835 = arith.addf %add3A_833, %mul3A_834 : vector<16xf32>
      %add3A_836 = arith.constant 22 : i32
      %add3A_837 = vector.broadcast %add3A_836 : i32 to vector<16xi32>
      %add3A_838 = arith.addi %get3A_523, %add3A_837 : vector<16xi32>
      %add3A_839 = arith.constant 22 : i32
      %add3A_840 = vector.broadcast %add3A_839 : i32 to vector<16xi32>
      %add3A_841 = arith.addi %get3A_525, %add3A_840 : vector<16xi32>
      %gather3A_842 = tpu.vector_load_idx %arg14[%add3A_521, %add3A_838] : memref<64x128xf32, #tpu.memory_space<vmem>>[vector<16xi32>, vector<16xi32>], vector<16xf32>,
      %gather3A_843 = tpu.vector_load_idx %arg15[%add3A_521, %add3A_841] : memref<64x128xf32, #tpu.memory_space<vmem>>[vector<16xi32>, vector<16xi32>], vector<16xf32>,
      %gather3A_844 = tpu.vector_load_idx %arg16[%add3A_521, %add3A_838] : memref<64x128xf32, #tpu.memory_space<vmem>>[vector<16xi32>, vector<16xi32>], vector<16xf32>,
      %gather3A_845 = tpu.vector_load_idx %arg17[%add3A_521, %add3A_841] : memref<64x128xf32, #tpu.memory_space<vmem>>[vector<16xi32>, vector<16xi32>], vector<16xf32>,
      %mul3A_846 = arith.mulf %gather3A_842, %gather3A_843 : vector<16xf32>
      %add3A_847 = arith.addf %add3A_835, %mul3A_846 : vector<16xf32>
      %mul3A_848 = arith.mulf %gather3A_844, %gather3A_845 : vector<16xf32>
      %add3A_849 = arith.addf %add3A_847, %mul3A_848 : vector<16xf32>
      %add3A_850 = arith.constant 23 : i32
      %add3A_851 = vector.broadcast %add3A_850 : i32 to vector<16xi32>
      %add3A_852 = arith.addi %get3A_523, %add3A_851 : vector<16xi32>
      %add3A_853 = arith.constant 23 : i32
      %add3A_854 = vector.broadcast %add3A_853 : i32 to vector<16xi32>
      %add3A_855 = arith.addi %get3A_525, %add3A_854 : vector<16xi32>
      %gather3A_856 = tpu.vector_load_idx %arg14[%add3A_521, %add3A_852] : memref<64x128xf32, #tpu.memory_space<vmem>>[vector<16xi32>, vector<16xi32>], vector<16xf32>,
      %gather3A_857 = tpu.vector_load_idx %arg15[%add3A_521, %add3A_855] : memref<64x128xf32, #tpu.memory_space<vmem>>[vector<16xi32>, vector<16xi32>], vector<16xf32>,
      %gather3A_858 = tpu.vector_load_idx %arg16[%add3A_521, %add3A_852] : memref<64x128xf32, #tpu.memory_space<vmem>>[vector<16xi32>, vector<16xi32>], vector<16xf32>,
      %gather3A_859 = tpu.vector_load_idx %arg17[%add3A_521, %add3A_855] : memref<64x128xf32, #tpu.memory_space<vmem>>[vector<16xi32>, vector<16xi32>], vector<16xf32>,
      %mul3A_860 = arith.mulf %gather3A_856, %gather3A_857 : vector<16xf32>
      %add3A_861 = arith.addf %add3A_849, %mul3A_860 : vector<16xf32>
      %mul3A_862 = arith.mulf %gather3A_858, %gather3A_859 : vector<16xf32>
      %add3A_863 = arith.addf %add3A_861, %mul3A_862 : vector<16xf32>
      %add3A_864 = arith.constant 24 : i32
      %add3A_865 = vector.broadcast %add3A_864 : i32 to vector<16xi32>
      %add3A_866 = arith.addi %get3A_523, %add3A_865 : vector<16xi32>
      %add3A_867 = arith.constant 24 : i32
      %add3A_868 = vector.broadcast %add3A_867 : i32 to vector<16xi32>
      %add3A_869 = arith.addi %get3A_525, %add3A_868 : vector<16xi32>
      %gather3A_870 = tpu.vector_load_idx %arg14[%add3A_521, %add3A_866] : memref<64x128xf32, #tpu.memory_space<vmem>>[vector<16xi32>, vector<16xi32>], vector<16xf32>,
      %gather3A_871 = tpu.vector_load_idx %arg15[%add3A_521, %add3A_869] : memref<64x128xf32, #tpu.memory_space<vmem>>[vector<16xi32>, vector<16xi32>], vector<16xf32>,
      %gather3A_872 = tpu.vector_load_idx %arg16[%add3A_521, %add3A_866] : memref<64x128xf32, #tpu.memory_space<vmem>>[vector<16xi32>, vector<16xi32>], vector<16xf32>,
      %gather3A_873 = tpu.vector_load_idx %arg17[%add3A_521, %add3A_869] : memref<64x128xf32, #tpu.memory_space<vmem>>[vector<16xi32>, vector<16xi32>], vector<16xf32>,
      %mul3A_874 = arith.mulf %gather3A_870, %gather3A_871 : vector<16xf32>
      %add3A_875 = arith.addf %add3A_863, %mul3A_874 : vector<16xf32>
      %mul3A_876 = arith.mulf %gather3A_872, %gather3A_873 : vector<16xf32>
      %add3A_877 = arith.addf %add3A_875, %mul3A_876 : vector<16xf32>
      %add3A_878 = arith.constant 25 : i32
      %add3A_879 = vector.broadcast %add3A_878 : i32 to vector<16xi32>
      %add3A_880 = arith.addi %get3A_523, %add3A_879 : vector<16xi32>
      %add3A_881 = arith.constant 25 : i32
      %add3A_882 = vector.broadcast %add3A_881 : i32 to vector<16xi32>
      %add3A_883 = arith.addi %get3A_525, %add3A_882 : vector<16xi32>
      %gather3A_884 = tpu.vector_load_idx %arg14[%add3A_521, %add3A_880] : memref<64x128xf32, #tpu.memory_space<vmem>>[vector<16xi32>, vector<16xi32>], vector<16xf32>,
      %gather3A_885 = tpu.vector_load_idx %arg15[%add3A_521, %add3A_883] : memref<64x128xf32, #tpu.memory_space<vmem>>[vector<16xi32>, vector<16xi32>], vector<16xf32>,
      %gather3A_886 = tpu.vector_load_idx %arg16[%add3A_521, %add3A_880] : memref<64x128xf32, #tpu.memory_space<vmem>>[vector<16xi32>, vector<16xi32>], vector<16xf32>,
      %gather3A_887 = tpu.vector_load_idx %arg17[%add3A_521, %add3A_883] : memref<64x128xf32, #tpu.memory_space<vmem>>[vector<16xi32>, vector<16xi32>], vector<16xf32>,
      %mul3A_888 = arith.mulf %gather3A_884, %gather3A_885 : vector<16xf32>
      %add3A_889 = arith.addf %add3A_877, %mul3A_888 : vector<16xf32>
      %mul3A_890 = arith.mulf %gather3A_886, %gather3A_887 : vector<16xf32>
      %add3A_891 = arith.addf %add3A_889, %mul3A_890 : vector<16xf32>
      %add3A_892 = arith.constant 26 : i32
      %add3A_893 = vector.broadcast %add3A_892 : i32 to vector<16xi32>
      %add3A_894 = arith.addi %get3A_523, %add3A_893 : vector<16xi32>
      %add3A_895 = arith.constant 26 : i32
      %add3A_896 = vector.broadcast %add3A_895 : i32 to vector<16xi32>
      %add3A_897 = arith.addi %get3A_525, %add3A_896 : vector<16xi32>
      %gather3A_898 = tpu.vector_load_idx %arg14[%add3A_521, %add3A_894] : memref<64x128xf32, #tpu.memory_space<vmem>>[vector<16xi32>, vector<16xi32>], vector<16xf32>,
      %gather3A_899 = tpu.vector_load_idx %arg15[%add3A_521, %add3A_897] : memref<64x128xf32, #tpu.memory_space<vmem>>[vector<16xi32>, vector<16xi32>], vector<16xf32>,
      %gather3A_900 = tpu.vector_load_idx %arg16[%add3A_521, %add3A_894] : memref<64x128xf32, #tpu.memory_space<vmem>>[vector<16xi32>, vector<16xi32>], vector<16xf32>,
      %gather3A_901 = tpu.vector_load_idx %arg17[%add3A_521, %add3A_897] : memref<64x128xf32, #tpu.memory_space<vmem>>[vector<16xi32>, vector<16xi32>], vector<16xf32>,
      %mul3A_902 = arith.mulf %gather3A_898, %gather3A_899 : vector<16xf32>
      %add3A_903 = arith.addf %add3A_891, %mul3A_902 : vector<16xf32>
      %mul3A_904 = arith.mulf %gather3A_900, %gather3A_901 : vector<16xf32>
      %add3A_905 = arith.addf %add3A_903, %mul3A_904 : vector<16xf32>
      %add3A_906 = arith.constant 27 : i32
      %add3A_907 = vector.broadcast %add3A_906 : i32 to vector<16xi32>
      %add3A_908 = arith.addi %get3A_523, %add3A_907 : vector<16xi32>
      %add3A_909 = arith.constant 27 : i32
      %add3A_910 = vector.broadcast %add3A_909 : i32 to vector<16xi32>
      %add3A_911 = arith.addi %get3A_525, %add3A_910 : vector<16xi32>
      %gather3A_912 = tpu.vector_load_idx %arg14[%add3A_521, %add3A_908] : memref<64x128xf32, #tpu.memory_space<vmem>>[vector<16xi32>, vector<16xi32>], vector<16xf32>,
      %gather3A_913 = tpu.vector_load_idx %arg15[%add3A_521, %add3A_911] : memref<64x128xf32, #tpu.memory_space<vmem>>[vector<16xi32>, vector<16xi32>], vector<16xf32>,
      %gather3A_914 = tpu.vector_load_idx %arg16[%add3A_521, %add3A_908] : memref<64x128xf32, #tpu.memory_space<vmem>>[vector<16xi32>, vector<16xi32>], vector<16xf32>,
      %gather3A_915 = tpu.vector_load_idx %arg17[%add3A_521, %add3A_911] : memref<64x128xf32, #tpu.memory_space<vmem>>[vector<16xi32>, vector<16xi32>], vector<16xf32>,
      %mul3A_916 = arith.mulf %gather3A_912, %gather3A_913 : vector<16xf32>
      %add3A_917 = arith.addf %add3A_905, %mul3A_916 : vector<16xf32>
      %mul3A_918 = arith.mulf %gather3A_914, %gather3A_915 : vector<16xf32>
      %add3A_919 = arith.addf %add3A_917, %mul3A_918 : vector<16xf32>
      %add3A_920 = arith.constant 28 : i32
      %add3A_921 = vector.broadcast %add3A_920 : i32 to vector<16xi32>
      %add3A_922 = arith.addi %get3A_523, %add3A_921 : vector<16xi32>
      %add3A_923 = arith.constant 28 : i32
      %add3A_924 = vector.broadcast %add3A_923 : i32 to vector<16xi32>
      %add3A_925 = arith.addi %get3A_525, %add3A_924 : vector<16xi32>
      %gather3A_926 = tpu.vector_load_idx %arg14[%add3A_521, %add3A_922] : memref<64x128xf32, #tpu.memory_space<vmem>>[vector<16xi32>, vector<16xi32>], vector<16xf32>,
      %gather3A_927 = tpu.vector_load_idx %arg15[%add3A_521, %add3A_925] : memref<64x128xf32, #tpu.memory_space<vmem>>[vector<16xi32>, vector<16xi32>], vector<16xf32>,
      %gather3A_928 = tpu.vector_load_idx %arg16[%add3A_521, %add3A_922] : memref<64x128xf32, #tpu.memory_space<vmem>>[vector<16xi32>, vector<16xi32>], vector<16xf32>,
      %gather3A_929 = tpu.vector_load_idx %arg17[%add3A_521, %add3A_925] : memref<64x128xf32, #tpu.memory_space<vmem>>[vector<16xi32>, vector<16xi32>], vector<16xf32>,
      %mul3A_930 = arith.mulf %gather3A_926, %gather3A_927 : vector<16xf32>
      %add3A_931 = arith.addf %add3A_919, %mul3A_930 : vector<16xf32>
      %mul3A_932 = arith.mulf %gather3A_928, %gather3A_929 : vector<16xf32>
      %add3A_933 = arith.addf %add3A_931, %mul3A_932 : vector<16xf32>
      %add3A_934 = arith.constant 29 : i32
      %add3A_935 = vector.broadcast %add3A_934 : i32 to vector<16xi32>
      %add3A_936 = arith.addi %get3A_523, %add3A_935 : vector<16xi32>
      %add3A_937 = arith.constant 29 : i32
      %add3A_938 = vector.broadcast %add3A_937 : i32 to vector<16xi32>
      %add3A_939 = arith.addi %get3A_525, %add3A_938 : vector<16xi32>
      %gather3A_940 = tpu.vector_load_idx %arg14[%add3A_521, %add3A_936] : memref<64x128xf32, #tpu.memory_space<vmem>>[vector<16xi32>, vector<16xi32>], vector<16xf32>,
      %gather3A_941 = tpu.vector_load_idx %arg15[%add3A_521, %add3A_939] : memref<64x128xf32, #tpu.memory_space<vmem>>[vector<16xi32>, vector<16xi32>], vector<16xf32>,
      %gather3A_942 = tpu.vector_load_idx %arg16[%add3A_521, %add3A_936] : memref<64x128xf32, #tpu.memory_space<vmem>>[vector<16xi32>, vector<16xi32>], vector<16xf32>,
      %gather3A_943 = tpu.vector_load_idx %arg17[%add3A_521, %add3A_939] : memref<64x128xf32, #tpu.memory_space<vmem>>[vector<16xi32>, vector<16xi32>], vector<16xf32>,
      %mul3A_944 = arith.mulf %gather3A_940, %gather3A_941 : vector<16xf32>
      %add3A_945 = arith.addf %add3A_933, %mul3A_944 : vector<16xf32>
      %mul3A_946 = arith.mulf %gather3A_942, %gather3A_943 : vector<16xf32>
      %add3A_947 = arith.addf %add3A_945, %mul3A_946 : vector<16xf32>
      %add3A_948 = arith.constant 30 : i32
      %add3A_949 = vector.broadcast %add3A_948 : i32 to vector<16xi32>
      %add3A_950 = arith.addi %get3A_523, %add3A_949 : vector<16xi32>
      %add3A_951 = arith.constant 30 : i32
      %add3A_952 = vector.broadcast %add3A_951 : i32 to vector<16xi32>
      %add3A_953 = arith.addi %get3A_525, %add3A_952 : vector<16xi32>
      %gather3A_954 = tpu.vector_load_idx %arg14[%add3A_521, %add3A_950] : memref<64x128xf32, #tpu.memory_space<vmem>>[vector<16xi32>, vector<16xi32>], vector<16xf32>,
      %gather3A_955 = tpu.vector_load_idx %arg15[%add3A_521, %add3A_953] : memref<64x128xf32, #tpu.memory_space<vmem>>[vector<16xi32>, vector<16xi32>], vector<16xf32>,
      %gather3A_956 = tpu.vector_load_idx %arg16[%add3A_521, %add3A_950] : memref<64x128xf32, #tpu.memory_space<vmem>>[vector<16xi32>, vector<16xi32>], vector<16xf32>,
      %gather3A_957 = tpu.vector_load_idx %arg17[%add3A_521, %add3A_953] : memref<64x128xf32, #tpu.memory_space<vmem>>[vector<16xi32>, vector<16xi32>], vector<16xf32>,
      %mul3A_958 = arith.mulf %gather3A_954, %gather3A_955 : vector<16xf32>
      %add3A_959 = arith.addf %add3A_947, %mul3A_958 : vector<16xf32>
      %mul3A_960 = arith.mulf %gather3A_956, %gather3A_957 : vector<16xf32>
      %add3A_961 = arith.addf %add3A_959, %mul3A_960 : vector<16xf32>
      %add3A_962 = arith.constant 31 : i32
      %add3A_963 = vector.broadcast %add3A_962 : i32 to vector<16xi32>
      %add3A_964 = arith.addi %get3A_523, %add3A_963 : vector<16xi32>
      %add3A_965 = arith.constant 31 : i32
      %add3A_966 = vector.broadcast %add3A_965 : i32 to vector<16xi32>
      %add3A_967 = arith.addi %get3A_525, %add3A_966 : vector<16xi32>
      %gather3A_968 = tpu.vector_load_idx %arg14[%add3A_521, %add3A_964] : memref<64x128xf32, #tpu.memory_space<vmem>>[vector<16xi32>, vector<16xi32>], vector<16xf32>,
      %gather3A_969 = tpu.vector_load_idx %arg15[%add3A_521, %add3A_967] : memref<64x128xf32, #tpu.memory_space<vmem>>[vector<16xi32>, vector<16xi32>], vector<16xf32>,
      %gather3A_970 = tpu.vector_load_idx %arg16[%add3A_521, %add3A_964] : memref<64x128xf32, #tpu.memory_space<vmem>>[vector<16xi32>, vector<16xi32>], vector<16xf32>,
      %gather3A_971 = tpu.vector_load_idx %arg17[%add3A_521, %add3A_967] : memref<64x128xf32, #tpu.memory_space<vmem>>[vector<16xi32>, vector<16xi32>], vector<16xf32>,
      %mul3A_972 = arith.mulf %gather3A_968, %gather3A_969 : vector<16xf32>
      %add3A_973 = arith.addf %add3A_961, %mul3A_972 : vector<16xf32>
      %mul3A_974 = arith.mulf %gather3A_970, %gather3A_971 : vector<16xf32>
      %add3A_975 = arith.addf %add3A_973, %mul3A_974 : vector<16xf32>
      %swap3A_976 = arith.index_cast %add3A_517 : i32 to index
      %swap3A_977 = tpu.vector_load %arg18[%swap3A_976] {strides = array<i32>} : memref<512xf32, #tpu.memory_space<vmem>>, vector<16xf32>,
      tpu.vector_store %arg18[%swap3A_976], %add3A_975 {strides = array<i32>} : memref<512xf32, #tpu.memory_space<vmem>>, vector<16xf32>,
      %mul3A_978 = arith.constant 64 : i32
      %mul3A_979 = arith.muli %scan3A_8, %mul3A_978 : i32
      %add3A_980 = arith.constant 32 : i32
      %add3A_981 = arith.addi %mul3A_979, %add3A_980 : i32
      %iota3A_982 = tpu.iota {dimensions = array<i32: 0>} : vector<16xi32>
      %add3A_983 = arith.constant 32 : i32
      %add3A_984 = vector.broadcast %add3A_983 : i32 to vector<16xi32>
      %add3A_985 = arith.addi %add3A_984, %iota3A_982 : vector<16xi32>
      %get3A_986 = arith.index_cast %add3A_981 : i32 to index
      %get3A_987 = tpu.vector_load %arg12[%get3A_986] {strides = array<i32>} : memref<512xi32, #tpu.memory_space<vmem>>, vector<16xi32>,
      %get3A_988 = arith.index_cast %add3A_981 : i32 to index
      %get3A_989 = tpu.vector_load %arg13[%get3A_988] {strides = array<i32>} : memref<512xi32, #tpu.memory_space<vmem>>, vector<16xi32>,
      %broadcast_in_dim3A_990 = arith.constant 0.000000e+00 : f32
      %broadcast_in_dim3A_991 = vector.broadcast %broadcast_in_dim3A_990 : f32 to vector<16xf32>
      %add3A_992 = arith.constant 0 : i32
      %add3A_993 = vector.broadcast %add3A_992 : i32 to vector<16xi32>
      %add3A_994 = arith.addi %get3A_987, %add3A_993 : vector<16xi32>
      %add3A_995 = arith.constant 0 : i32
      %add3A_996 = vector.broadcast %add3A_995 : i32 to vector<16xi32>
      %add3A_997 = arith.addi %get3A_989, %add3A_996 : vector<16xi32>
      %gather3A_998 = tpu.vector_load_idx %arg14[%add3A_985, %add3A_994] : memref<64x128xf32, #tpu.memory_space<vmem>>[vector<16xi32>, vector<16xi32>], vector<16xf32>,
      %gather3A_999 = tpu.vector_load_idx %arg15[%add3A_985, %add3A_997] : memref<64x128xf32, #tpu.memory_space<vmem>>[vector<16xi32>, vector<16xi32>], vector<16xf32>,
      %gather3A_1000 = tpu.vector_load_idx %arg16[%add3A_985, %add3A_994] : memref<64x128xf32, #tpu.memory_space<vmem>>[vector<16xi32>, vector<16xi32>], vector<16xf32>,
      %gather3A_1001 = tpu.vector_load_idx %arg17[%add3A_985, %add3A_997] : memref<64x128xf32, #tpu.memory_space<vmem>>[vector<16xi32>, vector<16xi32>], vector<16xf32>,
      %mul3A_1002 = arith.mulf %gather3A_998, %gather3A_999 : vector<16xf32>
      %add3A_1003 = arith.addf %broadcast_in_dim3A_991, %mul3A_1002 : vector<16xf32>
      %mul3A_1004 = arith.mulf %gather3A_1000, %gather3A_1001 : vector<16xf32>
      %add3A_1005 = arith.addf %add3A_1003, %mul3A_1004 : vector<16xf32>
      %add3A_1006 = arith.constant 1 : i32
      %add3A_1007 = vector.broadcast %add3A_1006 : i32 to vector<16xi32>
      %add3A_1008 = arith.addi %get3A_987, %add3A_1007 : vector<16xi32>
      %add3A_1009 = arith.constant 1 : i32
      %add3A_1010 = vector.broadcast %add3A_1009 : i32 to vector<16xi32>
      %add3A_1011 = arith.addi %get3A_989, %add3A_1010 : vector<16xi32>
      %gather3A_1012 = tpu.vector_load_idx %arg14[%add3A_985, %add3A_1008] : memref<64x128xf32, #tpu.memory_space<vmem>>[vector<16xi32>, vector<16xi32>], vector<16xf32>,
      %gather3A_1013 = tpu.vector_load_idx %arg15[%add3A_985, %add3A_1011] : memref<64x128xf32, #tpu.memory_space<vmem>>[vector<16xi32>, vector<16xi32>], vector<16xf32>,
      %gather3A_1014 = tpu.vector_load_idx %arg16[%add3A_985, %add3A_1008] : memref<64x128xf32, #tpu.memory_space<vmem>>[vector<16xi32>, vector<16xi32>], vector<16xf32>,
      %gather3A_1015 = tpu.vector_load_idx %arg17[%add3A_985, %add3A_1011] : memref<64x128xf32, #tpu.memory_space<vmem>>[vector<16xi32>, vector<16xi32>], vector<16xf32>,
      %mul3A_1016 = arith.mulf %gather3A_1012, %gather3A_1013 : vector<16xf32>
      %add3A_1017 = arith.addf %add3A_1005, %mul3A_1016 : vector<16xf32>
      %mul3A_1018 = arith.mulf %gather3A_1014, %gather3A_1015 : vector<16xf32>
      %add3A_1019 = arith.addf %add3A_1017, %mul3A_1018 : vector<16xf32>
      %add3A_1020 = arith.constant 2 : i32
      %add3A_1021 = vector.broadcast %add3A_1020 : i32 to vector<16xi32>
      %add3A_1022 = arith.addi %get3A_987, %add3A_1021 : vector<16xi32>
      %add3A_1023 = arith.constant 2 : i32
      %add3A_1024 = vector.broadcast %add3A_1023 : i32 to vector<16xi32>
      %add3A_1025 = arith.addi %get3A_989, %add3A_1024 : vector<16xi32>
      %gather3A_1026 = tpu.vector_load_idx %arg14[%add3A_985, %add3A_1022] : memref<64x128xf32, #tpu.memory_space<vmem>>[vector<16xi32>, vector<16xi32>], vector<16xf32>,
      %gather3A_1027 = tpu.vector_load_idx %arg15[%add3A_985, %add3A_1025] : memref<64x128xf32, #tpu.memory_space<vmem>>[vector<16xi32>, vector<16xi32>], vector<16xf32>,
      %gather3A_1028 = tpu.vector_load_idx %arg16[%add3A_985, %add3A_1022] : memref<64x128xf32, #tpu.memory_space<vmem>>[vector<16xi32>, vector<16xi32>], vector<16xf32>,
      %gather3A_1029 = tpu.vector_load_idx %arg17[%add3A_985, %add3A_1025] : memref<64x128xf32, #tpu.memory_space<vmem>>[vector<16xi32>, vector<16xi32>], vector<16xf32>,
      %mul3A_1030 = arith.mulf %gather3A_1026, %gather3A_1027 : vector<16xf32>
      %add3A_1031 = arith.addf %add3A_1019, %mul3A_1030 : vector<16xf32>
      %mul3A_1032 = arith.mulf %gather3A_1028, %gather3A_1029 : vector<16xf32>
      %add3A_1033 = arith.addf %add3A_1031, %mul3A_1032 : vector<16xf32>
      %add3A_1034 = arith.constant 3 : i32
      %add3A_1035 = vector.broadcast %add3A_1034 : i32 to vector<16xi32>
      %add3A_1036 = arith.addi %get3A_987, %add3A_1035 : vector<16xi32>
      %add3A_1037 = arith.constant 3 : i32
      %add3A_1038 = vector.broadcast %add3A_1037 : i32 to vector<16xi32>
      %add3A_1039 = arith.addi %get3A_989, %add3A_1038 : vector<16xi32>
      %gather3A_1040 = tpu.vector_load_idx %arg14[%add3A_985, %add3A_1036] : memref<64x128xf32, #tpu.memory_space<vmem>>[vector<16xi32>, vector<16xi32>], vector<16xf32>,
      %gather3A_1041 = tpu.vector_load_idx %arg15[%add3A_985, %add3A_1039] : memref<64x128xf32, #tpu.memory_space<vmem>>[vector<16xi32>, vector<16xi32>], vector<16xf32>,
      %gather3A_1042 = tpu.vector_load_idx %arg16[%add3A_985, %add3A_1036] : memref<64x128xf32, #tpu.memory_space<vmem>>[vector<16xi32>, vector<16xi32>], vector<16xf32>,
      %gather3A_1043 = tpu.vector_load_idx %arg17[%add3A_985, %add3A_1039] : memref<64x128xf32, #tpu.memory_space<vmem>>[vector<16xi32>, vector<16xi32>], vector<16xf32>,
      %mul3A_1044 = arith.mulf %gather3A_1040, %gather3A_1041 : vector<16xf32>
      %add3A_1045 = arith.addf %add3A_1033, %mul3A_1044 : vector<16xf32>
      %mul3A_1046 = arith.mulf %gather3A_1042, %gather3A_1043 : vector<16xf32>
      %add3A_1047 = arith.addf %add3A_1045, %mul3A_1046 : vector<16xf32>
      %add3A_1048 = arith.constant 4 : i32
      %add3A_1049 = vector.broadcast %add3A_1048 : i32 to vector<16xi32>
      %add3A_1050 = arith.addi %get3A_987, %add3A_1049 : vector<16xi32>
      %add3A_1051 = arith.constant 4 : i32
      %add3A_1052 = vector.broadcast %add3A_1051 : i32 to vector<16xi32>
      %add3A_1053 = arith.addi %get3A_989, %add3A_1052 : vector<16xi32>
      %gather3A_1054 = tpu.vector_load_idx %arg14[%add3A_985, %add3A_1050] : memref<64x128xf32, #tpu.memory_space<vmem>>[vector<16xi32>, vector<16xi32>], vector<16xf32>,
      %gather3A_1055 = tpu.vector_load_idx %arg15[%add3A_985, %add3A_1053] : memref<64x128xf32, #tpu.memory_space<vmem>>[vector<16xi32>, vector<16xi32>], vector<16xf32>,
      %gather3A_1056 = tpu.vector_load_idx %arg16[%add3A_985, %add3A_1050] : memref<64x128xf32, #tpu.memory_space<vmem>>[vector<16xi32>, vector<16xi32>], vector<16xf32>,
      %gather3A_1057 = tpu.vector_load_idx %arg17[%add3A_985, %add3A_1053] : memref<64x128xf32, #tpu.memory_space<vmem>>[vector<16xi32>, vector<16xi32>], vector<16xf32>,
      %mul3A_1058 = arith.mulf %gather3A_1054, %gather3A_1055 : vector<16xf32>
      %add3A_1059 = arith.addf %add3A_1047, %mul3A_1058 : vector<16xf32>
      %mul3A_1060 = arith.mulf %gather3A_1056, %gather3A_1057 : vector<16xf32>
      %add3A_1061 = arith.addf %add3A_1059, %mul3A_1060 : vector<16xf32>
      %add3A_1062 = arith.constant 5 : i32
      %add3A_1063 = vector.broadcast %add3A_1062 : i32 to vector<16xi32>
      %add3A_1064 = arith.addi %get3A_987, %add3A_1063 : vector<16xi32>
      %add3A_1065 = arith.constant 5 : i32
      %add3A_1066 = vector.broadcast %add3A_1065 : i32 to vector<16xi32>
      %add3A_1067 = arith.addi %get3A_989, %add3A_1066 : vector<16xi32>
      %gather3A_1068 = tpu.vector_load_idx %arg14[%add3A_985, %add3A_1064] : memref<64x128xf32, #tpu.memory_space<vmem>>[vector<16xi32>, vector<16xi32>], vector<16xf32>,
      %gather3A_1069 = tpu.vector_load_idx %arg15[%add3A_985, %add3A_1067] : memref<64x128xf32, #tpu.memory_space<vmem>>[vector<16xi32>, vector<16xi32>], vector<16xf32>,
      %gather3A_1070 = tpu.vector_load_idx %arg16[%add3A_985, %add3A_1064] : memref<64x128xf32, #tpu.memory_space<vmem>>[vector<16xi32>, vector<16xi32>], vector<16xf32>,
      %gather3A_1071 = tpu.vector_load_idx %arg17[%add3A_985, %add3A_1067] : memref<64x128xf32, #tpu.memory_space<vmem>>[vector<16xi32>, vector<16xi32>], vector<16xf32>,
      %mul3A_1072 = arith.mulf %gather3A_1068, %gather3A_1069 : vector<16xf32>
      %add3A_1073 = arith.addf %add3A_1061, %mul3A_1072 : vector<16xf32>
      %mul3A_1074 = arith.mulf %gather3A_1070, %gather3A_1071 : vector<16xf32>
      %add3A_1075 = arith.addf %add3A_1073, %mul3A_1074 : vector<16xf32>
      %add3A_1076 = arith.constant 6 : i32
      %add3A_1077 = vector.broadcast %add3A_1076 : i32 to vector<16xi32>
      %add3A_1078 = arith.addi %get3A_987, %add3A_1077 : vector<16xi32>
      %add3A_1079 = arith.constant 6 : i32
      %add3A_1080 = vector.broadcast %add3A_1079 : i32 to vector<16xi32>
      %add3A_1081 = arith.addi %get3A_989, %add3A_1080 : vector<16xi32>
      %gather3A_1082 = tpu.vector_load_idx %arg14[%add3A_985, %add3A_1078] : memref<64x128xf32, #tpu.memory_space<vmem>>[vector<16xi32>, vector<16xi32>], vector<16xf32>,
      %gather3A_1083 = tpu.vector_load_idx %arg15[%add3A_985, %add3A_1081] : memref<64x128xf32, #tpu.memory_space<vmem>>[vector<16xi32>, vector<16xi32>], vector<16xf32>,
      %gather3A_1084 = tpu.vector_load_idx %arg16[%add3A_985, %add3A_1078] : memref<64x128xf32, #tpu.memory_space<vmem>>[vector<16xi32>, vector<16xi32>], vector<16xf32>,
      %gather3A_1085 = tpu.vector_load_idx %arg17[%add3A_985, %add3A_1081] : memref<64x128xf32, #tpu.memory_space<vmem>>[vector<16xi32>, vector<16xi32>], vector<16xf32>,
      %mul3A_1086 = arith.mulf %gather3A_1082, %gather3A_1083 : vector<16xf32>
      %add3A_1087 = arith.addf %add3A_1075, %mul3A_1086 : vector<16xf32>
      %mul3A_1088 = arith.mulf %gather3A_1084, %gather3A_1085 : vector<16xf32>
      %add3A_1089 = arith.addf %add3A_1087, %mul3A_1088 : vector<16xf32>
      %add3A_1090 = arith.constant 7 : i32
      %add3A_1091 = vector.broadcast %add3A_1090 : i32 to vector<16xi32>
      %add3A_1092 = arith.addi %get3A_987, %add3A_1091 : vector<16xi32>
      %add3A_1093 = arith.constant 7 : i32
      %add3A_1094 = vector.broadcast %add3A_1093 : i32 to vector<16xi32>
      %add3A_1095 = arith.addi %get3A_989, %add3A_1094 : vector<16xi32>
      %gather3A_1096 = tpu.vector_load_idx %arg14[%add3A_985, %add3A_1092] : memref<64x128xf32, #tpu.memory_space<vmem>>[vector<16xi32>, vector<16xi32>], vector<16xf32>,
      %gather3A_1097 = tpu.vector_load_idx %arg15[%add3A_985, %add3A_1095] : memref<64x128xf32, #tpu.memory_space<vmem>>[vector<16xi32>, vector<16xi32>], vector<16xf32>,
      %gather3A_1098 = tpu.vector_load_idx %arg16[%add3A_985, %add3A_1092] : memref<64x128xf32, #tpu.memory_space<vmem>>[vector<16xi32>, vector<16xi32>], vector<16xf32>,
      %gather3A_1099 = tpu.vector_load_idx %arg17[%add3A_985, %add3A_1095] : memref<64x128xf32, #tpu.memory_space<vmem>>[vector<16xi32>, vector<16xi32>], vector<16xf32>,
      %mul3A_1100 = arith.mulf %gather3A_1096, %gather3A_1097 : vector<16xf32>
      %add3A_1101 = arith.addf %add3A_1089, %mul3A_1100 : vector<16xf32>
      %mul3A_1102 = arith.mulf %gather3A_1098, %gather3A_1099 : vector<16xf32>
      %add3A_1103 = arith.addf %add3A_1101, %mul3A_1102 : vector<16xf32>
      %add3A_1104 = arith.constant 8 : i32
      %add3A_1105 = vector.broadcast %add3A_1104 : i32 to vector<16xi32>
      %add3A_1106 = arith.addi %get3A_987, %add3A_1105 : vector<16xi32>
      %add3A_1107 = arith.constant 8 : i32
      %add3A_1108 = vector.broadcast %add3A_1107 : i32 to vector<16xi32>
      %add3A_1109 = arith.addi %get3A_989, %add3A_1108 : vector<16xi32>
      %gather3A_1110 = tpu.vector_load_idx %arg14[%add3A_985, %add3A_1106] : memref<64x128xf32, #tpu.memory_space<vmem>>[vector<16xi32>, vector<16xi32>], vector<16xf32>,
      %gather3A_1111 = tpu.vector_load_idx %arg15[%add3A_985, %add3A_1109] : memref<64x128xf32, #tpu.memory_space<vmem>>[vector<16xi32>, vector<16xi32>], vector<16xf32>,
      %gather3A_1112 = tpu.vector_load_idx %arg16[%add3A_985, %add3A_1106] : memref<64x128xf32, #tpu.memory_space<vmem>>[vector<16xi32>, vector<16xi32>], vector<16xf32>,
      %gather3A_1113 = tpu.vector_load_idx %arg17[%add3A_985, %add3A_1109] : memref<64x128xf32, #tpu.memory_space<vmem>>[vector<16xi32>, vector<16xi32>], vector<16xf32>,
      %mul3A_1114 = arith.mulf %gather3A_1110, %gather3A_1111 : vector<16xf32>
      %add3A_1115 = arith.addf %add3A_1103, %mul3A_1114 : vector<16xf32>
      %mul3A_1116 = arith.mulf %gather3A_1112, %gather3A_1113 : vector<16xf32>
      %add3A_1117 = arith.addf %add3A_1115, %mul3A_1116 : vector<16xf32>
      %add3A_1118 = arith.constant 9 : i32
      %add3A_1119 = vector.broadcast %add3A_1118 : i32 to vector<16xi32>
      %add3A_1120 = arith.addi %get3A_987, %add3A_1119 : vector<16xi32>
      %add3A_1121 = arith.constant 9 : i32
      %add3A_1122 = vector.broadcast %add3A_1121 : i32 to vector<16xi32>
      %add3A_1123 = arith.addi %get3A_989, %add3A_1122 : vector<16xi32>
      %gather3A_1124 = tpu.vector_load_idx %arg14[%add3A_985, %add3A_1120] : memref<64x128xf32, #tpu.memory_space<vmem>>[vector<16xi32>, vector<16xi32>], vector<16xf32>,
      %gather3A_1125 = tpu.vector_load_idx %arg15[%add3A_985, %add3A_1123] : memref<64x128xf32, #tpu.memory_space<vmem>>[vector<16xi32>, vector<16xi32>], vector<16xf32>,
      %gather3A_1126 = tpu.vector_load_idx %arg16[%add3A_985, %add3A_1120] : memref<64x128xf32, #tpu.memory_space<vmem>>[vector<16xi32>, vector<16xi32>], vector<16xf32>,
      %gather3A_1127 = tpu.vector_load_idx %arg17[%add3A_985, %add3A_1123] : memref<64x128xf32, #tpu.memory_space<vmem>>[vector<16xi32>, vector<16xi32>], vector<16xf32>,
      %mul3A_1128 = arith.mulf %gather3A_1124, %gather3A_1125 : vector<16xf32>
      %add3A_1129 = arith.addf %add3A_1117, %mul3A_1128 : vector<16xf32>
      %mul3A_1130 = arith.mulf %gather3A_1126, %gather3A_1127 : vector<16xf32>
      %add3A_1131 = arith.addf %add3A_1129, %mul3A_1130 : vector<16xf32>
      %add3A_1132 = arith.constant 10 : i32
      %add3A_1133 = vector.broadcast %add3A_1132 : i32 to vector<16xi32>
      %add3A_1134 = arith.addi %get3A_987, %add3A_1133 : vector<16xi32>
      %add3A_1135 = arith.constant 10 : i32
      %add3A_1136 = vector.broadcast %add3A_1135 : i32 to vector<16xi32>
      %add3A_1137 = arith.addi %get3A_989, %add3A_1136 : vector<16xi32>
      %gather3A_1138 = tpu.vector_load_idx %arg14[%add3A_985, %add3A_1134] : memref<64x128xf32, #tpu.memory_space<vmem>>[vector<16xi32>, vector<16xi32>], vector<16xf32>,
      %gather3A_1139 = tpu.vector_load_idx %arg15[%add3A_985, %add3A_1137] : memref<64x128xf32, #tpu.memory_space<vmem>>[vector<16xi32>, vector<16xi32>], vector<16xf32>,
      %gather3A_1140 = tpu.vector_load_idx %arg16[%add3A_985, %add3A_1134] : memref<64x128xf32, #tpu.memory_space<vmem>>[vector<16xi32>, vector<16xi32>], vector<16xf32>,
      %gather3A_1141 = tpu.vector_load_idx %arg17[%add3A_985, %add3A_1137] : memref<64x128xf32, #tpu.memory_space<vmem>>[vector<16xi32>, vector<16xi32>], vector<16xf32>,
      %mul3A_1142 = arith.mulf %gather3A_1138, %gather3A_1139 : vector<16xf32>
      %add3A_1143 = arith.addf %add3A_1131, %mul3A_1142 : vector<16xf32>
      %mul3A_1144 = arith.mulf %gather3A_1140, %gather3A_1141 : vector<16xf32>
      %add3A_1145 = arith.addf %add3A_1143, %mul3A_1144 : vector<16xf32>
      %add3A_1146 = arith.constant 11 : i32
      %add3A_1147 = vector.broadcast %add3A_1146 : i32 to vector<16xi32>
      %add3A_1148 = arith.addi %get3A_987, %add3A_1147 : vector<16xi32>
      %add3A_1149 = arith.constant 11 : i32
      %add3A_1150 = vector.broadcast %add3A_1149 : i32 to vector<16xi32>
      %add3A_1151 = arith.addi %get3A_989, %add3A_1150 : vector<16xi32>
      %gather3A_1152 = tpu.vector_load_idx %arg14[%add3A_985, %add3A_1148] : memref<64x128xf32, #tpu.memory_space<vmem>>[vector<16xi32>, vector<16xi32>], vector<16xf32>,
      %gather3A_1153 = tpu.vector_load_idx %arg15[%add3A_985, %add3A_1151] : memref<64x128xf32, #tpu.memory_space<vmem>>[vector<16xi32>, vector<16xi32>], vector<16xf32>,
      %gather3A_1154 = tpu.vector_load_idx %arg16[%add3A_985, %add3A_1148] : memref<64x128xf32, #tpu.memory_space<vmem>>[vector<16xi32>, vector<16xi32>], vector<16xf32>,
      %gather3A_1155 = tpu.vector_load_idx %arg17[%add3A_985, %add3A_1151] : memref<64x128xf32, #tpu.memory_space<vmem>>[vector<16xi32>, vector<16xi32>], vector<16xf32>,
      %mul3A_1156 = arith.mulf %gather3A_1152, %gather3A_1153 : vector<16xf32>
      %add3A_1157 = arith.addf %add3A_1145, %mul3A_1156 : vector<16xf32>
      %mul3A_1158 = arith.mulf %gather3A_1154, %gather3A_1155 : vector<16xf32>
      %add3A_1159 = arith.addf %add3A_1157, %mul3A_1158 : vector<16xf32>
      %add3A_1160 = arith.constant 12 : i32
      %add3A_1161 = vector.broadcast %add3A_1160 : i32 to vector<16xi32>
      %add3A_1162 = arith.addi %get3A_987, %add3A_1161 : vector<16xi32>
      %add3A_1163 = arith.constant 12 : i32
      %add3A_1164 = vector.broadcast %add3A_1163 : i32 to vector<16xi32>
      %add3A_1165 = arith.addi %get3A_989, %add3A_1164 : vector<16xi32>
      %gather3A_1166 = tpu.vector_load_idx %arg14[%add3A_985, %add3A_1162] : memref<64x128xf32, #tpu.memory_space<vmem>>[vector<16xi32>, vector<16xi32>], vector<16xf32>,
      %gather3A_1167 = tpu.vector_load_idx %arg15[%add3A_985, %add3A_1165] : memref<64x128xf32, #tpu.memory_space<vmem>>[vector<16xi32>, vector<16xi32>], vector<16xf32>,
      %gather3A_1168 = tpu.vector_load_idx %arg16[%add3A_985, %add3A_1162] : memref<64x128xf32, #tpu.memory_space<vmem>>[vector<16xi32>, vector<16xi32>], vector<16xf32>,
      %gather3A_1169 = tpu.vector_load_idx %arg17[%add3A_985, %add3A_1165] : memref<64x128xf32, #tpu.memory_space<vmem>>[vector<16xi32>, vector<16xi32>], vector<16xf32>,
      %mul3A_1170 = arith.mulf %gather3A_1166, %gather3A_1167 : vector<16xf32>
      %add3A_1171 = arith.addf %add3A_1159, %mul3A_1170 : vector<16xf32>
      %mul3A_1172 = arith.mulf %gather3A_1168, %gather3A_1169 : vector<16xf32>
      %add3A_1173 = arith.addf %add3A_1171, %mul3A_1172 : vector<16xf32>
      %add3A_1174 = arith.constant 13 : i32
      %add3A_1175 = vector.broadcast %add3A_1174 : i32 to vector<16xi32>
      %add3A_1176 = arith.addi %get3A_987, %add3A_1175 : vector<16xi32>
      %add3A_1177 = arith.constant 13 : i32
      %add3A_1178 = vector.broadcast %add3A_1177 : i32 to vector<16xi32>
      %add3A_1179 = arith.addi %get3A_989, %add3A_1178 : vector<16xi32>
      %gather3A_1180 = tpu.vector_load_idx %arg14[%add3A_985, %add3A_1176] : memref<64x128xf32, #tpu.memory_space<vmem>>[vector<16xi32>, vector<16xi32>], vector<16xf32>,
      %gather3A_1181 = tpu.vector_load_idx %arg15[%add3A_985, %add3A_1179] : memref<64x128xf32, #tpu.memory_space<vmem>>[vector<16xi32>, vector<16xi32>], vector<16xf32>,
      %gather3A_1182 = tpu.vector_load_idx %arg16[%add3A_985, %add3A_1176] : memref<64x128xf32, #tpu.memory_space<vmem>>[vector<16xi32>, vector<16xi32>], vector<16xf32>,
      %gather3A_1183 = tpu.vector_load_idx %arg17[%add3A_985, %add3A_1179] : memref<64x128xf32, #tpu.memory_space<vmem>>[vector<16xi32>, vector<16xi32>], vector<16xf32>,
      %mul3A_1184 = arith.mulf %gather3A_1180, %gather3A_1181 : vector<16xf32>
      %add3A_1185 = arith.addf %add3A_1173, %mul3A_1184 : vector<16xf32>
      %mul3A_1186 = arith.mulf %gather3A_1182, %gather3A_1183 : vector<16xf32>
      %add3A_1187 = arith.addf %add3A_1185, %mul3A_1186 : vector<16xf32>
      %add3A_1188 = arith.constant 14 : i32
      %add3A_1189 = vector.broadcast %add3A_1188 : i32 to vector<16xi32>
      %add3A_1190 = arith.addi %get3A_987, %add3A_1189 : vector<16xi32>
      %add3A_1191 = arith.constant 14 : i32
      %add3A_1192 = vector.broadcast %add3A_1191 : i32 to vector<16xi32>
      %add3A_1193 = arith.addi %get3A_989, %add3A_1192 : vector<16xi32>
      %gather3A_1194 = tpu.vector_load_idx %arg14[%add3A_985, %add3A_1190] : memref<64x128xf32, #tpu.memory_space<vmem>>[vector<16xi32>, vector<16xi32>], vector<16xf32>,
      %gather3A_1195 = tpu.vector_load_idx %arg15[%add3A_985, %add3A_1193] : memref<64x128xf32, #tpu.memory_space<vmem>>[vector<16xi32>, vector<16xi32>], vector<16xf32>,
      %gather3A_1196 = tpu.vector_load_idx %arg16[%add3A_985, %add3A_1190] : memref<64x128xf32, #tpu.memory_space<vmem>>[vector<16xi32>, vector<16xi32>], vector<16xf32>,
      %gather3A_1197 = tpu.vector_load_idx %arg17[%add3A_985, %add3A_1193] : memref<64x128xf32, #tpu.memory_space<vmem>>[vector<16xi32>, vector<16xi32>], vector<16xf32>,
      %mul3A_1198 = arith.mulf %gather3A_1194, %gather3A_1195 : vector<16xf32>
      %add3A_1199 = arith.addf %add3A_1187, %mul3A_1198 : vector<16xf32>
      %mul3A_1200 = arith.mulf %gather3A_1196, %gather3A_1197 : vector<16xf32>
      %add3A_1201 = arith.addf %add3A_1199, %mul3A_1200 : vector<16xf32>
      %add3A_1202 = arith.constant 15 : i32
      %add3A_1203 = vector.broadcast %add3A_1202 : i32 to vector<16xi32>
      %add3A_1204 = arith.addi %get3A_987, %add3A_1203 : vector<16xi32>
      %add3A_1205 = arith.constant 15 : i32
      %add3A_1206 = vector.broadcast %add3A_1205 : i32 to vector<16xi32>
      %add3A_1207 = arith.addi %get3A_989, %add3A_1206 : vector<16xi32>
      %gather3A_1208 = tpu.vector_load_idx %arg14[%add3A_985, %add3A_1204] : memref<64x128xf32, #tpu.memory_space<vmem>>[vector<16xi32>, vector<16xi32>], vector<16xf32>,
      %gather3A_1209 = tpu.vector_load_idx %arg15[%add3A_985, %add3A_1207] : memref<64x128xf32, #tpu.memory_space<vmem>>[vector<16xi32>, vector<16xi32>], vector<16xf32>,
      %gather3A_1210 = tpu.vector_load_idx %arg16[%add3A_985, %add3A_1204] : memref<64x128xf32, #tpu.memory_space<vmem>>[vector<16xi32>, vector<16xi32>], vector<16xf32>,
      %gather3A_1211 = tpu.vector_load_idx %arg17[%add3A_985, %add3A_1207] : memref<64x128xf32, #tpu.memory_space<vmem>>[vector<16xi32>, vector<16xi32>], vector<16xf32>,
      %mul3A_1212 = arith.mulf %gather3A_1208, %gather3A_1209 : vector<16xf32>
      %add3A_1213 = arith.addf %add3A_1201, %mul3A_1212 : vector<16xf32>
      %mul3A_1214 = arith.mulf %gather3A_1210, %gather3A_1211 : vector<16xf32>
      %add3A_1215 = arith.addf %add3A_1213, %mul3A_1214 : vector<16xf32>
      %add3A_1216 = arith.constant 16 : i32
      %add3A_1217 = vector.broadcast %add3A_1216 : i32 to vector<16xi32>
      %add3A_1218 = arith.addi %get3A_987, %add3A_1217 : vector<16xi32>
      %add3A_1219 = arith.constant 16 : i32
      %add3A_1220 = vector.broadcast %add3A_1219 : i32 to vector<16xi32>
      %add3A_1221 = arith.addi %get3A_989, %add3A_1220 : vector<16xi32>
      %gather3A_1222 = tpu.vector_load_idx %arg14[%add3A_985, %add3A_1218] : memref<64x128xf32, #tpu.memory_space<vmem>>[vector<16xi32>, vector<16xi32>], vector<16xf32>,
      %gather3A_1223 = tpu.vector_load_idx %arg15[%add3A_985, %add3A_1221] : memref<64x128xf32, #tpu.memory_space<vmem>>[vector<16xi32>, vector<16xi32>], vector<16xf32>,
      %gather3A_1224 = tpu.vector_load_idx %arg16[%add3A_985, %add3A_1218] : memref<64x128xf32, #tpu.memory_space<vmem>>[vector<16xi32>, vector<16xi32>], vector<16xf32>,
      %gather3A_1225 = tpu.vector_load_idx %arg17[%add3A_985, %add3A_1221] : memref<64x128xf32, #tpu.memory_space<vmem>>[vector<16xi32>, vector<16xi32>], vector<16xf32>,
      %mul3A_1226 = arith.mulf %gather3A_1222, %gather3A_1223 : vector<16xf32>
      %add3A_1227 = arith.addf %add3A_1215, %mul3A_1226 : vector<16xf32>
      %mul3A_1228 = arith.mulf %gather3A_1224, %gather3A_1225 : vector<16xf32>
      %add3A_1229 = arith.addf %add3A_1227, %mul3A_1228 : vector<16xf32>
      %add3A_1230 = arith.constant 17 : i32
      %add3A_1231 = vector.broadcast %add3A_1230 : i32 to vector<16xi32>
      %add3A_1232 = arith.addi %get3A_987, %add3A_1231 : vector<16xi32>
      %add3A_1233 = arith.constant 17 : i32
      %add3A_1234 = vector.broadcast %add3A_1233 : i32 to vector<16xi32>
      %add3A_1235 = arith.addi %get3A_989, %add3A_1234 : vector<16xi32>
      %gather3A_1236 = tpu.vector_load_idx %arg14[%add3A_985, %add3A_1232] : memref<64x128xf32, #tpu.memory_space<vmem>>[vector<16xi32>, vector<16xi32>], vector<16xf32>,
      %gather3A_1237 = tpu.vector_load_idx %arg15[%add3A_985, %add3A_1235] : memref<64x128xf32, #tpu.memory_space<vmem>>[vector<16xi32>, vector<16xi32>], vector<16xf32>,
      %gather3A_1238 = tpu.vector_load_idx %arg16[%add3A_985, %add3A_1232] : memref<64x128xf32, #tpu.memory_space<vmem>>[vector<16xi32>, vector<16xi32>], vector<16xf32>,
      %gather3A_1239 = tpu.vector_load_idx %arg17[%add3A_985, %add3A_1235] : memref<64x128xf32, #tpu.memory_space<vmem>>[vector<16xi32>, vector<16xi32>], vector<16xf32>,
      %mul3A_1240 = arith.mulf %gather3A_1236, %gather3A_1237 : vector<16xf32>
      %add3A_1241 = arith.addf %add3A_1229, %mul3A_1240 : vector<16xf32>
      %mul3A_1242 = arith.mulf %gather3A_1238, %gather3A_1239 : vector<16xf32>
      %add3A_1243 = arith.addf %add3A_1241, %mul3A_1242 : vector<16xf32>
      %add3A_1244 = arith.constant 18 : i32
      %add3A_1245 = vector.broadcast %add3A_1244 : i32 to vector<16xi32>
      %add3A_1246 = arith.addi %get3A_987, %add3A_1245 : vector<16xi32>
      %add3A_1247 = arith.constant 18 : i32
      %add3A_1248 = vector.broadcast %add3A_1247 : i32 to vector<16xi32>
      %add3A_1249 = arith.addi %get3A_989, %add3A_1248 : vector<16xi32>
      %gather3A_1250 = tpu.vector_load_idx %arg14[%add3A_985, %add3A_1246] : memref<64x128xf32, #tpu.memory_space<vmem>>[vector<16xi32>, vector<16xi32>], vector<16xf32>,
      %gather3A_1251 = tpu.vector_load_idx %arg15[%add3A_985, %add3A_1249] : memref<64x128xf32, #tpu.memory_space<vmem>>[vector<16xi32>, vector<16xi32>], vector<16xf32>,
      %gather3A_1252 = tpu.vector_load_idx %arg16[%add3A_985, %add3A_1246] : memref<64x128xf32, #tpu.memory_space<vmem>>[vector<16xi32>, vector<16xi32>], vector<16xf32>,
      %gather3A_1253 = tpu.vector_load_idx %arg17[%add3A_985, %add3A_1249] : memref<64x128xf32, #tpu.memory_space<vmem>>[vector<16xi32>, vector<16xi32>], vector<16xf32>,
      %mul3A_1254 = arith.mulf %gather3A_1250, %gather3A_1251 : vector<16xf32>
      %add3A_1255 = arith.addf %add3A_1243, %mul3A_1254 : vector<16xf32>
      %mul3A_1256 = arith.mulf %gather3A_1252, %gather3A_1253 : vector<16xf32>
      %add3A_1257 = arith.addf %add3A_1255, %mul3A_1256 : vector<16xf32>
      %add3A_1258 = arith.constant 19 : i32
      %add3A_1259 = vector.broadcast %add3A_1258 : i32 to vector<16xi32>
      %add3A_1260 = arith.addi %get3A_987, %add3A_1259 : vector<16xi32>
      %add3A_1261 = arith.constant 19 : i32
      %add3A_1262 = vector.broadcast %add3A_1261 : i32 to vector<16xi32>
      %add3A_1263 = arith.addi %get3A_989, %add3A_1262 : vector<16xi32>
      %gather3A_1264 = tpu.vector_load_idx %arg14[%add3A_985, %add3A_1260] : memref<64x128xf32, #tpu.memory_space<vmem>>[vector<16xi32>, vector<16xi32>], vector<16xf32>,
      %gather3A_1265 = tpu.vector_load_idx %arg15[%add3A_985, %add3A_1263] : memref<64x128xf32, #tpu.memory_space<vmem>>[vector<16xi32>, vector<16xi32>], vector<16xf32>,
      %gather3A_1266 = tpu.vector_load_idx %arg16[%add3A_985, %add3A_1260] : memref<64x128xf32, #tpu.memory_space<vmem>>[vector<16xi32>, vector<16xi32>], vector<16xf32>,
      %gather3A_1267 = tpu.vector_load_idx %arg17[%add3A_985, %add3A_1263] : memref<64x128xf32, #tpu.memory_space<vmem>>[vector<16xi32>, vector<16xi32>], vector<16xf32>,
      %mul3A_1268 = arith.mulf %gather3A_1264, %gather3A_1265 : vector<16xf32>
      %add3A_1269 = arith.addf %add3A_1257, %mul3A_1268 : vector<16xf32>
      %mul3A_1270 = arith.mulf %gather3A_1266, %gather3A_1267 : vector<16xf32>
      %add3A_1271 = arith.addf %add3A_1269, %mul3A_1270 : vector<16xf32>
      %add3A_1272 = arith.constant 20 : i32
      %add3A_1273 = vector.broadcast %add3A_1272 : i32 to vector<16xi32>
      %add3A_1274 = arith.addi %get3A_987, %add3A_1273 : vector<16xi32>
      %add3A_1275 = arith.constant 20 : i32
      %add3A_1276 = vector.broadcast %add3A_1275 : i32 to vector<16xi32>
      %add3A_1277 = arith.addi %get3A_989, %add3A_1276 : vector<16xi32>
      %gather3A_1278 = tpu.vector_load_idx %arg14[%add3A_985, %add3A_1274] : memref<64x128xf32, #tpu.memory_space<vmem>>[vector<16xi32>, vector<16xi32>], vector<16xf32>,
      %gather3A_1279 = tpu.vector_load_idx %arg15[%add3A_985, %add3A_1277] : memref<64x128xf32, #tpu.memory_space<vmem>>[vector<16xi32>, vector<16xi32>], vector<16xf32>,
      %gather3A_1280 = tpu.vector_load_idx %arg16[%add3A_985, %add3A_1274] : memref<64x128xf32, #tpu.memory_space<vmem>>[vector<16xi32>, vector<16xi32>], vector<16xf32>,
      %gather3A_1281 = tpu.vector_load_idx %arg17[%add3A_985, %add3A_1277] : memref<64x128xf32, #tpu.memory_space<vmem>>[vector<16xi32>, vector<16xi32>], vector<16xf32>,
      %mul3A_1282 = arith.mulf %gather3A_1278, %gather3A_1279 : vector<16xf32>
      %add3A_1283 = arith.addf %add3A_1271, %mul3A_1282 : vector<16xf32>
      %mul3A_1284 = arith.mulf %gather3A_1280, %gather3A_1281 : vector<16xf32>
      %add3A_1285 = arith.addf %add3A_1283, %mul3A_1284 : vector<16xf32>
      %add3A_1286 = arith.constant 21 : i32
      %add3A_1287 = vector.broadcast %add3A_1286 : i32 to vector<16xi32>
      %add3A_1288 = arith.addi %get3A_987, %add3A_1287 : vector<16xi32>
      %add3A_1289 = arith.constant 21 : i32
      %add3A_1290 = vector.broadcast %add3A_1289 : i32 to vector<16xi32>
      %add3A_1291 = arith.addi %get3A_989, %add3A_1290 : vector<16xi32>
      %gather3A_1292 = tpu.vector_load_idx %arg14[%add3A_985, %add3A_1288] : memref<64x128xf32, #tpu.memory_space<vmem>>[vector<16xi32>, vector<16xi32>], vector<16xf32>,
      %gather3A_1293 = tpu.vector_load_idx %arg15[%add3A_985, %add3A_1291] : memref<64x128xf32, #tpu.memory_space<vmem>>[vector<16xi32>, vector<16xi32>], vector<16xf32>,
      %gather3A_1294 = tpu.vector_load_idx %arg16[%add3A_985, %add3A_1288] : memref<64x128xf32, #tpu.memory_space<vmem>>[vector<16xi32>, vector<16xi32>], vector<16xf32>,
      %gather3A_1295 = tpu.vector_load_idx %arg17[%add3A_985, %add3A_1291] : memref<64x128xf32, #tpu.memory_space<vmem>>[vector<16xi32>, vector<16xi32>], vector<16xf32>,
      %mul3A_1296 = arith.mulf %gather3A_1292, %gather3A_1293 : vector<16xf32>
      %add3A_1297 = arith.addf %add3A_1285, %mul3A_1296 : vector<16xf32>
      %mul3A_1298 = arith.mulf %gather3A_1294, %gather3A_1295 : vector<16xf32>
      %add3A_1299 = arith.addf %add3A_1297, %mul3A_1298 : vector<16xf32>
      %add3A_1300 = arith.constant 22 : i32
      %add3A_1301 = vector.broadcast %add3A_1300 : i32 to vector<16xi32>
      %add3A_1302 = arith.addi %get3A_987, %add3A_1301 : vector<16xi32>
      %add3A_1303 = arith.constant 22 : i32
      %add3A_1304 = vector.broadcast %add3A_1303 : i32 to vector<16xi32>
      %add3A_1305 = arith.addi %get3A_989, %add3A_1304 : vector<16xi32>
      %gather3A_1306 = tpu.vector_load_idx %arg14[%add3A_985, %add3A_1302] : memref<64x128xf32, #tpu.memory_space<vmem>>[vector<16xi32>, vector<16xi32>], vector<16xf32>,
      %gather3A_1307 = tpu.vector_load_idx %arg15[%add3A_985, %add3A_1305] : memref<64x128xf32, #tpu.memory_space<vmem>>[vector<16xi32>, vector<16xi32>], vector<16xf32>,
      %gather3A_1308 = tpu.vector_load_idx %arg16[%add3A_985, %add3A_1302] : memref<64x128xf32, #tpu.memory_space<vmem>>[vector<16xi32>, vector<16xi32>], vector<16xf32>,
      %gather3A_1309 = tpu.vector_load_idx %arg17[%add3A_985, %add3A_1305] : memref<64x128xf32, #tpu.memory_space<vmem>>[vector<16xi32>, vector<16xi32>], vector<16xf32>,
      %mul3A_1310 = arith.mulf %gather3A_1306, %gather3A_1307 : vector<16xf32>
      %add3A_1311 = arith.addf %add3A_1299, %mul3A_1310 : vector<16xf32>
      %mul3A_1312 = arith.mulf %gather3A_1308, %gather3A_1309 : vector<16xf32>
      %add3A_1313 = arith.addf %add3A_1311, %mul3A_1312 : vector<16xf32>
      %add3A_1314 = arith.constant 23 : i32
      %add3A_1315 = vector.broadcast %add3A_1314 : i32 to vector<16xi32>
      %add3A_1316 = arith.addi %get3A_987, %add3A_1315 : vector<16xi32>
      %add3A_1317 = arith.constant 23 : i32
      %add3A_1318 = vector.broadcast %add3A_1317 : i32 to vector<16xi32>
      %add3A_1319 = arith.addi %get3A_989, %add3A_1318 : vector<16xi32>
      %gather3A_1320 = tpu.vector_load_idx %arg14[%add3A_985, %add3A_1316] : memref<64x128xf32, #tpu.memory_space<vmem>>[vector<16xi32>, vector<16xi32>], vector<16xf32>,
      %gather3A_1321 = tpu.vector_load_idx %arg15[%add3A_985, %add3A_1319] : memref<64x128xf32, #tpu.memory_space<vmem>>[vector<16xi32>, vector<16xi32>], vector<16xf32>,
      %gather3A_1322 = tpu.vector_load_idx %arg16[%add3A_985, %add3A_1316] : memref<64x128xf32, #tpu.memory_space<vmem>>[vector<16xi32>, vector<16xi32>], vector<16xf32>,
      %gather3A_1323 = tpu.vector_load_idx %arg17[%add3A_985, %add3A_1319] : memref<64x128xf32, #tpu.memory_space<vmem>>[vector<16xi32>, vector<16xi32>], vector<16xf32>,
      %mul3A_1324 = arith.mulf %gather3A_1320, %gather3A_1321 : vector<16xf32>
      %add3A_1325 = arith.addf %add3A_1313, %mul3A_1324 : vector<16xf32>
      %mul3A_1326 = arith.mulf %gather3A_1322, %gather3A_1323 : vector<16xf32>
      %add3A_1327 = arith.addf %add3A_1325, %mul3A_1326 : vector<16xf32>
      %add3A_1328 = arith.constant 24 : i32
      %add3A_1329 = vector.broadcast %add3A_1328 : i32 to vector<16xi32>
      %add3A_1330 = arith.addi %get3A_987, %add3A_1329 : vector<16xi32>
      %add3A_1331 = arith.constant 24 : i32
      %add3A_1332 = vector.broadcast %add3A_1331 : i32 to vector<16xi32>
      %add3A_1333 = arith.addi %get3A_989, %add3A_1332 : vector<16xi32>
      %gather3A_1334 = tpu.vector_load_idx %arg14[%add3A_985, %add3A_1330] : memref<64x128xf32, #tpu.memory_space<vmem>>[vector<16xi32>, vector<16xi32>], vector<16xf32>,
      %gather3A_1335 = tpu.vector_load_idx %arg15[%add3A_985, %add3A_1333] : memref<64x128xf32, #tpu.memory_space<vmem>>[vector<16xi32>, vector<16xi32>], vector<16xf32>,
      %gather3A_1336 = tpu.vector_load_idx %arg16[%add3A_985, %add3A_1330] : memref<64x128xf32, #tpu.memory_space<vmem>>[vector<16xi32>, vector<16xi32>], vector<16xf32>,
      %gather3A_1337 = tpu.vector_load_idx %arg17[%add3A_985, %add3A_1333] : memref<64x128xf32, #tpu.memory_space<vmem>>[vector<16xi32>, vector<16xi32>], vector<16xf32>,
      %mul3A_1338 = arith.mulf %gather3A_1334, %gather3A_1335 : vector<16xf32>
      %add3A_1339 = arith.addf %add3A_1327, %mul3A_1338 : vector<16xf32>
      %mul3A_1340 = arith.mulf %gather3A_1336, %gather3A_1337 : vector<16xf32>
      %add3A_1341 = arith.addf %add3A_1339, %mul3A_1340 : vector<16xf32>
      %add3A_1342 = arith.constant 25 : i32
      %add3A_1343 = vector.broadcast %add3A_1342 : i32 to vector<16xi32>
      %add3A_1344 = arith.addi %get3A_987, %add3A_1343 : vector<16xi32>
      %add3A_1345 = arith.constant 25 : i32
      %add3A_1346 = vector.broadcast %add3A_1345 : i32 to vector<16xi32>
      %add3A_1347 = arith.addi %get3A_989, %add3A_1346 : vector<16xi32>
      %gather3A_1348 = tpu.vector_load_idx %arg14[%add3A_985, %add3A_1344] : memref<64x128xf32, #tpu.memory_space<vmem>>[vector<16xi32>, vector<16xi32>], vector<16xf32>,
      %gather3A_1349 = tpu.vector_load_idx %arg15[%add3A_985, %add3A_1347] : memref<64x128xf32, #tpu.memory_space<vmem>>[vector<16xi32>, vector<16xi32>], vector<16xf32>,
      %gather3A_1350 = tpu.vector_load_idx %arg16[%add3A_985, %add3A_1344] : memref<64x128xf32, #tpu.memory_space<vmem>>[vector<16xi32>, vector<16xi32>], vector<16xf32>,
      %gather3A_1351 = tpu.vector_load_idx %arg17[%add3A_985, %add3A_1347] : memref<64x128xf32, #tpu.memory_space<vmem>>[vector<16xi32>, vector<16xi32>], vector<16xf32>,
      %mul3A_1352 = arith.mulf %gather3A_1348, %gather3A_1349 : vector<16xf32>
      %add3A_1353 = arith.addf %add3A_1341, %mul3A_1352 : vector<16xf32>
      %mul3A_1354 = arith.mulf %gather3A_1350, %gather3A_1351 : vector<16xf32>
      %add3A_1355 = arith.addf %add3A_1353, %mul3A_1354 : vector<16xf32>
      %add3A_1356 = arith.constant 26 : i32
      %add3A_1357 = vector.broadcast %add3A_1356 : i32 to vector<16xi32>
      %add3A_1358 = arith.addi %get3A_987, %add3A_1357 : vector<16xi32>
      %add3A_1359 = arith.constant 26 : i32
      %add3A_1360 = vector.broadcast %add3A_1359 : i32 to vector<16xi32>
      %add3A_1361 = arith.addi %get3A_989, %add3A_1360 : vector<16xi32>
      %gather3A_1362 = tpu.vector_load_idx %arg14[%add3A_985, %add3A_1358] : memref<64x128xf32, #tpu.memory_space<vmem>>[vector<16xi32>, vector<16xi32>], vector<16xf32>,
      %gather3A_1363 = tpu.vector_load_idx %arg15[%add3A_985, %add3A_1361] : memref<64x128xf32, #tpu.memory_space<vmem>>[vector<16xi32>, vector<16xi32>], vector<16xf32>,
      %gather3A_1364 = tpu.vector_load_idx %arg16[%add3A_985, %add3A_1358] : memref<64x128xf32, #tpu.memory_space<vmem>>[vector<16xi32>, vector<16xi32>], vector<16xf32>,
      %gather3A_1365 = tpu.vector_load_idx %arg17[%add3A_985, %add3A_1361] : memref<64x128xf32, #tpu.memory_space<vmem>>[vector<16xi32>, vector<16xi32>], vector<16xf32>,
      %mul3A_1366 = arith.mulf %gather3A_1362, %gather3A_1363 : vector<16xf32>
      %add3A_1367 = arith.addf %add3A_1355, %mul3A_1366 : vector<16xf32>
      %mul3A_1368 = arith.mulf %gather3A_1364, %gather3A_1365 : vector<16xf32>
      %add3A_1369 = arith.addf %add3A_1367, %mul3A_1368 : vector<16xf32>
      %add3A_1370 = arith.constant 27 : i32
      %add3A_1371 = vector.broadcast %add3A_1370 : i32 to vector<16xi32>
      %add3A_1372 = arith.addi %get3A_987, %add3A_1371 : vector<16xi32>
      %add3A_1373 = arith.constant 27 : i32
      %add3A_1374 = vector.broadcast %add3A_1373 : i32 to vector<16xi32>
      %add3A_1375 = arith.addi %get3A_989, %add3A_1374 : vector<16xi32>
      %gather3A_1376 = tpu.vector_load_idx %arg14[%add3A_985, %add3A_1372] : memref<64x128xf32, #tpu.memory_space<vmem>>[vector<16xi32>, vector<16xi32>], vector<16xf32>,
      %gather3A_1377 = tpu.vector_load_idx %arg15[%add3A_985, %add3A_1375] : memref<64x128xf32, #tpu.memory_space<vmem>>[vector<16xi32>, vector<16xi32>], vector<16xf32>,
      %gather3A_1378 = tpu.vector_load_idx %arg16[%add3A_985, %add3A_1372] : memref<64x128xf32, #tpu.memory_space<vmem>>[vector<16xi32>, vector<16xi32>], vector<16xf32>,
      %gather3A_1379 = tpu.vector_load_idx %arg17[%add3A_985, %add3A_1375] : memref<64x128xf32, #tpu.memory_space<vmem>>[vector<16xi32>, vector<16xi32>], vector<16xf32>,
      %mul3A_1380 = arith.mulf %gather3A_1376, %gather3A_1377 : vector<16xf32>
      %add3A_1381 = arith.addf %add3A_1369, %mul3A_1380 : vector<16xf32>
      %mul3A_1382 = arith.mulf %gather3A_1378, %gather3A_1379 : vector<16xf32>
      %add3A_1383 = arith.addf %add3A_1381, %mul3A_1382 : vector<16xf32>
      %add3A_1384 = arith.constant 28 : i32
      %add3A_1385 = vector.broadcast %add3A_1384 : i32 to vector<16xi32>
      %add3A_1386 = arith.addi %get3A_987, %add3A_1385 : vector<16xi32>
      %add3A_1387 = arith.constant 28 : i32
      %add3A_1388 = vector.broadcast %add3A_1387 : i32 to vector<16xi32>
      %add3A_1389 = arith.addi %get3A_989, %add3A_1388 : vector<16xi32>
      %gather3A_1390 = tpu.vector_load_idx %arg14[%add3A_985, %add3A_1386] : memref<64x128xf32, #tpu.memory_space<vmem>>[vector<16xi32>, vector<16xi32>], vector<16xf32>,
      %gather3A_1391 = tpu.vector_load_idx %arg15[%add3A_985, %add3A_1389] : memref<64x128xf32, #tpu.memory_space<vmem>>[vector<16xi32>, vector<16xi32>], vector<16xf32>,
      %gather3A_1392 = tpu.vector_load_idx %arg16[%add3A_985, %add3A_1386] : memref<64x128xf32, #tpu.memory_space<vmem>>[vector<16xi32>, vector<16xi32>], vector<16xf32>,
      %gather3A_1393 = tpu.vector_load_idx %arg17[%add3A_985, %add3A_1389] : memref<64x128xf32, #tpu.memory_space<vmem>>[vector<16xi32>, vector<16xi32>], vector<16xf32>,
      %mul3A_1394 = arith.mulf %gather3A_1390, %gather3A_1391 : vector<16xf32>
      %add3A_1395 = arith.addf %add3A_1383, %mul3A_1394 : vector<16xf32>
      %mul3A_1396 = arith.mulf %gather3A_1392, %gather3A_1393 : vector<16xf32>
      %add3A_1397 = arith.addf %add3A_1395, %mul3A_1396 : vector<16xf32>
      %add3A_1398 = arith.constant 29 : i32
      %add3A_1399 = vector.broadcast %add3A_1398 : i32 to vector<16xi32>
      %add3A_1400 = arith.addi %get3A_987, %add3A_1399 : vector<16xi32>
      %add3A_1401 = arith.constant 29 : i32
      %add3A_1402 = vector.broadcast %add3A_1401 : i32 to vector<16xi32>
      %add3A_1403 = arith.addi %get3A_989, %add3A_1402 : vector<16xi32>
      %gather3A_1404 = tpu.vector_load_idx %arg14[%add3A_985, %add3A_1400] : memref<64x128xf32, #tpu.memory_space<vmem>>[vector<16xi32>, vector<16xi32>], vector<16xf32>,
      %gather3A_1405 = tpu.vector_load_idx %arg15[%add3A_985, %add3A_1403] : memref<64x128xf32, #tpu.memory_space<vmem>>[vector<16xi32>, vector<16xi32>], vector<16xf32>,
      %gather3A_1406 = tpu.vector_load_idx %arg16[%add3A_985, %add3A_1400] : memref<64x128xf32, #tpu.memory_space<vmem>>[vector<16xi32>, vector<16xi32>], vector<16xf32>,
      %gather3A_1407 = tpu.vector_load_idx %arg17[%add3A_985, %add3A_1403] : memref<64x128xf32, #tpu.memory_space<vmem>>[vector<16xi32>, vector<16xi32>], vector<16xf32>,
      %mul3A_1408 = arith.mulf %gather3A_1404, %gather3A_1405 : vector<16xf32>
      %add3A_1409 = arith.addf %add3A_1397, %mul3A_1408 : vector<16xf32>
      %mul3A_1410 = arith.mulf %gather3A_1406, %gather3A_1407 : vector<16xf32>
      %add3A_1411 = arith.addf %add3A_1409, %mul3A_1410 : vector<16xf32>
      %add3A_1412 = arith.constant 30 : i32
      %add3A_1413 = vector.broadcast %add3A_1412 : i32 to vector<16xi32>
      %add3A_1414 = arith.addi %get3A_987, %add3A_1413 : vector<16xi32>
      %add3A_1415 = arith.constant 30 : i32
      %add3A_1416 = vector.broadcast %add3A_1415 : i32 to vector<16xi32>
      %add3A_1417 = arith.addi %get3A_989, %add3A_1416 : vector<16xi32>
      %gather3A_1418 = tpu.vector_load_idx %arg14[%add3A_985, %add3A_1414] : memref<64x128xf32, #tpu.memory_space<vmem>>[vector<16xi32>, vector<16xi32>], vector<16xf32>,
      %gather3A_1419 = tpu.vector_load_idx %arg15[%add3A_985, %add3A_1417] : memref<64x128xf32, #tpu.memory_space<vmem>>[vector<16xi32>, vector<16xi32>], vector<16xf32>,
      %gather3A_1420 = tpu.vector_load_idx %arg16[%add3A_985, %add3A_1414] : memref<64x128xf32, #tpu.memory_space<vmem>>[vector<16xi32>, vector<16xi32>], vector<16xf32>,
      %gather3A_1421 = tpu.vector_load_idx %arg17[%add3A_985, %add3A_1417] : memref<64x128xf32, #tpu.memory_space<vmem>>[vector<16xi32>, vector<16xi32>], vector<16xf32>,
      %mul3A_1422 = arith.mulf %gather3A_1418, %gather3A_1419 : vector<16xf32>
      %add3A_1423 = arith.addf %add3A_1411, %mul3A_1422 : vector<16xf32>
      %mul3A_1424 = arith.mulf %gather3A_1420, %gather3A_1421 : vector<16xf32>
      %add3A_1425 = arith.addf %add3A_1423, %mul3A_1424 : vector<16xf32>
      %add3A_1426 = arith.constant 31 : i32
      %add3A_1427 = vector.broadcast %add3A_1426 : i32 to vector<16xi32>
      %add3A_1428 = arith.addi %get3A_987, %add3A_1427 : vector<16xi32>
      %add3A_1429 = arith.constant 31 : i32
      %add3A_1430 = vector.broadcast %add3A_1429 : i32 to vector<16xi32>
      %add3A_1431 = arith.addi %get3A_989, %add3A_1430 : vector<16xi32>
      %gather3A_1432 = tpu.vector_load_idx %arg14[%add3A_985, %add3A_1428] : memref<64x128xf32, #tpu.memory_space<vmem>>[vector<16xi32>, vector<16xi32>], vector<16xf32>,
      %gather3A_1433 = tpu.vector_load_idx %arg15[%add3A_985, %add3A_1431] : memref<64x128xf32, #tpu.memory_space<vmem>>[vector<16xi32>, vector<16xi32>], vector<16xf32>,
      %gather3A_1434 = tpu.vector_load_idx %arg16[%add3A_985, %add3A_1428] : memref<64x128xf32, #tpu.memory_space<vmem>>[vector<16xi32>, vector<16xi32>], vector<16xf32>,
      %gather3A_1435 = tpu.vector_load_idx %arg17[%add3A_985, %add3A_1431] : memref<64x128xf32, #tpu.memory_space<vmem>>[vector<16xi32>, vector<16xi32>], vector<16xf32>,
      %mul3A_1436 = arith.mulf %gather3A_1432, %gather3A_1433 : vector<16xf32>
      %add3A_1437 = arith.addf %add3A_1425, %mul3A_1436 : vector<16xf32>
      %mul3A_1438 = arith.mulf %gather3A_1434, %gather3A_1435 : vector<16xf32>
      %add3A_1439 = arith.addf %add3A_1437, %mul3A_1438 : vector<16xf32>
      %swap3A_1440 = arith.index_cast %add3A_981 : i32 to index
      %swap3A_1441 = tpu.vector_load %arg18[%swap3A_1440] {strides = array<i32>} : memref<512xf32, #tpu.memory_space<vmem>>, vector<16xf32>,
      tpu.vector_store %arg18[%swap3A_1440], %add3A_1439 {strides = array<i32>} : memref<512xf32, #tpu.memory_space<vmem>>, vector<16xf32>,
      %mul3A_1442 = arith.constant 64 : i32
      %mul3A_1443 = arith.muli %scan3A_8, %mul3A_1442 : i32
      %add3A_1444 = arith.constant 48 : i32
      %add3A_1445 = arith.addi %mul3A_1443, %add3A_1444 : i32
      %iota3A_1446 = tpu.iota {dimensions = array<i32: 0>} : vector<16xi32>
      %add3A_1447 = arith.constant 48 : i32
      %add3A_1448 = vector.broadcast %add3A_1447 : i32 to vector<16xi32>
      %add3A_1449 = arith.addi %add3A_1448, %iota3A_1446 : vector<16xi32>
      %get3A_1450 = arith.index_cast %add3A_1445 : i32 to index
      %get3A_1451 = tpu.vector_load %arg12[%get3A_1450] {strides = array<i32>} : memref<512xi32, #tpu.memory_space<vmem>>, vector<16xi32>,
      %get3A_1452 = arith.index_cast %add3A_1445 : i32 to index
      %get3A_1453 = tpu.vector_load %arg13[%get3A_1452] {strides = array<i32>} : memref<512xi32, #tpu.memory_space<vmem>>, vector<16xi32>,
      %broadcast_in_dim3A_1454 = arith.constant 0.000000e+00 : f32
      %broadcast_in_dim3A_1455 = vector.broadcast %broadcast_in_dim3A_1454 : f32 to vector<16xf32>
      %add3A_1456 = arith.constant 0 : i32
      %add3A_1457 = vector.broadcast %add3A_1456 : i32 to vector<16xi32>
      %add3A_1458 = arith.addi %get3A_1451, %add3A_1457 : vector<16xi32>
      %add3A_1459 = arith.constant 0 : i32
      %add3A_1460 = vector.broadcast %add3A_1459 : i32 to vector<16xi32>
      %add3A_1461 = arith.addi %get3A_1453, %add3A_1460 : vector<16xi32>
      %gather3A_1462 = tpu.vector_load_idx %arg14[%add3A_1449, %add3A_1458] : memref<64x128xf32, #tpu.memory_space<vmem>>[vector<16xi32>, vector<16xi32>], vector<16xf32>,
      %gather3A_1463 = tpu.vector_load_idx %arg15[%add3A_1449, %add3A_1461] : memref<64x128xf32, #tpu.memory_space<vmem>>[vector<16xi32>, vector<16xi32>], vector<16xf32>,
      %gather3A_1464 = tpu.vector_load_idx %arg16[%add3A_1449, %add3A_1458] : memref<64x128xf32, #tpu.memory_space<vmem>>[vector<16xi32>, vector<16xi32>], vector<16xf32>,
      %gather3A_1465 = tpu.vector_load_idx %arg17[%add3A_1449, %add3A_1461] : memref<64x128xf32, #tpu.memory_space<vmem>>[vector<16xi32>, vector<16xi32>], vector<16xf32>,
      %mul3A_1466 = arith.mulf %gather3A_1462, %gather3A_1463 : vector<16xf32>
      %add3A_1467 = arith.addf %broadcast_in_dim3A_1455, %mul3A_1466 : vector<16xf32>
      %mul3A_1468 = arith.mulf %gather3A_1464, %gather3A_1465 : vector<16xf32>
      %add3A_1469 = arith.addf %add3A_1467, %mul3A_1468 : vector<16xf32>
      %add3A_1470 = arith.constant 1 : i32
      %add3A_1471 = vector.broadcast %add3A_1470 : i32 to vector<16xi32>
      %add3A_1472 = arith.addi %get3A_1451, %add3A_1471 : vector<16xi32>
      %add3A_1473 = arith.constant 1 : i32
      %add3A_1474 = vector.broadcast %add3A_1473 : i32 to vector<16xi32>
      %add3A_1475 = arith.addi %get3A_1453, %add3A_1474 : vector<16xi32>
      %gather3A_1476 = tpu.vector_load_idx %arg14[%add3A_1449, %add3A_1472] : memref<64x128xf32, #tpu.memory_space<vmem>>[vector<16xi32>, vector<16xi32>], vector<16xf32>,
      %gather3A_1477 = tpu.vector_load_idx %arg15[%add3A_1449, %add3A_1475] : memref<64x128xf32, #tpu.memory_space<vmem>>[vector<16xi32>, vector<16xi32>], vector<16xf32>,
      %gather3A_1478 = tpu.vector_load_idx %arg16[%add3A_1449, %add3A_1472] : memref<64x128xf32, #tpu.memory_space<vmem>>[vector<16xi32>, vector<16xi32>], vector<16xf32>,
      %gather3A_1479 = tpu.vector_load_idx %arg17[%add3A_1449, %add3A_1475] : memref<64x128xf32, #tpu.memory_space<vmem>>[vector<16xi32>, vector<16xi32>], vector<16xf32>,
      %mul3A_1480 = arith.mulf %gather3A_1476, %gather3A_1477 : vector<16xf32>
      %add3A_1481 = arith.addf %add3A_1469, %mul3A_1480 : vector<16xf32>
      %mul3A_1482 = arith.mulf %gather3A_1478, %gather3A_1479 : vector<16xf32>
      %add3A_1483 = arith.addf %add3A_1481, %mul3A_1482 : vector<16xf32>
      %add3A_1484 = arith.constant 2 : i32
      %add3A_1485 = vector.broadcast %add3A_1484 : i32 to vector<16xi32>
      %add3A_1486 = arith.addi %get3A_1451, %add3A_1485 : vector<16xi32>
      %add3A_1487 = arith.constant 2 : i32
      %add3A_1488 = vector.broadcast %add3A_1487 : i32 to vector<16xi32>
      %add3A_1489 = arith.addi %get3A_1453, %add3A_1488 : vector<16xi32>
      %gather3A_1490 = tpu.vector_load_idx %arg14[%add3A_1449, %add3A_1486] : memref<64x128xf32, #tpu.memory_space<vmem>>[vector<16xi32>, vector<16xi32>], vector<16xf32>,
      %gather3A_1491 = tpu.vector_load_idx %arg15[%add3A_1449, %add3A_1489] : memref<64x128xf32, #tpu.memory_space<vmem>>[vector<16xi32>, vector<16xi32>], vector<16xf32>,
      %gather3A_1492 = tpu.vector_load_idx %arg16[%add3A_1449, %add3A_1486] : memref<64x128xf32, #tpu.memory_space<vmem>>[vector<16xi32>, vector<16xi32>], vector<16xf32>,
      %gather3A_1493 = tpu.vector_load_idx %arg17[%add3A_1449, %add3A_1489] : memref<64x128xf32, #tpu.memory_space<vmem>>[vector<16xi32>, vector<16xi32>], vector<16xf32>,
      %mul3A_1494 = arith.mulf %gather3A_1490, %gather3A_1491 : vector<16xf32>
      %add3A_1495 = arith.addf %add3A_1483, %mul3A_1494 : vector<16xf32>
      %mul3A_1496 = arith.mulf %gather3A_1492, %gather3A_1493 : vector<16xf32>
      %add3A_1497 = arith.addf %add3A_1495, %mul3A_1496 : vector<16xf32>
      %add3A_1498 = arith.constant 3 : i32
      %add3A_1499 = vector.broadcast %add3A_1498 : i32 to vector<16xi32>
      %add3A_1500 = arith.addi %get3A_1451, %add3A_1499 : vector<16xi32>
      %add3A_1501 = arith.constant 3 : i32
      %add3A_1502 = vector.broadcast %add3A_1501 : i32 to vector<16xi32>
      %add3A_1503 = arith.addi %get3A_1453, %add3A_1502 : vector<16xi32>
      %gather3A_1504 = tpu.vector_load_idx %arg14[%add3A_1449, %add3A_1500] : memref<64x128xf32, #tpu.memory_space<vmem>>[vector<16xi32>, vector<16xi32>], vector<16xf32>,
      %gather3A_1505 = tpu.vector_load_idx %arg15[%add3A_1449, %add3A_1503] : memref<64x128xf32, #tpu.memory_space<vmem>>[vector<16xi32>, vector<16xi32>], vector<16xf32>,
      %gather3A_1506 = tpu.vector_load_idx %arg16[%add3A_1449, %add3A_1500] : memref<64x128xf32, #tpu.memory_space<vmem>>[vector<16xi32>, vector<16xi32>], vector<16xf32>,
      %gather3A_1507 = tpu.vector_load_idx %arg17[%add3A_1449, %add3A_1503] : memref<64x128xf32, #tpu.memory_space<vmem>>[vector<16xi32>, vector<16xi32>], vector<16xf32>,
      %mul3A_1508 = arith.mulf %gather3A_1504, %gather3A_1505 : vector<16xf32>
      %add3A_1509 = arith.addf %add3A_1497, %mul3A_1508 : vector<16xf32>
      %mul3A_1510 = arith.mulf %gather3A_1506, %gather3A_1507 : vector<16xf32>
      %add3A_1511 = arith.addf %add3A_1509, %mul3A_1510 : vector<16xf32>
      %add3A_1512 = arith.constant 4 : i32
      %add3A_1513 = vector.broadcast %add3A_1512 : i32 to vector<16xi32>
      %add3A_1514 = arith.addi %get3A_1451, %add3A_1513 : vector<16xi32>
      %add3A_1515 = arith.constant 4 : i32
      %add3A_1516 = vector.broadcast %add3A_1515 : i32 to vector<16xi32>
      %add3A_1517 = arith.addi %get3A_1453, %add3A_1516 : vector<16xi32>
      %gather3A_1518 = tpu.vector_load_idx %arg14[%add3A_1449, %add3A_1514] : memref<64x128xf32, #tpu.memory_space<vmem>>[vector<16xi32>, vector<16xi32>], vector<16xf32>,
      %gather3A_1519 = tpu.vector_load_idx %arg15[%add3A_1449, %add3A_1517] : memref<64x128xf32, #tpu.memory_space<vmem>>[vector<16xi32>, vector<16xi32>], vector<16xf32>,
      %gather3A_1520 = tpu.vector_load_idx %arg16[%add3A_1449, %add3A_1514] : memref<64x128xf32, #tpu.memory_space<vmem>>[vector<16xi32>, vector<16xi32>], vector<16xf32>,
      %gather3A_1521 = tpu.vector_load_idx %arg17[%add3A_1449, %add3A_1517] : memref<64x128xf32, #tpu.memory_space<vmem>>[vector<16xi32>, vector<16xi32>], vector<16xf32>,
      %mul3A_1522 = arith.mulf %gather3A_1518, %gather3A_1519 : vector<16xf32>
      %add3A_1523 = arith.addf %add3A_1511, %mul3A_1522 : vector<16xf32>
      %mul3A_1524 = arith.mulf %gather3A_1520, %gather3A_1521 : vector<16xf32>
      %add3A_1525 = arith.addf %add3A_1523, %mul3A_1524 : vector<16xf32>
      %add3A_1526 = arith.constant 5 : i32
      %add3A_1527 = vector.broadcast %add3A_1526 : i32 to vector<16xi32>
      %add3A_1528 = arith.addi %get3A_1451, %add3A_1527 : vector<16xi32>
      %add3A_1529 = arith.constant 5 : i32
      %add3A_1530 = vector.broadcast %add3A_1529 : i32 to vector<16xi32>
      %add3A_1531 = arith.addi %get3A_1453, %add3A_1530 : vector<16xi32>
      %gather3A_1532 = tpu.vector_load_idx %arg14[%add3A_1449, %add3A_1528] : memref<64x128xf32, #tpu.memory_space<vmem>>[vector<16xi32>, vector<16xi32>], vector<16xf32>,
      %gather3A_1533 = tpu.vector_load_idx %arg15[%add3A_1449, %add3A_1531] : memref<64x128xf32, #tpu.memory_space<vmem>>[vector<16xi32>, vector<16xi32>], vector<16xf32>,
      %gather3A_1534 = tpu.vector_load_idx %arg16[%add3A_1449, %add3A_1528] : memref<64x128xf32, #tpu.memory_space<vmem>>[vector<16xi32>, vector<16xi32>], vector<16xf32>,
      %gather3A_1535 = tpu.vector_load_idx %arg17[%add3A_1449, %add3A_1531] : memref<64x128xf32, #tpu.memory_space<vmem>>[vector<16xi32>, vector<16xi32>], vector<16xf32>,
      %mul3A_1536 = arith.mulf %gather3A_1532, %gather3A_1533 : vector<16xf32>
      %add3A_1537 = arith.addf %add3A_1525, %mul3A_1536 : vector<16xf32>
      %mul3A_1538 = arith.mulf %gather3A_1534, %gather3A_1535 : vector<16xf32>
      %add3A_1539 = arith.addf %add3A_1537, %mul3A_1538 : vector<16xf32>
      %add3A_1540 = arith.constant 6 : i32
      %add3A_1541 = vector.broadcast %add3A_1540 : i32 to vector<16xi32>
      %add3A_1542 = arith.addi %get3A_1451, %add3A_1541 : vector<16xi32>
      %add3A_1543 = arith.constant 6 : i32
      %add3A_1544 = vector.broadcast %add3A_1543 : i32 to vector<16xi32>
      %add3A_1545 = arith.addi %get3A_1453, %add3A_1544 : vector<16xi32>
      %gather3A_1546 = tpu.vector_load_idx %arg14[%add3A_1449, %add3A_1542] : memref<64x128xf32, #tpu.memory_space<vmem>>[vector<16xi32>, vector<16xi32>], vector<16xf32>,
      %gather3A_1547 = tpu.vector_load_idx %arg15[%add3A_1449, %add3A_1545] : memref<64x128xf32, #tpu.memory_space<vmem>>[vector<16xi32>, vector<16xi32>], vector<16xf32>,
      %gather3A_1548 = tpu.vector_load_idx %arg16[%add3A_1449, %add3A_1542] : memref<64x128xf32, #tpu.memory_space<vmem>>[vector<16xi32>, vector<16xi32>], vector<16xf32>,
      %gather3A_1549 = tpu.vector_load_idx %arg17[%add3A_1449, %add3A_1545] : memref<64x128xf32, #tpu.memory_space<vmem>>[vector<16xi32>, vector<16xi32>], vector<16xf32>,
      %mul3A_1550 = arith.mulf %gather3A_1546, %gather3A_1547 : vector<16xf32>
      %add3A_1551 = arith.addf %add3A_1539, %mul3A_1550 : vector<16xf32>
      %mul3A_1552 = arith.mulf %gather3A_1548, %gather3A_1549 : vector<16xf32>
      %add3A_1553 = arith.addf %add3A_1551, %mul3A_1552 : vector<16xf32>
      %add3A_1554 = arith.constant 7 : i32
      %add3A_1555 = vector.broadcast %add3A_1554 : i32 to vector<16xi32>
      %add3A_1556 = arith.addi %get3A_1451, %add3A_1555 : vector<16xi32>
      %add3A_1557 = arith.constant 7 : i32
      %add3A_1558 = vector.broadcast %add3A_1557 : i32 to vector<16xi32>
      %add3A_1559 = arith.addi %get3A_1453, %add3A_1558 : vector<16xi32>
      %gather3A_1560 = tpu.vector_load_idx %arg14[%add3A_1449, %add3A_1556] : memref<64x128xf32, #tpu.memory_space<vmem>>[vector<16xi32>, vector<16xi32>], vector<16xf32>,
      %gather3A_1561 = tpu.vector_load_idx %arg15[%add3A_1449, %add3A_1559] : memref<64x128xf32, #tpu.memory_space<vmem>>[vector<16xi32>, vector<16xi32>], vector<16xf32>,
      %gather3A_1562 = tpu.vector_load_idx %arg16[%add3A_1449, %add3A_1556] : memref<64x128xf32, #tpu.memory_space<vmem>>[vector<16xi32>, vector<16xi32>], vector<16xf32>,
      %gather3A_1563 = tpu.vector_load_idx %arg17[%add3A_1449, %add3A_1559] : memref<64x128xf32, #tpu.memory_space<vmem>>[vector<16xi32>, vector<16xi32>], vector<16xf32>,
      %mul3A_1564 = arith.mulf %gather3A_1560, %gather3A_1561 : vector<16xf32>
      %add3A_1565 = arith.addf %add3A_1553, %mul3A_1564 : vector<16xf32>
      %mul3A_1566 = arith.mulf %gather3A_1562, %gather3A_1563 : vector<16xf32>
      %add3A_1567 = arith.addf %add3A_1565, %mul3A_1566 : vector<16xf32>
      %add3A_1568 = arith.constant 8 : i32
      %add3A_1569 = vector.broadcast %add3A_1568 : i32 to vector<16xi32>
      %add3A_1570 = arith.addi %get3A_1451, %add3A_1569 : vector<16xi32>
      %add3A_1571 = arith.constant 8 : i32
      %add3A_1572 = vector.broadcast %add3A_1571 : i32 to vector<16xi32>
      %add3A_1573 = arith.addi %get3A_1453, %add3A_1572 : vector<16xi32>
      %gather3A_1574 = tpu.vector_load_idx %arg14[%add3A_1449, %add3A_1570] : memref<64x128xf32, #tpu.memory_space<vmem>>[vector<16xi32>, vector<16xi32>], vector<16xf32>,
      %gather3A_1575 = tpu.vector_load_idx %arg15[%add3A_1449, %add3A_1573] : memref<64x128xf32, #tpu.memory_space<vmem>>[vector<16xi32>, vector<16xi32>], vector<16xf32>,
      %gather3A_1576 = tpu.vector_load_idx %arg16[%add3A_1449, %add3A_1570] : memref<64x128xf32, #tpu.memory_space<vmem>>[vector<16xi32>, vector<16xi32>], vector<16xf32>,
      %gather3A_1577 = tpu.vector_load_idx %arg17[%add3A_1449, %add3A_1573] : memref<64x128xf32, #tpu.memory_space<vmem>>[vector<16xi32>, vector<16xi32>], vector<16xf32>,
      %mul3A_1578 = arith.mulf %gather3A_1574, %gather3A_1575 : vector<16xf32>
      %add3A_1579 = arith.addf %add3A_1567, %mul3A_1578 : vector<16xf32>
      %mul3A_1580 = arith.mulf %gather3A_1576, %gather3A_1577 : vector<16xf32>
      %add3A_1581 = arith.addf %add3A_1579, %mul3A_1580 : vector<16xf32>
      %add3A_1582 = arith.constant 9 : i32
      %add3A_1583 = vector.broadcast %add3A_1582 : i32 to vector<16xi32>
      %add3A_1584 = arith.addi %get3A_1451, %add3A_1583 : vector<16xi32>
      %add3A_1585 = arith.constant 9 : i32
      %add3A_1586 = vector.broadcast %add3A_1585 : i32 to vector<16xi32>
      %add3A_1587 = arith.addi %get3A_1453, %add3A_1586 : vector<16xi32>
      %gather3A_1588 = tpu.vector_load_idx %arg14[%add3A_1449, %add3A_1584] : memref<64x128xf32, #tpu.memory_space<vmem>>[vector<16xi32>, vector<16xi32>], vector<16xf32>,
      %gather3A_1589 = tpu.vector_load_idx %arg15[%add3A_1449, %add3A_1587] : memref<64x128xf32, #tpu.memory_space<vmem>>[vector<16xi32>, vector<16xi32>], vector<16xf32>,
      %gather3A_1590 = tpu.vector_load_idx %arg16[%add3A_1449, %add3A_1584] : memref<64x128xf32, #tpu.memory_space<vmem>>[vector<16xi32>, vector<16xi32>], vector<16xf32>,
      %gather3A_1591 = tpu.vector_load_idx %arg17[%add3A_1449, %add3A_1587] : memref<64x128xf32, #tpu.memory_space<vmem>>[vector<16xi32>, vector<16xi32>], vector<16xf32>,
      %mul3A_1592 = arith.mulf %gather3A_1588, %gather3A_1589 : vector<16xf32>
      %add3A_1593 = arith.addf %add3A_1581, %mul3A_1592 : vector<16xf32>
      %mul3A_1594 = arith.mulf %gather3A_1590, %gather3A_1591 : vector<16xf32>
      %add3A_1595 = arith.addf %add3A_1593, %mul3A_1594 : vector<16xf32>
      %add3A_1596 = arith.constant 10 : i32
      %add3A_1597 = vector.broadcast %add3A_1596 : i32 to vector<16xi32>
      %add3A_1598 = arith.addi %get3A_1451, %add3A_1597 : vector<16xi32>
      %add3A_1599 = arith.constant 10 : i32
      %add3A_1600 = vector.broadcast %add3A_1599 : i32 to vector<16xi32>
      %add3A_1601 = arith.addi %get3A_1453, %add3A_1600 : vector<16xi32>
      %gather3A_1602 = tpu.vector_load_idx %arg14[%add3A_1449, %add3A_1598] : memref<64x128xf32, #tpu.memory_space<vmem>>[vector<16xi32>, vector<16xi32>], vector<16xf32>,
      %gather3A_1603 = tpu.vector_load_idx %arg15[%add3A_1449, %add3A_1601] : memref<64x128xf32, #tpu.memory_space<vmem>>[vector<16xi32>, vector<16xi32>], vector<16xf32>,
      %gather3A_1604 = tpu.vector_load_idx %arg16[%add3A_1449, %add3A_1598] : memref<64x128xf32, #tpu.memory_space<vmem>>[vector<16xi32>, vector<16xi32>], vector<16xf32>,
      %gather3A_1605 = tpu.vector_load_idx %arg17[%add3A_1449, %add3A_1601] : memref<64x128xf32, #tpu.memory_space<vmem>>[vector<16xi32>, vector<16xi32>], vector<16xf32>,
      %mul3A_1606 = arith.mulf %gather3A_1602, %gather3A_1603 : vector<16xf32>
      %add3A_1607 = arith.addf %add3A_1595, %mul3A_1606 : vector<16xf32>
      %mul3A_1608 = arith.mulf %gather3A_1604, %gather3A_1605 : vector<16xf32>
      %add3A_1609 = arith.addf %add3A_1607, %mul3A_1608 : vector<16xf32>
      %add3A_1610 = arith.constant 11 : i32
      %add3A_1611 = vector.broadcast %add3A_1610 : i32 to vector<16xi32>
      %add3A_1612 = arith.addi %get3A_1451, %add3A_1611 : vector<16xi32>
      %add3A_1613 = arith.constant 11 : i32
      %add3A_1614 = vector.broadcast %add3A_1613 : i32 to vector<16xi32>
      %add3A_1615 = arith.addi %get3A_1453, %add3A_1614 : vector<16xi32>
      %gather3A_1616 = tpu.vector_load_idx %arg14[%add3A_1449, %add3A_1612] : memref<64x128xf32, #tpu.memory_space<vmem>>[vector<16xi32>, vector<16xi32>], vector<16xf32>,
      %gather3A_1617 = tpu.vector_load_idx %arg15[%add3A_1449, %add3A_1615] : memref<64x128xf32, #tpu.memory_space<vmem>>[vector<16xi32>, vector<16xi32>], vector<16xf32>,
      %gather3A_1618 = tpu.vector_load_idx %arg16[%add3A_1449, %add3A_1612] : memref<64x128xf32, #tpu.memory_space<vmem>>[vector<16xi32>, vector<16xi32>], vector<16xf32>,
      %gather3A_1619 = tpu.vector_load_idx %arg17[%add3A_1449, %add3A_1615] : memref<64x128xf32, #tpu.memory_space<vmem>>[vector<16xi32>, vector<16xi32>], vector<16xf32>,
      %mul3A_1620 = arith.mulf %gather3A_1616, %gather3A_1617 : vector<16xf32>
      %add3A_1621 = arith.addf %add3A_1609, %mul3A_1620 : vector<16xf32>
      %mul3A_1622 = arith.mulf %gather3A_1618, %gather3A_1619 : vector<16xf32>
      %add3A_1623 = arith.addf %add3A_1621, %mul3A_1622 : vector<16xf32>
      %add3A_1624 = arith.constant 12 : i32
      %add3A_1625 = vector.broadcast %add3A_1624 : i32 to vector<16xi32>
      %add3A_1626 = arith.addi %get3A_1451, %add3A_1625 : vector<16xi32>
      %add3A_1627 = arith.constant 12 : i32
      %add3A_1628 = vector.broadcast %add3A_1627 : i32 to vector<16xi32>
      %add3A_1629 = arith.addi %get3A_1453, %add3A_1628 : vector<16xi32>
      %gather3A_1630 = tpu.vector_load_idx %arg14[%add3A_1449, %add3A_1626] : memref<64x128xf32, #tpu.memory_space<vmem>>[vector<16xi32>, vector<16xi32>], vector<16xf32>,
      %gather3A_1631 = tpu.vector_load_idx %arg15[%add3A_1449, %add3A_1629] : memref<64x128xf32, #tpu.memory_space<vmem>>[vector<16xi32>, vector<16xi32>], vector<16xf32>,
      %gather3A_1632 = tpu.vector_load_idx %arg16[%add3A_1449, %add3A_1626] : memref<64x128xf32, #tpu.memory_space<vmem>>[vector<16xi32>, vector<16xi32>], vector<16xf32>,
      %gather3A_1633 = tpu.vector_load_idx %arg17[%add3A_1449, %add3A_1629] : memref<64x128xf32, #tpu.memory_space<vmem>>[vector<16xi32>, vector<16xi32>], vector<16xf32>,
      %mul3A_1634 = arith.mulf %gather3A_1630, %gather3A_1631 : vector<16xf32>
      %add3A_1635 = arith.addf %add3A_1623, %mul3A_1634 : vector<16xf32>
      %mul3A_1636 = arith.mulf %gather3A_1632, %gather3A_1633 : vector<16xf32>
      %add3A_1637 = arith.addf %add3A_1635, %mul3A_1636 : vector<16xf32>
      %add3A_1638 = arith.constant 13 : i32
      %add3A_1639 = vector.broadcast %add3A_1638 : i32 to vector<16xi32>
      %add3A_1640 = arith.addi %get3A_1451, %add3A_1639 : vector<16xi32>
      %add3A_1641 = arith.constant 13 : i32
      %add3A_1642 = vector.broadcast %add3A_1641 : i32 to vector<16xi32>
      %add3A_1643 = arith.addi %get3A_1453, %add3A_1642 : vector<16xi32>
      %gather3A_1644 = tpu.vector_load_idx %arg14[%add3A_1449, %add3A_1640] : memref<64x128xf32, #tpu.memory_space<vmem>>[vector<16xi32>, vector<16xi32>], vector<16xf32>,
      %gather3A_1645 = tpu.vector_load_idx %arg15[%add3A_1449, %add3A_1643] : memref<64x128xf32, #tpu.memory_space<vmem>>[vector<16xi32>, vector<16xi32>], vector<16xf32>,
      %gather3A_1646 = tpu.vector_load_idx %arg16[%add3A_1449, %add3A_1640] : memref<64x128xf32, #tpu.memory_space<vmem>>[vector<16xi32>, vector<16xi32>], vector<16xf32>,
      %gather3A_1647 = tpu.vector_load_idx %arg17[%add3A_1449, %add3A_1643] : memref<64x128xf32, #tpu.memory_space<vmem>>[vector<16xi32>, vector<16xi32>], vector<16xf32>,
      %mul3A_1648 = arith.mulf %gather3A_1644, %gather3A_1645 : vector<16xf32>
      %add3A_1649 = arith.addf %add3A_1637, %mul3A_1648 : vector<16xf32>
      %mul3A_1650 = arith.mulf %gather3A_1646, %gather3A_1647 : vector<16xf32>
      %add3A_1651 = arith.addf %add3A_1649, %mul3A_1650 : vector<16xf32>
      %add3A_1652 = arith.constant 14 : i32
      %add3A_1653 = vector.broadcast %add3A_1652 : i32 to vector<16xi32>
      %add3A_1654 = arith.addi %get3A_1451, %add3A_1653 : vector<16xi32>
      %add3A_1655 = arith.constant 14 : i32
      %add3A_1656 = vector.broadcast %add3A_1655 : i32 to vector<16xi32>
      %add3A_1657 = arith.addi %get3A_1453, %add3A_1656 : vector<16xi32>
      %gather3A_1658 = tpu.vector_load_idx %arg14[%add3A_1449, %add3A_1654] : memref<64x128xf32, #tpu.memory_space<vmem>>[vector<16xi32>, vector<16xi32>], vector<16xf32>,
      %gather3A_1659 = tpu.vector_load_idx %arg15[%add3A_1449, %add3A_1657] : memref<64x128xf32, #tpu.memory_space<vmem>>[vector<16xi32>, vector<16xi32>], vector<16xf32>,
      %gather3A_1660 = tpu.vector_load_idx %arg16[%add3A_1449, %add3A_1654] : memref<64x128xf32, #tpu.memory_space<vmem>>[vector<16xi32>, vector<16xi32>], vector<16xf32>,
      %gather3A_1661 = tpu.vector_load_idx %arg17[%add3A_1449, %add3A_1657] : memref<64x128xf32, #tpu.memory_space<vmem>>[vector<16xi32>, vector<16xi32>], vector<16xf32>,
      %mul3A_1662 = arith.mulf %gather3A_1658, %gather3A_1659 : vector<16xf32>
      %add3A_1663 = arith.addf %add3A_1651, %mul3A_1662 : vector<16xf32>
      %mul3A_1664 = arith.mulf %gather3A_1660, %gather3A_1661 : vector<16xf32>
      %add3A_1665 = arith.addf %add3A_1663, %mul3A_1664 : vector<16xf32>
      %add3A_1666 = arith.constant 15 : i32
      %add3A_1667 = vector.broadcast %add3A_1666 : i32 to vector<16xi32>
      %add3A_1668 = arith.addi %get3A_1451, %add3A_1667 : vector<16xi32>
      %add3A_1669 = arith.constant 15 : i32
      %add3A_1670 = vector.broadcast %add3A_1669 : i32 to vector<16xi32>
      %add3A_1671 = arith.addi %get3A_1453, %add3A_1670 : vector<16xi32>
      %gather3A_1672 = tpu.vector_load_idx %arg14[%add3A_1449, %add3A_1668] : memref<64x128xf32, #tpu.memory_space<vmem>>[vector<16xi32>, vector<16xi32>], vector<16xf32>,
      %gather3A_1673 = tpu.vector_load_idx %arg15[%add3A_1449, %add3A_1671] : memref<64x128xf32, #tpu.memory_space<vmem>>[vector<16xi32>, vector<16xi32>], vector<16xf32>,
      %gather3A_1674 = tpu.vector_load_idx %arg16[%add3A_1449, %add3A_1668] : memref<64x128xf32, #tpu.memory_space<vmem>>[vector<16xi32>, vector<16xi32>], vector<16xf32>,
      %gather3A_1675 = tpu.vector_load_idx %arg17[%add3A_1449, %add3A_1671] : memref<64x128xf32, #tpu.memory_space<vmem>>[vector<16xi32>, vector<16xi32>], vector<16xf32>,
      %mul3A_1676 = arith.mulf %gather3A_1672, %gather3A_1673 : vector<16xf32>
      %add3A_1677 = arith.addf %add3A_1665, %mul3A_1676 : vector<16xf32>
      %mul3A_1678 = arith.mulf %gather3A_1674, %gather3A_1675 : vector<16xf32>
      %add3A_1679 = arith.addf %add3A_1677, %mul3A_1678 : vector<16xf32>
      %add3A_1680 = arith.constant 16 : i32
      %add3A_1681 = vector.broadcast %add3A_1680 : i32 to vector<16xi32>
      %add3A_1682 = arith.addi %get3A_1451, %add3A_1681 : vector<16xi32>
      %add3A_1683 = arith.constant 16 : i32
      %add3A_1684 = vector.broadcast %add3A_1683 : i32 to vector<16xi32>
      %add3A_1685 = arith.addi %get3A_1453, %add3A_1684 : vector<16xi32>
      %gather3A_1686 = tpu.vector_load_idx %arg14[%add3A_1449, %add3A_1682] : memref<64x128xf32, #tpu.memory_space<vmem>>[vector<16xi32>, vector<16xi32>], vector<16xf32>,
      %gather3A_1687 = tpu.vector_load_idx %arg15[%add3A_1449, %add3A_1685] : memref<64x128xf32, #tpu.memory_space<vmem>>[vector<16xi32>, vector<16xi32>], vector<16xf32>,
      %gather3A_1688 = tpu.vector_load_idx %arg16[%add3A_1449, %add3A_1682] : memref<64x128xf32, #tpu.memory_space<vmem>>[vector<16xi32>, vector<16xi32>], vector<16xf32>,
      %gather3A_1689 = tpu.vector_load_idx %arg17[%add3A_1449, %add3A_1685] : memref<64x128xf32, #tpu.memory_space<vmem>>[vector<16xi32>, vector<16xi32>], vector<16xf32>,
      %mul3A_1690 = arith.mulf %gather3A_1686, %gather3A_1687 : vector<16xf32>
      %add3A_1691 = arith.addf %add3A_1679, %mul3A_1690 : vector<16xf32>
      %mul3A_1692 = arith.mulf %gather3A_1688, %gather3A_1689 : vector<16xf32>
      %add3A_1693 = arith.addf %add3A_1691, %mul3A_1692 : vector<16xf32>
      %add3A_1694 = arith.constant 17 : i32
      %add3A_1695 = vector.broadcast %add3A_1694 : i32 to vector<16xi32>
      %add3A_1696 = arith.addi %get3A_1451, %add3A_1695 : vector<16xi32>
      %add3A_1697 = arith.constant 17 : i32
      %add3A_1698 = vector.broadcast %add3A_1697 : i32 to vector<16xi32>
      %add3A_1699 = arith.addi %get3A_1453, %add3A_1698 : vector<16xi32>
      %gather3A_1700 = tpu.vector_load_idx %arg14[%add3A_1449, %add3A_1696] : memref<64x128xf32, #tpu.memory_space<vmem>>[vector<16xi32>, vector<16xi32>], vector<16xf32>,
      %gather3A_1701 = tpu.vector_load_idx %arg15[%add3A_1449, %add3A_1699] : memref<64x128xf32, #tpu.memory_space<vmem>>[vector<16xi32>, vector<16xi32>], vector<16xf32>,
      %gather3A_1702 = tpu.vector_load_idx %arg16[%add3A_1449, %add3A_1696] : memref<64x128xf32, #tpu.memory_space<vmem>>[vector<16xi32>, vector<16xi32>], vector<16xf32>,
      %gather3A_1703 = tpu.vector_load_idx %arg17[%add3A_1449, %add3A_1699] : memref<64x128xf32, #tpu.memory_space<vmem>>[vector<16xi32>, vector<16xi32>], vector<16xf32>,
      %mul3A_1704 = arith.mulf %gather3A_1700, %gather3A_1701 : vector<16xf32>
      %add3A_1705 = arith.addf %add3A_1693, %mul3A_1704 : vector<16xf32>
      %mul3A_1706 = arith.mulf %gather3A_1702, %gather3A_1703 : vector<16xf32>
      %add3A_1707 = arith.addf %add3A_1705, %mul3A_1706 : vector<16xf32>
      %add3A_1708 = arith.constant 18 : i32
      %add3A_1709 = vector.broadcast %add3A_1708 : i32 to vector<16xi32>
      %add3A_1710 = arith.addi %get3A_1451, %add3A_1709 : vector<16xi32>
      %add3A_1711 = arith.constant 18 : i32
      %add3A_1712 = vector.broadcast %add3A_1711 : i32 to vector<16xi32>
      %add3A_1713 = arith.addi %get3A_1453, %add3A_1712 : vector<16xi32>
      %gather3A_1714 = tpu.vector_load_idx %arg14[%add3A_1449, %add3A_1710] : memref<64x128xf32, #tpu.memory_space<vmem>>[vector<16xi32>, vector<16xi32>], vector<16xf32>,
      %gather3A_1715 = tpu.vector_load_idx %arg15[%add3A_1449, %add3A_1713] : memref<64x128xf32, #tpu.memory_space<vmem>>[vector<16xi32>, vector<16xi32>], vector<16xf32>,
      %gather3A_1716 = tpu.vector_load_idx %arg16[%add3A_1449, %add3A_1710] : memref<64x128xf32, #tpu.memory_space<vmem>>[vector<16xi32>, vector<16xi32>], vector<16xf32>,
      %gather3A_1717 = tpu.vector_load_idx %arg17[%add3A_1449, %add3A_1713] : memref<64x128xf32, #tpu.memory_space<vmem>>[vector<16xi32>, vector<16xi32>], vector<16xf32>,
      %mul3A_1718 = arith.mulf %gather3A_1714, %gather3A_1715 : vector<16xf32>
      %add3A_1719 = arith.addf %add3A_1707, %mul3A_1718 : vector<16xf32>
      %mul3A_1720 = arith.mulf %gather3A_1716, %gather3A_1717 : vector<16xf32>
      %add3A_1721 = arith.addf %add3A_1719, %mul3A_1720 : vector<16xf32>
      %add3A_1722 = arith.constant 19 : i32
      %add3A_1723 = vector.broadcast %add3A_1722 : i32 to vector<16xi32>
      %add3A_1724 = arith.addi %get3A_1451, %add3A_1723 : vector<16xi32>
      %add3A_1725 = arith.constant 19 : i32
      %add3A_1726 = vector.broadcast %add3A_1725 : i32 to vector<16xi32>
      %add3A_1727 = arith.addi %get3A_1453, %add3A_1726 : vector<16xi32>
      %gather3A_1728 = tpu.vector_load_idx %arg14[%add3A_1449, %add3A_1724] : memref<64x128xf32, #tpu.memory_space<vmem>>[vector<16xi32>, vector<16xi32>], vector<16xf32>,
      %gather3A_1729 = tpu.vector_load_idx %arg15[%add3A_1449, %add3A_1727] : memref<64x128xf32, #tpu.memory_space<vmem>>[vector<16xi32>, vector<16xi32>], vector<16xf32>,
      %gather3A_1730 = tpu.vector_load_idx %arg16[%add3A_1449, %add3A_1724] : memref<64x128xf32, #tpu.memory_space<vmem>>[vector<16xi32>, vector<16xi32>], vector<16xf32>,
      %gather3A_1731 = tpu.vector_load_idx %arg17[%add3A_1449, %add3A_1727] : memref<64x128xf32, #tpu.memory_space<vmem>>[vector<16xi32>, vector<16xi32>], vector<16xf32>,
      %mul3A_1732 = arith.mulf %gather3A_1728, %gather3A_1729 : vector<16xf32>
      %add3A_1733 = arith.addf %add3A_1721, %mul3A_1732 : vector<16xf32>
      %mul3A_1734 = arith.mulf %gather3A_1730, %gather3A_1731 : vector<16xf32>
      %add3A_1735 = arith.addf %add3A_1733, %mul3A_1734 : vector<16xf32>
      %add3A_1736 = arith.constant 20 : i32
      %add3A_1737 = vector.broadcast %add3A_1736 : i32 to vector<16xi32>
      %add3A_1738 = arith.addi %get3A_1451, %add3A_1737 : vector<16xi32>
      %add3A_1739 = arith.constant 20 : i32
      %add3A_1740 = vector.broadcast %add3A_1739 : i32 to vector<16xi32>
      %add3A_1741 = arith.addi %get3A_1453, %add3A_1740 : vector<16xi32>
      %gather3A_1742 = tpu.vector_load_idx %arg14[%add3A_1449, %add3A_1738] : memref<64x128xf32, #tpu.memory_space<vmem>>[vector<16xi32>, vector<16xi32>], vector<16xf32>,
      %gather3A_1743 = tpu.vector_load_idx %arg15[%add3A_1449, %add3A_1741] : memref<64x128xf32, #tpu.memory_space<vmem>>[vector<16xi32>, vector<16xi32>], vector<16xf32>,
      %gather3A_1744 = tpu.vector_load_idx %arg16[%add3A_1449, %add3A_1738] : memref<64x128xf32, #tpu.memory_space<vmem>>[vector<16xi32>, vector<16xi32>], vector<16xf32>,
      %gather3A_1745 = tpu.vector_load_idx %arg17[%add3A_1449, %add3A_1741] : memref<64x128xf32, #tpu.memory_space<vmem>>[vector<16xi32>, vector<16xi32>], vector<16xf32>,
      %mul3A_1746 = arith.mulf %gather3A_1742, %gather3A_1743 : vector<16xf32>
      %add3A_1747 = arith.addf %add3A_1735, %mul3A_1746 : vector<16xf32>
      %mul3A_1748 = arith.mulf %gather3A_1744, %gather3A_1745 : vector<16xf32>
      %add3A_1749 = arith.addf %add3A_1747, %mul3A_1748 : vector<16xf32>
      %add3A_1750 = arith.constant 21 : i32
      %add3A_1751 = vector.broadcast %add3A_1750 : i32 to vector<16xi32>
      %add3A_1752 = arith.addi %get3A_1451, %add3A_1751 : vector<16xi32>
      %add3A_1753 = arith.constant 21 : i32
      %add3A_1754 = vector.broadcast %add3A_1753 : i32 to vector<16xi32>
      %add3A_1755 = arith.addi %get3A_1453, %add3A_1754 : vector<16xi32>
      %gather3A_1756 = tpu.vector_load_idx %arg14[%add3A_1449, %add3A_1752] : memref<64x128xf32, #tpu.memory_space<vmem>>[vector<16xi32>, vector<16xi32>], vector<16xf32>,
      %gather3A_1757 = tpu.vector_load_idx %arg15[%add3A_1449, %add3A_1755] : memref<64x128xf32, #tpu.memory_space<vmem>>[vector<16xi32>, vector<16xi32>], vector<16xf32>,
      %gather3A_1758 = tpu.vector_load_idx %arg16[%add3A_1449, %add3A_1752] : memref<64x128xf32, #tpu.memory_space<vmem>>[vector<16xi32>, vector<16xi32>], vector<16xf32>,
      %gather3A_1759 = tpu.vector_load_idx %arg17[%add3A_1449, %add3A_1755] : memref<64x128xf32, #tpu.memory_space<vmem>>[vector<16xi32>, vector<16xi32>], vector<16xf32>,
      %mul3A_1760 = arith.mulf %gather3A_1756, %gather3A_1757 : vector<16xf32>
      %add3A_1761 = arith.addf %add3A_1749, %mul3A_1760 : vector<16xf32>
      %mul3A_1762 = arith.mulf %gather3A_1758, %gather3A_1759 : vector<16xf32>
      %add3A_1763 = arith.addf %add3A_1761, %mul3A_1762 : vector<16xf32>
      %add3A_1764 = arith.constant 22 : i32
      %add3A_1765 = vector.broadcast %add3A_1764 : i32 to vector<16xi32>
      %add3A_1766 = arith.addi %get3A_1451, %add3A_1765 : vector<16xi32>
      %add3A_1767 = arith.constant 22 : i32
      %add3A_1768 = vector.broadcast %add3A_1767 : i32 to vector<16xi32>
      %add3A_1769 = arith.addi %get3A_1453, %add3A_1768 : vector<16xi32>
      %gather3A_1770 = tpu.vector_load_idx %arg14[%add3A_1449, %add3A_1766] : memref<64x128xf32, #tpu.memory_space<vmem>>[vector<16xi32>, vector<16xi32>], vector<16xf32>,
      %gather3A_1771 = tpu.vector_load_idx %arg15[%add3A_1449, %add3A_1769] : memref<64x128xf32, #tpu.memory_space<vmem>>[vector<16xi32>, vector<16xi32>], vector<16xf32>,
      %gather3A_1772 = tpu.vector_load_idx %arg16[%add3A_1449, %add3A_1766] : memref<64x128xf32, #tpu.memory_space<vmem>>[vector<16xi32>, vector<16xi32>], vector<16xf32>,
      %gather3A_1773 = tpu.vector_load_idx %arg17[%add3A_1449, %add3A_1769] : memref<64x128xf32, #tpu.memory_space<vmem>>[vector<16xi32>, vector<16xi32>], vector<16xf32>,
      %mul3A_1774 = arith.mulf %gather3A_1770, %gather3A_1771 : vector<16xf32>
      %add3A_1775 = arith.addf %add3A_1763, %mul3A_1774 : vector<16xf32>
      %mul3A_1776 = arith.mulf %gather3A_1772, %gather3A_1773 : vector<16xf32>
      %add3A_1777 = arith.addf %add3A_1775, %mul3A_1776 : vector<16xf32>
      %add3A_1778 = arith.constant 23 : i32
      %add3A_1779 = vector.broadcast %add3A_1778 : i32 to vector<16xi32>
      %add3A_1780 = arith.addi %get3A_1451, %add3A_1779 : vector<16xi32>
      %add3A_1781 = arith.constant 23 : i32
      %add3A_1782 = vector.broadcast %add3A_1781 : i32 to vector<16xi32>
      %add3A_1783 = arith.addi %get3A_1453, %add3A_1782 : vector<16xi32>
      %gather3A_1784 = tpu.vector_load_idx %arg14[%add3A_1449, %add3A_1780] : memref<64x128xf32, #tpu.memory_space<vmem>>[vector<16xi32>, vector<16xi32>], vector<16xf32>,
      %gather3A_1785 = tpu.vector_load_idx %arg15[%add3A_1449, %add3A_1783] : memref<64x128xf32, #tpu.memory_space<vmem>>[vector<16xi32>, vector<16xi32>], vector<16xf32>,
      %gather3A_1786 = tpu.vector_load_idx %arg16[%add3A_1449, %add3A_1780] : memref<64x128xf32, #tpu.memory_space<vmem>>[vector<16xi32>, vector<16xi32>], vector<16xf32>,
      %gather3A_1787 = tpu.vector_load_idx %arg17[%add3A_1449, %add3A_1783] : memref<64x128xf32, #tpu.memory_space<vmem>>[vector<16xi32>, vector<16xi32>], vector<16xf32>,
      %mul3A_1788 = arith.mulf %gather3A_1784, %gather3A_1785 : vector<16xf32>
      %add3A_1789 = arith.addf %add3A_1777, %mul3A_1788 : vector<16xf32>
      %mul3A_1790 = arith.mulf %gather3A_1786, %gather3A_1787 : vector<16xf32>
      %add3A_1791 = arith.addf %add3A_1789, %mul3A_1790 : vector<16xf32>
      %add3A_1792 = arith.constant 24 : i32
      %add3A_1793 = vector.broadcast %add3A_1792 : i32 to vector<16xi32>
      %add3A_1794 = arith.addi %get3A_1451, %add3A_1793 : vector<16xi32>
      %add3A_1795 = arith.constant 24 : i32
      %add3A_1796 = vector.broadcast %add3A_1795 : i32 to vector<16xi32>
      %add3A_1797 = arith.addi %get3A_1453, %add3A_1796 : vector<16xi32>
      %gather3A_1798 = tpu.vector_load_idx %arg14[%add3A_1449, %add3A_1794] : memref<64x128xf32, #tpu.memory_space<vmem>>[vector<16xi32>, vector<16xi32>], vector<16xf32>,
      %gather3A_1799 = tpu.vector_load_idx %arg15[%add3A_1449, %add3A_1797] : memref<64x128xf32, #tpu.memory_space<vmem>>[vector<16xi32>, vector<16xi32>], vector<16xf32>,
      %gather3A_1800 = tpu.vector_load_idx %arg16[%add3A_1449, %add3A_1794] : memref<64x128xf32, #tpu.memory_space<vmem>>[vector<16xi32>, vector<16xi32>], vector<16xf32>,
      %gather3A_1801 = tpu.vector_load_idx %arg17[%add3A_1449, %add3A_1797] : memref<64x128xf32, #tpu.memory_space<vmem>>[vector<16xi32>, vector<16xi32>], vector<16xf32>,
      %mul3A_1802 = arith.mulf %gather3A_1798, %gather3A_1799 : vector<16xf32>
      %add3A_1803 = arith.addf %add3A_1791, %mul3A_1802 : vector<16xf32>
      %mul3A_1804 = arith.mulf %gather3A_1800, %gather3A_1801 : vector<16xf32>
      %add3A_1805 = arith.addf %add3A_1803, %mul3A_1804 : vector<16xf32>
      %add3A_1806 = arith.constant 25 : i32
      %add3A_1807 = vector.broadcast %add3A_1806 : i32 to vector<16xi32>
      %add3A_1808 = arith.addi %get3A_1451, %add3A_1807 : vector<16xi32>
      %add3A_1809 = arith.constant 25 : i32
      %add3A_1810 = vector.broadcast %add3A_1809 : i32 to vector<16xi32>
      %add3A_1811 = arith.addi %get3A_1453, %add3A_1810 : vector<16xi32>
      %gather3A_1812 = tpu.vector_load_idx %arg14[%add3A_1449, %add3A_1808] : memref<64x128xf32, #tpu.memory_space<vmem>>[vector<16xi32>, vector<16xi32>], vector<16xf32>,
      %gather3A_1813 = tpu.vector_load_idx %arg15[%add3A_1449, %add3A_1811] : memref<64x128xf32, #tpu.memory_space<vmem>>[vector<16xi32>, vector<16xi32>], vector<16xf32>,
      %gather3A_1814 = tpu.vector_load_idx %arg16[%add3A_1449, %add3A_1808] : memref<64x128xf32, #tpu.memory_space<vmem>>[vector<16xi32>, vector<16xi32>], vector<16xf32>,
      %gather3A_1815 = tpu.vector_load_idx %arg17[%add3A_1449, %add3A_1811] : memref<64x128xf32, #tpu.memory_space<vmem>>[vector<16xi32>, vector<16xi32>], vector<16xf32>,
      %mul3A_1816 = arith.mulf %gather3A_1812, %gather3A_1813 : vector<16xf32>
      %add3A_1817 = arith.addf %add3A_1805, %mul3A_1816 : vector<16xf32>
      %mul3A_1818 = arith.mulf %gather3A_1814, %gather3A_1815 : vector<16xf32>
      %add3A_1819 = arith.addf %add3A_1817, %mul3A_1818 : vector<16xf32>
      %add3A_1820 = arith.constant 26 : i32
      %add3A_1821 = vector.broadcast %add3A_1820 : i32 to vector<16xi32>
      %add3A_1822 = arith.addi %get3A_1451, %add3A_1821 : vector<16xi32>
      %add3A_1823 = arith.constant 26 : i32
      %add3A_1824 = vector.broadcast %add3A_1823 : i32 to vector<16xi32>
      %add3A_1825 = arith.addi %get3A_1453, %add3A_1824 : vector<16xi32>
      %gather3A_1826 = tpu.vector_load_idx %arg14[%add3A_1449, %add3A_1822] : memref<64x128xf32, #tpu.memory_space<vmem>>[vector<16xi32>, vector<16xi32>], vector<16xf32>,
      %gather3A_1827 = tpu.vector_load_idx %arg15[%add3A_1449, %add3A_1825] : memref<64x128xf32, #tpu.memory_space<vmem>>[vector<16xi32>, vector<16xi32>], vector<16xf32>,
      %gather3A_1828 = tpu.vector_load_idx %arg16[%add3A_1449, %add3A_1822] : memref<64x128xf32, #tpu.memory_space<vmem>>[vector<16xi32>, vector<16xi32>], vector<16xf32>,
      %gather3A_1829 = tpu.vector_load_idx %arg17[%add3A_1449, %add3A_1825] : memref<64x128xf32, #tpu.memory_space<vmem>>[vector<16xi32>, vector<16xi32>], vector<16xf32>,
      %mul3A_1830 = arith.mulf %gather3A_1826, %gather3A_1827 : vector<16xf32>
      %add3A_1831 = arith.addf %add3A_1819, %mul3A_1830 : vector<16xf32>
      %mul3A_1832 = arith.mulf %gather3A_1828, %gather3A_1829 : vector<16xf32>
      %add3A_1833 = arith.addf %add3A_1831, %mul3A_1832 : vector<16xf32>
      %add3A_1834 = arith.constant 27 : i32
      %add3A_1835 = vector.broadcast %add3A_1834 : i32 to vector<16xi32>
      %add3A_1836 = arith.addi %get3A_1451, %add3A_1835 : vector<16xi32>
      %add3A_1837 = arith.constant 27 : i32
      %add3A_1838 = vector.broadcast %add3A_1837 : i32 to vector<16xi32>
      %add3A_1839 = arith.addi %get3A_1453, %add3A_1838 : vector<16xi32>
      %gather3A_1840 = tpu.vector_load_idx %arg14[%add3A_1449, %add3A_1836] : memref<64x128xf32, #tpu.memory_space<vmem>>[vector<16xi32>, vector<16xi32>], vector<16xf32>,
      %gather3A_1841 = tpu.vector_load_idx %arg15[%add3A_1449, %add3A_1839] : memref<64x128xf32, #tpu.memory_space<vmem>>[vector<16xi32>, vector<16xi32>], vector<16xf32>,
      %gather3A_1842 = tpu.vector_load_idx %arg16[%add3A_1449, %add3A_1836] : memref<64x128xf32, #tpu.memory_space<vmem>>[vector<16xi32>, vector<16xi32>], vector<16xf32>,
      %gather3A_1843 = tpu.vector_load_idx %arg17[%add3A_1449, %add3A_1839] : memref<64x128xf32, #tpu.memory_space<vmem>>[vector<16xi32>, vector<16xi32>], vector<16xf32>,
      %mul3A_1844 = arith.mulf %gather3A_1840, %gather3A_1841 : vector<16xf32>
      %add3A_1845 = arith.addf %add3A_1833, %mul3A_1844 : vector<16xf32>
      %mul3A_1846 = arith.mulf %gather3A_1842, %gather3A_1843 : vector<16xf32>
      %add3A_1847 = arith.addf %add3A_1845, %mul3A_1846 : vector<16xf32>
      %add3A_1848 = arith.constant 28 : i32
      %add3A_1849 = vector.broadcast %add3A_1848 : i32 to vector<16xi32>
      %add3A_1850 = arith.addi %get3A_1451, %add3A_1849 : vector<16xi32>
      %add3A_1851 = arith.constant 28 : i32
      %add3A_1852 = vector.broadcast %add3A_1851 : i32 to vector<16xi32>
      %add3A_1853 = arith.addi %get3A_1453, %add3A_1852 : vector<16xi32>
      %gather3A_1854 = tpu.vector_load_idx %arg14[%add3A_1449, %add3A_1850] : memref<64x128xf32, #tpu.memory_space<vmem>>[vector<16xi32>, vector<16xi32>], vector<16xf32>,
      %gather3A_1855 = tpu.vector_load_idx %arg15[%add3A_1449, %add3A_1853] : memref<64x128xf32, #tpu.memory_space<vmem>>[vector<16xi32>, vector<16xi32>], vector<16xf32>,
      %gather3A_1856 = tpu.vector_load_idx %arg16[%add3A_1449, %add3A_1850] : memref<64x128xf32, #tpu.memory_space<vmem>>[vector<16xi32>, vector<16xi32>], vector<16xf32>,
      %gather3A_1857 = tpu.vector_load_idx %arg17[%add3A_1449, %add3A_1853] : memref<64x128xf32, #tpu.memory_space<vmem>>[vector<16xi32>, vector<16xi32>], vector<16xf32>,
      %mul3A_1858 = arith.mulf %gather3A_1854, %gather3A_1855 : vector<16xf32>
      %add3A_1859 = arith.addf %add3A_1847, %mul3A_1858 : vector<16xf32>
      %mul3A_1860 = arith.mulf %gather3A_1856, %gather3A_1857 : vector<16xf32>
      %add3A_1861 = arith.addf %add3A_1859, %mul3A_1860 : vector<16xf32>
      %add3A_1862 = arith.constant 29 : i32
      %add3A_1863 = vector.broadcast %add3A_1862 : i32 to vector<16xi32>
      %add3A_1864 = arith.addi %get3A_1451, %add3A_1863 : vector<16xi32>
      %add3A_1865 = arith.constant 29 : i32
      %add3A_1866 = vector.broadcast %add3A_1865 : i32 to vector<16xi32>
      %add3A_1867 = arith.addi %get3A_1453, %add3A_1866 : vector<16xi32>
      %gather3A_1868 = tpu.vector_load_idx %arg14[%add3A_1449, %add3A_1864] : memref<64x128xf32, #tpu.memory_space<vmem>>[vector<16xi32>, vector<16xi32>], vector<16xf32>,
      %gather3A_1869 = tpu.vector_load_idx %arg15[%add3A_1449, %add3A_1867] : memref<64x128xf32, #tpu.memory_space<vmem>>[vector<16xi32>, vector<16xi32>], vector<16xf32>,
      %gather3A_1870 = tpu.vector_load_idx %arg16[%add3A_1449, %add3A_1864] : memref<64x128xf32, #tpu.memory_space<vmem>>[vector<16xi32>, vector<16xi32>], vector<16xf32>,
      %gather3A_1871 = tpu.vector_load_idx %arg17[%add3A_1449, %add3A_1867] : memref<64x128xf32, #tpu.memory_space<vmem>>[vector<16xi32>, vector<16xi32>], vector<16xf32>,
      %mul3A_1872 = arith.mulf %gather3A_1868, %gather3A_1869 : vector<16xf32>
      %add3A_1873 = arith.addf %add3A_1861, %mul3A_1872 : vector<16xf32>
      %mul3A_1874 = arith.mulf %gather3A_1870, %gather3A_1871 : vector<16xf32>
      %add3A_1875 = arith.addf %add3A_1873, %mul3A_1874 : vector<16xf32>
      %add3A_1876 = arith.constant 30 : i32
      %add3A_1877 = vector.broadcast %add3A_1876 : i32 to vector<16xi32>
      %add3A_1878 = arith.addi %get3A_1451, %add3A_1877 : vector<16xi32>
      %add3A_1879 = arith.constant 30 : i32
      %add3A_1880 = vector.broadcast %add3A_1879 : i32 to vector<16xi32>
      %add3A_1881 = arith.addi %get3A_1453, %add3A_1880 : vector<16xi32>
      %gather3A_1882 = tpu.vector_load_idx %arg14[%add3A_1449, %add3A_1878] : memref<64x128xf32, #tpu.memory_space<vmem>>[vector<16xi32>, vector<16xi32>], vector<16xf32>,
      %gather3A_1883 = tpu.vector_load_idx %arg15[%add3A_1449, %add3A_1881] : memref<64x128xf32, #tpu.memory_space<vmem>>[vector<16xi32>, vector<16xi32>], vector<16xf32>,
      %gather3A_1884 = tpu.vector_load_idx %arg16[%add3A_1449, %add3A_1878] : memref<64x128xf32, #tpu.memory_space<vmem>>[vector<16xi32>, vector<16xi32>], vector<16xf32>,
      %gather3A_1885 = tpu.vector_load_idx %arg17[%add3A_1449, %add3A_1881] : memref<64x128xf32, #tpu.memory_space<vmem>>[vector<16xi32>, vector<16xi32>], vector<16xf32>,
      %mul3A_1886 = arith.mulf %gather3A_1882, %gather3A_1883 : vector<16xf32>
      %add3A_1887 = arith.addf %add3A_1875, %mul3A_1886 : vector<16xf32>
      %mul3A_1888 = arith.mulf %gather3A_1884, %gather3A_1885 : vector<16xf32>
      %add3A_1889 = arith.addf %add3A_1887, %mul3A_1888 : vector<16xf32>
      %add3A_1890 = arith.constant 31 : i32
      %add3A_1891 = vector.broadcast %add3A_1890 : i32 to vector<16xi32>
      %add3A_1892 = arith.addi %get3A_1451, %add3A_1891 : vector<16xi32>
      %add3A_1893 = arith.constant 31 : i32
      %add3A_1894 = vector.broadcast %add3A_1893 : i32 to vector<16xi32>
      %add3A_1895 = arith.addi %get3A_1453, %add3A_1894 : vector<16xi32>
      %gather3A_1896 = tpu.vector_load_idx %arg14[%add3A_1449, %add3A_1892] : memref<64x128xf32, #tpu.memory_space<vmem>>[vector<16xi32>, vector<16xi32>], vector<16xf32>,
      %gather3A_1897 = tpu.vector_load_idx %arg15[%add3A_1449, %add3A_1895] : memref<64x128xf32, #tpu.memory_space<vmem>>[vector<16xi32>, vector<16xi32>], vector<16xf32>,
      %gather3A_1898 = tpu.vector_load_idx %arg16[%add3A_1449, %add3A_1892] : memref<64x128xf32, #tpu.memory_space<vmem>>[vector<16xi32>, vector<16xi32>], vector<16xf32>,
      %gather3A_1899 = tpu.vector_load_idx %arg17[%add3A_1449, %add3A_1895] : memref<64x128xf32, #tpu.memory_space<vmem>>[vector<16xi32>, vector<16xi32>], vector<16xf32>,
      %mul3A_1900 = arith.mulf %gather3A_1896, %gather3A_1897 : vector<16xf32>
      %add3A_1901 = arith.addf %add3A_1889, %mul3A_1900 : vector<16xf32>
      %mul3A_1902 = arith.mulf %gather3A_1898, %gather3A_1899 : vector<16xf32>
      %add3A_1903 = arith.addf %add3A_1901, %mul3A_1902 : vector<16xf32>
      %swap3A_1904 = arith.index_cast %add3A_1445 : i32 to index
      %swap3A_1905 = tpu.vector_load %arg18[%swap3A_1904] {strides = array<i32>} : memref<512xf32, #tpu.memory_space<vmem>>, vector<16xf32>,
      tpu.vector_store %arg18[%swap3A_1904], %add3A_1903 {strides = array<i32>} : memref<512xf32, #tpu.memory_space<vmem>>, vector<16xf32>,
    }
    %scan3A_7 = arith.constant 8 : i32
    "tpu.region"() ({
      %run_scoped3A = tpu.sem_alloc : memref<!tpu.dma_semaphore, #tpu.memory_space<semaphore_mem>>
      %dma_start3A = tpu.memref_slice %arg9[%mul3A_2] : memref<16384xf32, #tpu.memory_space<hbm>> -> memref<512xf32, #tpu.memory_space<hbm>>
      %dma_start3A_8 = tpu.memref_slice %arg9[%mul3A_2] : memref<16384xf32, #tpu.memory_space<hbm>> -> memref<512xf32, #tpu.memory_space<hbm>>
      tpu.enqueue_dma source(%arg18 : memref<512xf32, #tpu.memory_space<vmem>>) target(%dma_start3A_8 : memref<512xf32, #tpu.memory_space<hbm>>) target_semaphore(%run_scoped3A : memref<!tpu.dma_semaphore, #tpu.memory_space<semaphore_mem>>)
      %dma_wait3A = tpu.memref_slice %arg9[%mul3A_2] : memref<16384xf32, #tpu.memory_space<hbm>> -> memref<512xf32, #tpu.memory_space<hbm>>
      %dma_wait3A_9 = tpu.memref_slice %arg9[%mul3A_2] : memref<16384xf32, #tpu.memory_space<hbm>> -> memref<512xf32, #tpu.memory_space<hbm>>
      tpu.wait_dma2 semaphore(%run_scoped3A : memref<!tpu.dma_semaphore, #tpu.memory_space<semaphore_mem>>) src(%arg18 : memref<512xf32, #tpu.memory_space<vmem>>) dst(%dma_wait3A_9 : memref<512xf32, #tpu.memory_space<hbm>>)
      tpu.yield
    }) : () -> ()
    return
  }
}

</mosaic_0001>

<sc_bundles>
// kernel: kernel.3.cloned.1.call-start
scs
__scs_entry_jumppad:
0x0: {  	(pc) =	sbr.rel $0x88, $3  }
0x1: {  	(tag) =	ssettag $0x0;
	lr =	simm.s32 $0x1  }
0x2: {  	[smem:$0x3F9C] =	sst lr;
	_ =	strace $0xD0000000  }
0x3: {  	_ = 	snop  }
0x4: {  	_ = 	snop  }
0x5: {  	_ = 	snop  }
0x6: {  	_ = 	snop  }
0x7: {  	_ = 	snop  }
__scs_overlays_trampoline_lowered:
0x8: {  	[smem:$0x3FAB] =	sst s0  }
0x9: {  	[smem:$0x3FAC] =	sst s1  }
0xa: {  	[smem:$0x3FAD] =	sst s2  }
0xb: {  	[smem:$0x3FAE] =	sst s3  }
0xc: {  	[smem:$0x3FAF] =	sst s4  }
0xd: {  	[smem:$0x3FB0] =	sst s5  }
0xe: {  	[smem:$0x3FB1] =	sst s6  }
0xf: {  	[smem:$0x3FB2] =	sst s7  }
0x10: {  	[smem:$0x3FB3] =	sst s8  }
0x11: {  	[smem:$0x3FB4] =	sst s9;
	s0 =	simm.s32 @!p0 $0x0  }
0x12: {  	s1 =	sld [smem:$0x3F9A];
	s0 =	simm.s32 @p0 $0x1  }
0x13: {  	[smem:$0x3FB5] =	sst s0;
	s0 =	simm.s32 @!p1 $0x0  }
0x14: {  	s2 =	sld [smem:$0x3F99];
	s0 =	simm.s32 @p1 $0x1  }
0x15: {  	[smem:$0x3FB6] =	sst s0;
	s0 =	simm.s32 @!p2 $0x0  }
0x16: {  	s3 =	sld [smem:$0x3FDB];
	s0 =	simm.s32 @p2 $0x1  }
0x17: {  	s4 =	simm.s32 $0x1BF5;
	[smem:$0x3FB8] =	sst s0  }
0x18: {  	s0 =	sld [smem:$0x3F9B];
	_ =	swait.ge [sflag:s4], $0x0  }
0x19: {  	s7 =	sld [smem:$0x3F9C]  }
0x1a: {  	s8 =	sadd.s32 $0xFFFFE003, lr  }
0x1b: {  	s9 =	sadd.s32 $0xFFFFFEF7, lr;
	s5 =	simm.s32 $0xFFFFFFFF;
	p2 =	slt.u32 s8, $0xFFFFF086  }
0x1c: {  	p1 =	slt.u32 s9, $0xF7A;
	s5 =	simm.s32 @!p2 $0x0  }
0x1d: {  	s5 =	simm.s32 @p1 $0x1;
	p0 =	seq.s32 s7, s2  }
0x1e: {  	s7 =	smul.u32 @!p0 $0xF7A, s2;
	p2 =	seq.s32 @!p0 s5, $0x0  }
0x1f: {  	s9 =	smul.u32 $0xF7A, s1;
	s8 =	simm.s32 @!p0 $0x1BF5;
	p2 =	por !p2, p0  }
0x20: {  	[sflag:s8] =	ssyncset.s32 @!p0 $0xFFFFF086;
	s6 =	sadd.s32 @!p0 s3, s7;
	s7 =	simm.s32 @!p0 $0x108  }
0x21: {  	s3 =	sadd.s32 s3, s9;
	s6 =	sadd.s32 @!p0 $0x88, s6;
	s7 =	simm.s32 @p2 $0x1082  }
0x22: {  	[simem:s7], [sflag:s8] =	dma.local @!p0 [hbm:s6], $0xF7A  }
0x23: {  	s9 =	sor.u32 $0xD0000000, s2;
	s6 =	simm.s32 $0x108;
	_ =	swait.ge @!p0 [sflag:s8], $0x0  }
0x24: {  	s3 =	sadd.s32 $0x88, s3;
	s6 =	simm.s32 @!p1 $0x1082;
	[sflag:s4] =	ssyncset.s32 $0xFFFFF086  }
0x25: {  	[simem:s6], [sflag:s4] =	dma.local [hbm:s3], $0xF7A  }
0x26: {  	[smem:$0x3F9C] =	sst s1;
	(tag) =	ssettag s2;
	_ =	strace s9  }
0x27: {  	s1 =	sld [smem:$0x3FAC]  }
0x28: {  	s2 =	sld [smem:$0x3FAD]  }
0x29: {  	s4 =	sld [smem:$0x3FAF]  }
0x2a: {  	p0 =	seq.s32 s5, $0x0;
	s5 =	sld [smem:$0x3FB0]  }
0x2b: {  	s6 =	sld [smem:$0x3FB1]  }
0x2c: {  	s7 =	sld [smem:$0x3FB2]  }
0x2d: {  	s3 =	simm.s32 $0x108;
	s8 =	sld [smem:$0x3FB3]  }
0x2e: {  	s3 =	simm.s32 @!p0 $0x1082;
	s9 =	sld [smem:$0x3FB4]  }
0x2f: {  	lr =	sadd.s32 s0, s3;
	s0 =	sld [smem:$0x3FAB]  }
0x30: {  	s3 =	sld [smem:$0x3FAE]  }
0x31: {  	[smem:$0x3FB7] =	sst s10  }
0x32: {  	s10 =	sld [smem:$0x3FB5];
	_ =	sdelay $0x3  }
0x33: {  	p0 =	seq.s32 s10, $0x1;
	s10 =	sld [smem:$0x3FB7];
	_ =	sdelay $0x3  }
0x34: {  	[smem:$0x3FB7] =	sst s10  }
0x35: {  	s10 =	sld [smem:$0x3FB6];
	_ =	sdelay $0x3  }
0x36: {  	p1 =	seq.s32 s10, $0x1;
	s10 =	sld [smem:$0x3FB7];
	_ =	sdelay $0x3  }
0x37: {  	[smem:$0x3FB7] =	sst s10  }
0x38: {  	s10 =	sld [smem:$0x3FB8]  }
0x39: {  	_ = 	snop;
	(pc) =	sbr.ind lr, $3  }
0x3a: {  	_ = 	snop  }
0x3b: {  	_ = 	snop  }
0x3c: {  	p2 =	seq.s32 s10, $0x1;
	s10 =	sld [smem:$0x3FB7]  }
0x3d: {  	_ =	shalt  }
0x3e: {  	_ =	shalt  }
0x3f: {  	_ =	shalt  }
0x40: {  	_ =	shalt  }
0x41: {  	_ =	shalt  }
0x42: {  	_ =	shalt  }
0x43: {  	_ =	shalt  }
0x44: {  	_ =	shalt  }
0x45: {  	_ =	shalt  }
0x46: {  	_ =	shalt  }
0x47: {  	_ =	shalt  }
0x48: {  	_ =	shalt  }
0x49: {  	_ =	shalt  }
0x4a: {  	_ =	shalt  }
0x4b: {  	_ =	shalt  }
0x4c: {  	_ =	shalt  }
0x4d: {  	_ =	shalt  }
0x4e: {  	_ =	shalt  }
0x4f: {  	_ =	shalt  }
0x50: {  	_ =	shalt  }
0x51: {  	_ =	shalt  }
0x52: {  	_ =	shalt  }
0x53: {  	_ =	shalt  }
0x54: {  	_ =	shalt  }
0x55: {  	_ =	shalt  }
0x56: {  	_ =	shalt  }
0x57: {  	_ =	shalt  }
0x58: {  	_ =	shalt  }
0x59: {  	_ =	shalt  }
0x5a: {  	_ =	shalt  }
0x5b: {  	_ =	shalt  }
0x5c: {  	_ =	shalt  }
0x5d: {  	_ =	shalt  }
0x5e: {  	_ =	shalt  }
0x5f: {  	_ =	shalt  }
0x60: {  	_ =	shalt  }
0x61: {  	_ =	shalt  }
0x62: {  	_ =	shalt  }
0x63: {  	_ =	shalt  }
0x64: {  	_ =	shalt  }
0x65: {  	_ =	shalt  }
0x66: {  	_ =	shalt  }
0x67: {  	_ =	shalt  }
0x68: {  	_ =	shalt  }
0x69: {  	_ =	shalt  }
0x6a: {  	_ =	shalt  }
0x6b: {  	_ =	shalt  }
0x6c: {  	_ =	shalt  }
0x6d: {  	_ =	shalt  }
0x6e: {  	_ =	shalt  }
0x6f: {  	_ =	shalt  }
0x70: {  	_ =	shalt  }
0x71: {  	_ =	shalt  }
0x72: {  	_ =	shalt  }
0x73: {  	_ =	shalt  }
0x74: {  	_ =	shalt  }
0x75: {  	_ =	shalt  }
0x76: {  	_ =	shalt  }
0x77: {  	_ =	shalt  }
0x78: {  	_ =	shalt  }
0x79: {  	_ =	shalt  }
0x7a: {  	_ =	shalt  }
0x7b: {  	_ =	shalt  }
0x7c: {  	_ =	shalt  }
0x7d: {  	_ =	shalt  }
0x7e: {  	_ =	shalt  }
0x7f: {  	_ =	shalt  }
0x80: {  	_ =	shalt  }
0x81: {  	_ =	shalt  }
0x82: {  	_ =	shalt  }
0x83: {  	_ =	shalt  }
0x84: {  	_ =	shalt  }
0x85: {  	_ =	shalt  }
0x86: {  	_ =	shalt  }
0x87: {  	_ =	shalt  }
.Lfunc_end0:
.L_simem_size_0:
called_computation_lowered:
.L_overlay_start_0:
0x88: {  	s2 =	sld [smem:$0x3FD9]  }
0x89: {  	s3 =	sld [smem:$0x3FFE];
	_ =	sdelay $0x1  }
0x8a: {  	s1 =	srdreg.scid  }
0x8b: {  	s0 =	sand.u32 $0x1, s1  }
0x8c: {  	s17 =	sshll.u32 s0, $0xA;
	s2 =	sadd.s32 s3, s2  }
0x8d: {  	s2 =	sadd.s32 s2, s17  }
0x8e: {  	[smem:$0x3FC3] =	sst s2  }
0x8f: {  	_ = 	snop  }
0x90: {  	s2 =	sld [smem:$0x3FD0];
	(tm) =	ssettm $0x1  }
0x91: {  	s18 =	sld [smem:$0x3FFB];
	_ =	sdelay $0x3  }
0x92: {  	_ =	strace s18  }
0x93: {  	s3 =	sld [smem:$0x3FFC];
	_ =	sdelay $0x3  }
0x94: {  	_ =	strace s3  }
0x95: {  	s3 =	sld [smem:$0x3FFD];
	_ =	sdelay $0x3  }
0x96: {  	_ =	strace s3  }
0x97: {  	_ =	strace $0x8FFFFFFF  }
0x98: {  	s19 =	sld [smem:$0x3FDB];
	_ =	sdelay $0x1  }
0x99: {  	s4 =	simm.s32 $_scs_section_size  }
0x9a: {  	s5 =	simm.s32 $_size__tile_overlayer_lowered;
	s6 =	simm.s32 $_tile_overlayer_lowered  }
0x9b: {  	s22 =	simm.s32 $0x1BFF;
	s21 =	sshll.u32 s6, $0x1;
	s3 =	sadd.s32 s4, s19  }
0x9c: {  	s7 =	simm.s32 $0x0;
	s20 =	sshll.u32 s5, $0x1;
	s5 =	sadd.s32 s21, s3  }
0x9d: {  	[timem:s7], [sflag:s22] =	dma.local [hbm:s5], s20  }
0x9e: {  	_ =	swait.ge [sflag:s22], s20  }
0x9f: {  	s4 =	ssub.s32 $0x0, s20;
	[sflag:s22] =	ssyncset.done $0x0  }
0xa0: {  	[sflag:s22] =	ssyncadd.s32 s4;
	_ =	sdelay $0x1  }
0xa1: {  	s23 =	simm.s32 $0x1B8B  }
0xa2: {  	_ =	swait.ge [sflag:s23], $0x1  }
0xa3: {  	[sflag:s23] =	ssyncset.done $0x0  }
0xa4: {  	s25 =	simm.s32 $0x1B8E;
	s24 =	sld [smem:$0x3FFE];
	[sflag:s23] =	ssyncadd.s32 $0xFFFFFFFF  }
0xa5: {  	s26 =	simm.s32 $execute0_lowered;
	[smem:$0x3FD2] =	sst s25  }
0xa6: {  	s5 =	sshll.u32 s26, $0x1;
	_ =	strace $0x80000046;
	[dreg:$0x1] =	wrdreg $0xFFFFFFFF  }
0xa7: {  	s28 =	simm.s32 $_size_execute0_lowered;
	s3 =	sadd.s32 s3, s5;
	[dreg:$0x0] =	wrdreg $0x0  }
0xa8: {  	s5 =	sshll.u32 s28, $0x1;
	[dreg:$0x2] =	wrdreg s3  }
0xa9: {  	[dreg:$0x3] =	wrdreg s5  }
0xaa: {  	[dreg:$0x4] =	wrdreg $0xC0  }
0xab: {  	_ =	task [dreg:s7], $0x5FFFF  }
0xac: {  	[dreg:$0x1] =	wrdreg $0xFFFFFFFF  }
0xad: {  	[dreg:$0x0] =	wrdreg $0x60  }
0xae: {  	[dreg:$0x2] =	wrdreg s24  }
0xaf: {  	[dreg:$0x3] =	wrdreg s2  }
0xb0: {  	[dreg:$0x4] =	wrdreg $0x9  }
0xb1: {  	_ =	task.clear_ibuf [dreg:s7], $0x5FFFF;
	_ =	strace $0x90000046  }
0xb2: {  	s29 =	simm.s32 $0x9;
	_ =	strace $0x80000048  }
0xb3: {  	_ =	swait.ge [sflag:s29], $0x1  }
0xb4: {  	[sflag:s29] =	ssyncadd.s32 $0xFFFFFFFF  }
0xb5: {  	_ =	strace $0x90000048  }
0xb6: {  	_ =	sfence  }
0xb7: {  	s30 =	sld [smem:$0x0];
	_ =	sdelay $0x2  }
0xb8: {  	s31 =	sshll.u32 s1, $0xD;
	s1 =	sshrl.u32 s1, $0x2  }
0xb9: {  	s3 =	sand.u32 $0x4000, s31;
	s1 =	sadd.s32 s1, s30  }
0xba: {  	s0 =	sor.u32 s3, s0;
	s1 =	sshll.u32 s1, $0x11  }
0xbb: {  	s0 =	sor.u32 s1, s0  }
0xbc: {  	s0 =	sadd.s32 $0x8F2B, s0  }
0xbd: {  	[sflag:s0] =	ssyncadd.remote.s32 $0x1  }
0xbe: {  	_ =	sfence.sel $0xFFFF  }
0xbf: {  	[dreg:$0x0] =	wrdreg $0xFFFFFFFF;
	(pc) =	sbr.abs _section_cstart, $3  }
0xc0: {  	[dreg:$0x1] =	wrdreg $0xFFFFFFFF  }
0xc1: {  	_ =	task.clear_ibuf [dreg:s7], $0x2FFFF;
	_ =	strace $0x9FFFFFFF  }
0xc2: {  	(tm) =	ssettm $0x7FFFFFFF  }
0xc3: {  	_ =	shalt  }
tec
execute0_lowered:
.L_overlay_start_1:
0x0: {  	(tag) =	ssettag $0x1  }
0x1: {  	v0 =	vlaneseq.u32  }
0x2: {  	v0 =	vmul.u32 $0x80, v0;
	_ =	sdelay $0x1  }
0x3: {  	v1 =	vor.u32 $0x5, v0  }
0x4: {  	[tilespmem:$0x1FC50] =	vst v1;
	v1 =	vor.u32 $0x6, v0  }
0x5: {  	[tilespmem:$0x1FC60] =	vst v1;
	v1 =	vor.u32 $0x7, v0  }
0x6: {  	[tilespmem:$0x1FC70] =	vst v1;
	v1 =	vor.u32 $0x8, v0  }
0x7: {  	[tilespmem:$0x1FC80] =	vst v1;
	v1 =	vor.u32 $0x9, v0  }
0x8: {  	[tilespmem:$0x1FC90] =	vst v1;
	v1 =	vor.u32 $0xA, v0  }
0x9: {  	[tilespmem:$0x1FCA0] =	vst v1;
	v1 =	vor.u32 $0xB, v0  }
0xa: {  	[tilespmem:$0x1FCB0] =	vst v1;
	v1 =	vor.u32 $0xC, v0  }
0xb: {  	[tilespmem:$0x1FCC0] =	vst v1;
	v1 =	vor.u32 $0xD, v0  }
0xc: {  	[tilespmem:$0x1FCD0] =	vst v1;
	v1 =	vor.u32 $0xE, v0  }
0xd: {  	[tilespmem:$0x1FCE0] =	vst v1;
	v1 =	vor.u32 $0xF, v0  }
0xe: {  	[tilespmem:$0x1FCF0] =	vst v1;
	v1 =	vor.u32 $0x10, v0  }
0xf: {  	[tilespmem:$0x1FD00] =	vst v1;
	v1 =	vor.u32 $0x11, v0  }
0x10: {  	[tilespmem:$0x1FD10] =	vst v1;
	v1 =	vor.u32 $0x12, v0  }
0x11: {  	[tilespmem:$0x1FD20] =	vst v1;
	v1 =	vor.u32 $0x13, v0  }
0x12: {  	[tilespmem:$0x1FD30] =	vst v1;
	v1 =	vor.u32 $0x14, v0  }
0x13: {  	[tilespmem:$0x1FD40] =	vst v1;
	v1 =	vor.u32 $0x15, v0  }
0x14: {  	[tilespmem:$0x1FD50] =	vst v1;
	v1 =	vor.u32 $0x16, v0  }
0x15: {  	[tilespmem:$0x1FD60] =	vst v1;
	v1 =	vor.u32 $0x17, v0  }
0x16: {  	[tilespmem:$0x1FD70] =	vst v1;
	v1 =	vor.u32 $0x18, v0  }
0x17: {  	[tilespmem:$0x1FD80] =	vst v1;
	v1 =	vor.u32 $0x19, v0  }
0x18: {  	[tilespmem:$0x1FD90] =	vst v1;
	v1 =	vor.u32 $0x1A, v0  }
0x19: {  	[tilespmem:$0x1FDA0] =	vst v1;
	v1 =	vor.u32 $0x1B, v0  }
0x1a: {  	[tilespmem:$0x1FDB0] =	vst v1;
	v1 =	vor.u32 $0x1C, v0  }
0x1b: {  	[tilespmem:$0x1FDC0] =	vst v1;
	v1 =	vor.u32 $0x1D, v0  }
0x1c: {  	[tilespmem:$0x1FDD0] =	vst v1;
	v1 =	vor.u32 $0x1E, v0  }
0x1d: {  	s1 =	srdreg.scid;
	s0 =	stileid.u32;
	[tilespmem:$0x1FDE0] =	vst v1;
	v1 =	vor.u32 $0x1F, v0  }
0x1e: {  	s5 =	rddreg [dreg:$0x0];
	s4 =	sand.u32 $0x1, s1;
	s2 =	sshll.u32 s0, $0x1;
	[tilespmem:$0x1FDF0] =	vst v1;
	v1 =	vor.u32 $0x800, v0  }
0x1f: {  	s10 =	rddreg [dreg:$0x1];
	s9 =	sor.u32 s4, s2;
	s2 =	simm.s32 $0x0;
	[tilespmem:$0x1FE00] =	vst v1;
	v1 =	vor.u32 $0x801, v0  }
0x20: {  	[smem:$0x7FF] =	sst s2;
	[tilespmem:$0x1FE10] =	vst v1;
	v1 =	vor.u32 $0x802, v0  }
0x21: {  	s1 =	rddreg [dreg:$0x2];
	_ =	strace $0x80000047;
	[tilespmem:$0x1FE20] =	vst v1;
	v1 =	vor.u32 $0x803, v0  }
0x22: {  	[tilespmem:$0x1FE30] =	vst v1;
	v1 =	vor.u32 $0x804, v0  }
0x23: {  	[tilespmem:$0x1FE40] =	vst v1;
	v1 =	vor.u32 $0x805, v0  }
0x24: {  	[tilespmem:$0x1FE50] =	vst v1;
	v1 =	vor.u32 $0x806, v0  }
0x25: {  	[tilespmem:$0x1FE60] =	vst v1;
	v1 =	vor.u32 $0x807, v0  }
0x26: {  	[tilespmem:$0x1FE70] =	vst v1;
	v1 =	vor.u32 $0x808, v0  }
0x27: {  	[tilespmem:$0x1FE80] =	vst v1;
	v1 =	vor.u32 $0x809, v0  }
0x28: {  	[tilespmem:$0x1FE90] =	vst v1;
	v1 =	vor.u32 $0x80A, v0  }
0x29: {  	[tilespmem:$0x1FEA0] =	vst v1;
	v1 =	vor.u32 $0x80B, v0  }
0x2a: {  	[tilespmem:$0x1FEB0] =	vst v1;
	v1 =	vor.u32 $0x80C, v0  }
0x2b: {  	[tilespmem:$0x1FEC0] =	vst v1;
	v1 =	vor.u32 $0x80D, v0  }
0x2c: {  	[tilespmem:$0x1FED0] =	vst v1;
	v1 =	vor.u32 $0x80E, v0  }
0x2d: {  	[tilespmem:$0x1FEE0] =	vst v1;
	v1 =	vor.u32 $0x80F, v0  }
0x2e: {  	[tilespmem:$0x1FEF0] =	vst v1;
	v1 =	vor.u32 $0x810, v0  }
0x2f: {  	[tilespmem:$0x1FF00] =	vst v1;
	v1 =	vor.u32 $0x811, v0  }
0x30: {  	[tilespmem:$0x1FF10] =	vst v1;
	v1 =	vor.u32 $0x812, v0  }
0x31: {  	[tilespmem:$0x1FF20] =	vst v1;
	v1 =	vor.u32 $0x813, v0  }
0x32: {  	[tilespmem:$0x1FF30] =	vst v1;
	v1 =	vor.u32 $0x814, v0  }
0x33: {  	[tilespmem:$0x1FF40] =	vst v1;
	v1 =	vor.u32 $0x815, v0  }
0x34: {  	s14 =	simm.s32 $0x800;
	s15 =	simm.s32 $0xA00;
	[tilespmem:$0x1FF50] =	vst v1;
	v1 =	vor.u32 $0x816, v0  }
0x35: {  	s16 =	simm.s32 $0x40;
	s17 =	simm.s32 $0xC00;
	s18 =	simm.s32 $0x2C00;
	[tilespmem:$0x1FF60] =	vst v1;
	v1 =	vor.u32 $0x817, v0  }
0x36: {  	s19 =	simm.s32 $0x4C00;
	s20 =	simm.s32 $0x6C00;
	s21 =	simm.s32 $0x1;
	[tilespmem:$0x1FF70] =	vst v1;
	v1 =	vor.u32 $0x818, v0  }
0x37: {  	s22 =	simm.s32 $0x8C00;
	s23 =	simm.s32 $0x0;
	s6 =	sshll.u32 s0, $0xA;
	[tilespmem:$0x1FF80] =	vst v1;
	v1 =	vor.u32 $0x819, v0  }
0x38: {  	s8 =	ssub.s32 $0x2, s4;
	s4 =	sadd.s32 $0x1316600, s5;
	s3 =	sshll.u32 s9, $0x7;
	[tilespmem:$0x1FF90] =	vst v1;
	v1 =	vor.u32 $0x81A, v0  }
0x39: {  	s31 =	sshrl.u32 s8, $0x1;
	s13 =	sshll.u32 s9, $0x6;
	s6 =	sor.u32 s6, s3;
	[tilespmem:$0x1FFA0] =	vst v1;
	v1 =	vor.u32 $0x81B, v0  }
0x3a: {  	s7 =	sadd.s32 s3, s5;
	s3 =	sadd.s32 $0xF45C00, s5;
	s30 =	sand.u32 $0x3380, s6;
	[tilespmem:$0x1FFB0] =	vst v1;
	v1 =	vor.u32 $0x81C, v0  }
0x3b: {  	s12 =	ssub.s32 s8, s31;
	s10 =	sadd.s32 s10, s13;
	s6 =	sshrl.u32 s30, $0x3;
	[tilespmem:$0x1FFC0] =	vst v1;
	v1 =	vor.u32 $0x81D, v0  }
0x3c: {  	s13 =	simm.s32 $0x80;
	s11 =	sadd.s32 s6, s5;
	s5 =	sadd.s32 $0x16E7000, s5;
	[tilespmem:$0x1FFD0] =	vst v1;
	v1 =	vor.u32 $0x81E, v0  }
0x3d: {  	v16 =	vor.u32 $0x1, v0;
	s6 =	sadd.s32 $0x1000, s7;
	s7 =	sadd.s32 $0x2800, s7;
	s8 =	sadd.s32 $0x800, s11;
	[tilespmem:$0x1FFE0] =	vst v1;
	v1 =	vor.u32 $0x81F, v0  }
0x3e: {  	v17 =	vor.u32 $0x2, v0;
	v18 =	vor.u32 $0x3, v0;
	v19 =	vor.u32 $0x4, v0;
	s9 =	sadd.s32 $0x2000, s11;
	s11 =	smax.u32 s12, $0x1;
	s12 =	simm.s32 $0x2;
	[tilespmem:$0x1FFF0] =	vst v1  }
.LBB2_1:
0x3f: {  	[tilespmem:s2], [sflag:$0x2] =	stream.linear.gather [hbm4b:s6+s2], $0x400, $0x38;
	[tilespmem:$0x8E00] =	vst v63  }
0x40: {  	_ =	swait.ge [sflag:s12], $0x400  }
0x41: {  	[sflag:s12] =	ssyncset.done $0x0  }
0x42: {  	s24 =	simm.s32 $0x400;
	[sflag:s12] =	ssyncadd.s32 $0xFFFFFC00  }
0x43: {  	[tilespmem:s24], [sflag:$0x2] =	stream.linear.gather [hbm4b:s7+s2], $0x400, $0x38;
	[tilespmem:$0x8E00] =	vst v63  }
0x44: {  	_ =	swait.ge [sflag:s12], $0x400  }
0x45: {  	[sflag:s12] =	ssyncset.done $0x0  }
0x46: {  	[sflag:s12] =	ssyncadd.s32 $0xFFFFFC00  }
0x47: {  	[tilespmem:s14], [sflag:$0x2] =	stream.strided.gather [hbm4b:s8+s13], $0x200, s24, s13, $0x38;
	[tilespmem:$0x8E00] =	vst v63  }
0x48: {  	_ =	swait.ge [sflag:s12], $0x200  }
0x49: {  	[sflag:s12] =	ssyncset.done $0x0  }
0x4a: {  	[sflag:s12] =	ssyncadd.s32 $0xFFFFFE00  }
0x4b: {  	[tilespmem:s15], [sflag:$0x2] =	stream.strided.gather [hbm4b:s9+s13], $0x200, s24, s13, $0x38;
	[tilespmem:$0x8E00] =	vst v63  }
0x4c: {  	_ =	swait.ge [sflag:s12], $0x200  }
0x4d: {  	v35 =	vld [tilespmem:$0x1FD40]  }
0x4e: {  	v36 =	vld [tilespmem:$0x1FD50]  }
0x4f: {  	v37 =	vld [tilespmem:$0x1FD60]  }
0x50: {  	v38 =	vld [tilespmem:$0x1FD70]  }
0x51: {  	v39 =	vld [tilespmem:$0x1FD80]  }
0x52: {  	v40 =	vld [tilespmem:$0x1FD90]  }
0x53: {  	v41 =	vld [tilespmem:$0x1FDA0]  }
0x54: {  	v42 =	vld [tilespmem:$0x1FDB0]  }
0x55: {  	v43 =	vld [tilespmem:$0x1FDC0]  }
0x56: {  	v44 =	vld [tilespmem:$0x1FDD0]  }
0x57: {  	v45 =	vld [tilespmem:$0x1FDE0]  }
0x58: {  	v46 =	vld [tilespmem:$0x1FDF0]  }
0x59: {  	v47 =	vld [tilespmem:$0x1FE00]  }
0x5a: {  	v48 =	vld [tilespmem:$0x1FE10]  }
0x5b: {  	v49 =	vld [tilespmem:$0x1FE20]  }
0x5c: {  	v50 =	vld [tilespmem:$0x1FE30]  }
0x5d: {  	v51 =	vld [tilespmem:$0x1FE40]  }
0x5e: {  	v52 =	vld [tilespmem:$0x1FE50]  }
0x5f: {  	v53 =	vld [tilespmem:$0x1FE60]  }
0x60: {  	v54 =	vld [tilespmem:$0x1FE70]  }
0x61: {  	v55 =	vld [tilespmem:$0x1FE80]  }
0x62: {  	v56 =	vld [tilespmem:$0x1FE90]  }
0x63: {  	v57 =	vld [tilespmem:$0x1FEA0]  }
0x64: {  	v58 =	vld [tilespmem:$0x1FEB0]  }
0x65: {  	v59 =	vld [tilespmem:$0x1FEC0]  }
0x66: {  	v60 =	vld [tilespmem:$0x1FED0]  }
0x67: {  	v61 =	vld [tilespmem:$0x1FEE0]  }
0x68: {  	v62 =	vld [tilespmem:$0x1FEF0]  }
0x69: {  	v63 =	vld [tilespmem:$0x1FF00]  }
0x6a: {  	v20 =	vld [tilespmem:$0x1FF10]  }
0x6b: {  	v21 =	vld [tilespmem:$0x1FF20]  }
0x6c: {  	v22 =	vld [tilespmem:$0x1FF30]  }
0x6d: {  	v23 =	vld [tilespmem:$0x1FF40]  }
0x6e: {  	v24 =	vld [tilespmem:$0x1FF50]  }
0x6f: {  	v25 =	vld [tilespmem:$0x1FF60]  }
0x70: {  	v26 =	vld [tilespmem:$0x1FF70]  }
0x71: {  	v27 =	vld [tilespmem:$0x1FF80]  }
0x72: {  	v28 =	vld [tilespmem:$0x1FF90]  }
0x73: {  	v29 =	vld [tilespmem:$0x1FFA0]  }
0x74: {  	v30 =	vld [tilespmem:$0x1FFB0]  }
0x75: {  	v31 =	vld [tilespmem:$0x1FFC0]  }
0x76: {  	v32 =	vld [tilespmem:$0x1FFD0]  }
0x77: {  	[sflag:s12] =	ssyncset.done $0x0;
	v33 =	vld [tilespmem:$0x1FFE0]  }
0x78: {  	s25 =	simm.s32 $0x0;
	s26 =	simm.s32 $0x0;
	v34 =	vld [tilespmem:$0x1FFF0];
	[sflag:s12] =	ssyncadd.s32 $0xFFFFFE00  }
.LBB2_2:
0x79: {  	[tilespmem:s17], [sflag:$0x1] =	stream.indirect.gather [hbm4b:s3+s16], $0x80, s25, s16, $0xb8;
	[tilespmem:$0x8E00] =	vst v63  }
0x7a: {  	_ = 	snop  }
0x7b: {  	[tilespmem:s18], [sflag:$0x1] =	stream.indirect.gather [hbm4b:s3+s16], $0x80, s24, s16, $0xb8;
	[tilespmem:$0x8E00] =	vst v63  }
0x7c: {  	_ = 	snop  }
0x7d: {  	[tilespmem:s19], [sflag:$0x1] =	stream.indirect.gather [hbm4b:s4+s16], $0x80, s25, s16, $0xb8;
	[tilespmem:$0x8E00] =	vst v63  }
0x7e: {  	_ = 	snop  }
0x7f: {  	[tilespmem:s20], [sflag:$0x1] =	stream.indirect.gather [hbm4b:s5+s16], $0x80, s24, s16, $0xb8;
	[tilespmem:$0x8E00] =	vst v63  }
0x80: {  	_ =	swait.ge [sflag:s21], $0x2000  }
0x81: {  	[sflag:s21] =	ssyncset.done $0x0  }
0x82: {  	[sflag:s21] =	ssyncadd.s32 $0xFFFFE000  }
0x83: {  	_ =	swait.ge [sflag:s21], $0x2000  }
0x84: {  	[sflag:s21] =	ssyncset.done $0x0  }
0x85: {  	[sflag:s21] =	ssyncadd.s32 $0xFFFFE000  }
0x86: {  	_ =	swait.ge [sflag:s21], $0x2000  }
0x87: {  	[sflag:s21] =	ssyncset.done $0x0  }
0x88: {  	[sflag:s21] =	ssyncadd.s32 $0xFFFFE000  }
0x89: {  	_ =	swait.ge [sflag:s21], $0x2000  }
0x8a: {  	[sflag:s21] =	ssyncset.done $0x0  }
0x8b: {  	s28 =	sshra.s32 s26, $0x2;
	[sflag:s21] =	ssyncadd.s32 $0xFFFFE000  }
0x8c: {  	v2 =	vld [tilespmem:s28+$0x800]  }
0x8d: {  	v1 =	vld [tilespmem:s28+$0xA00];
	_ =	sdelay $0x3  }
0x8e: {  	v3 =	vadd.s32 v0, v2  }
0x8f: {  	v4 =	vadd.s32 v0, v1;
	_ =	sdelay $0x2  }
0x90: {  	v5 =	vadd.s32 v16, v2  }
0x91: {  	v7 =	vadd.s32 v16, v1;
	v6 =	vld.idx.msk [tilespmem:v3+s17+$0x0], $0xffff  }
0x92: {  	v8 =	vld.idx.msk [tilespmem:v4+s18+$0x0], $0xffff  }
0x93: {  	v3 =	vld.idx.msk [tilespmem:v3+s19+$0x0], $0xffff  }
0x94: {  	v4 =	vld.idx.msk [tilespmem:v4+s20+$0x0], $0xffff  }
0x95: {  	v9 =	vadd.s32 v17, v2;
	v10 =	vld.idx.msk [tilespmem:v5+s17+$0x0], $0xffff  }
0x96: {  	v12 =	vld.idx.msk [tilespmem:v7+s18+$0x0], $0xffff  }
0x97: {  	v11 =	vadd.s32 v17, v1;
	v5 =	vld.idx.msk [tilespmem:v5+s19+$0x0], $0xffff;
	v6 =	vmul.f32 v8, v6  }
0x98: {  	v7 =	vld.idx.msk [tilespmem:v7+s20+$0x0], $0xffff  }
0x99: {  	v14 =	vadd.s32 v18, v1;
	v3 =	vmul.f32 v4, v3;
	v6 =	vadd.f32 $0.0e+00, v6  }
0x9a: {  	v13 =	vld.idx.msk [tilespmem:v9+s17+$0x0], $0xffff  }
0x9b: {  	v9 =	vld.idx.msk [tilespmem:v9+s19+$0x0], $0xffff;
	v3 =	vadd.f32 v3, v6;
	v6 =	vmul.f32 v12, v10  }
0x9c: {  	v8 =	vadd.s32 v18, v2;
	v4 =	vld.idx.msk [tilespmem:v11+s18+$0x0], $0xffff  }
0x9d: {  	v5 =	vmul.f32 v7, v5;
	v10 =	vld.idx.msk [tilespmem:v11+s20+$0x0], $0xffff;
	v3 =	vadd.f32 v6, v3  }
0x9e: {  	v6 =	vld.idx.msk [tilespmem:v14+s18+$0x0], $0xffff  }
0x9f: {  	v3 =	vadd.f32 v5, v3;
	v5 =	vld.idx.msk [tilespmem:v14+s20+$0x0], $0xffff  }
0xa0: {  	v15 =	vadd.s32 v19, v1;
	v14 =	vld [tilespmem:$0x1FC50]  }
0xa1: {  	v12 =	vld.idx.msk [tilespmem:v8+s17+$0x0], $0xffff  }
0xa2: {  	v4 =	vmul.f32 v4, v13  }
0xa3: {  	v11 =	vadd.s32 v19, v2  }
0xa4: {  	v7 =	vld.idx.msk [tilespmem:v8+s19+$0x0], $0xffff;
	v3 =	vadd.f32 v4, v3;
	v4 =	vmul.f32 v10, v9  }
0xa5: {  	v9 =	vld.idx.msk [tilespmem:v15+s18+$0x0], $0xffff;
	v8 =	vadd.s32 v14, v2  }
0xa6: {  	v3 =	vadd.f32 v4, v3;
	v4 =	vmul.f32 v6, v12;
	v6 =	vld.idx.msk [tilespmem:v15+s20+$0x0], $0xffff;
	v14 =	vadd.s32 v14, v1  }
0xa7: {  	v15 =	vld [tilespmem:$0x1FC60]  }
0xa8: {  	v13 =	vld.idx.msk [tilespmem:v11+s17+$0x0], $0xffff  }
0xa9: {  	v10 =	vld.idx.msk [tilespmem:v11+s19+$0x0], $0xffff  }
0xaa: {  	v12 =	vld.idx.msk [tilespmem:v8+s17+$0x0], $0xffff  }
0xab: {  	v3 =	vadd.f32 v4, v3;
	v4 =	vmul.f32 v5, v7;
	v5 =	vld.idx.msk [tilespmem:v14+s18+$0x0], $0xffff  }
0xac: {  	v11 =	vadd.s32 v15, v2;
	v7 =	vld.idx.msk [tilespmem:v8+s19+$0x0], $0xffff  }
0xad: {  	v15 =	vadd.s32 v15, v1;
	v8 =	vld.idx.msk [tilespmem:v14+s20+$0x0], $0xffff  }
0xae: {  	v3 =	vadd.f32 v4, v3;
	v4 =	vmul.f32 v9, v13;
	v14 =	vld [tilespmem:$0x1FC70];
	_ =	sdelay $0x1  }
0xaf: {  	v3 =	vadd.f32 v4, v3;
	v4 =	vmul.f32 v6, v10  }
0xb0: {  	v13 =	vld.idx.msk [tilespmem:v11+s17+$0x0], $0xffff  }
0xb1: {  	v3 =	vadd.f32 v4, v3;
	v6 =	vld.idx.msk [tilespmem:v15+s18+$0x0], $0xffff  }
0xb2: {  	v9 =	vadd.s32 v14, v2;
	v14 =	vadd.s32 v14, v1;
	v4 =	vmul.f32 v5, v12;
	v5 =	vld.idx.msk [tilespmem:v15+s20+$0x0], $0xffff  }
0xb3: {  	v15 =	vld [tilespmem:$0x1FC80];
	_ =	sdelay $0x2  }
0xb4: {  	v10 =	vld.idx.msk [tilespmem:v11+s19+$0x0], $0xffff;
	v3 =	vadd.f32 v4, v3;
	v4 =	vmul.f32 v8, v7  }
0xb5: {  	v7 =	vld.idx.msk [tilespmem:v14+s18+$0x0], $0xffff  }
0xb6: {  	v3 =	vadd.f32 v4, v3;
	v4 =	vmul.f32 v6, v13;
	v11 =	vadd.s32 v15, v2;
	v6 =	vld.idx.msk [tilespmem:v14+s20+$0x0], $0xffff  }
0xb7: {  	v15 =	vadd.s32 v15, v1;
	v14 =	vld [tilespmem:$0x1FC90]  }
0xb8: {  	v12 =	vld.idx.msk [tilespmem:v9+s17+$0x0], $0xffff;
	_ =	sdelay $0x1  }
0xb9: {  	v8 =	vld.idx.msk [tilespmem:v9+s19+$0x0], $0xffff  }
0xba: {  	v3 =	vadd.f32 v4, v3;
	v4 =	vmul.f32 v5, v10;
	v13 =	vld.idx.msk [tilespmem:v11+s17+$0x0], $0xffff  }
0xbb: {  	v9 =	vadd.s32 v14, v2;
	v5 =	vld.idx.msk [tilespmem:v15+s18+$0x0], $0xffff  }
0xbc: {  	v3 =	vadd.f32 v4, v3;
	v14 =	vadd.s32 v14, v1;
	v4 =	vmul.f32 v7, v12;
	v7 =	vld.idx.msk [tilespmem:v15+s20+$0x0], $0xffff  }
0xbd: {  	v15 =	vld [tilespmem:$0x1FCA0];
	_ =	sdelay $0x1  }
0xbe: {  	v10 =	vld.idx.msk [tilespmem:v11+s19+$0x0], $0xffff;
	v3 =	vadd.f32 v4, v3;
	v4 =	vmul.f32 v6, v8  }
0xbf: {  	v12 =	vld.idx.msk [tilespmem:v9+s17+$0x0], $0xffff  }
0xc0: {  	v3 =	vadd.f32 v4, v3;
	v6 =	vld.idx.msk [tilespmem:v14+s18+$0x0], $0xffff  }
0xc1: {  	v11 =	vadd.s32 v15, v2;
	v15 =	vadd.s32 v15, v1;
	v4 =	vmul.f32 v5, v13;
	v5 =	vld.idx.msk [tilespmem:v14+s20+$0x0], $0xffff  }
0xc2: {  	v14 =	vld [tilespmem:$0x1FCB0];
	_ =	sdelay $0x2  }
0xc3: {  	v8 =	vld.idx.msk [tilespmem:v9+s19+$0x0], $0xffff;
	v3 =	vadd.f32 v4, v3;
	v4 =	vmul.f32 v7, v10  }
0xc4: {  	v7 =	vld.idx.msk [tilespmem:v15+s18+$0x0], $0xffff  }
0xc5: {  	v3 =	vadd.f32 v4, v3;
	v9 =	vadd.s32 v14, v2;
	v4 =	vmul.f32 v6, v12;
	v6 =	vld.idx.msk [tilespmem:v15+s20+$0x0], $0xffff  }
0xc6: {  	v14 =	vadd.s32 v14, v1;
	v15 =	vld [tilespmem:$0x1FCC0]  }
0xc7: {  	v13 =	vld.idx.msk [tilespmem:v11+s17+$0x0], $0xffff;
	_ =	sdelay $0x1  }
0xc8: {  	v10 =	vld.idx.msk [tilespmem:v11+s19+$0x0], $0xffff  }
0xc9: {  	v3 =	vadd.f32 v4, v3;
	v4 =	vmul.f32 v5, v8;
	v12 =	vld.idx.msk [tilespmem:v9+s17+$0x0], $0xffff  }
0xca: {  	v11 =	vadd.s32 v15, v2;
	v5 =	vld.idx.msk [tilespmem:v14+s18+$0x0], $0xffff  }
0xcb: {  	v3 =	vadd.f32 v4, v3;
	v15 =	vadd.s32 v15, v1;
	v4 =	vmul.f32 v7, v13;
	v7 =	vld.idx.msk [tilespmem:v14+s20+$0x0], $0xffff  }
0xcc: {  	v14 =	vld [tilespmem:$0x1FCD0];
	_ =	sdelay $0x1  }
0xcd: {  	v8 =	vld.idx.msk [tilespmem:v9+s19+$0x0], $0xffff;
	v3 =	vadd.f32 v4, v3;
	v4 =	vmul.f32 v6, v10  }
0xce: {  	v13 =	vld.idx.msk [tilespmem:v11+s17+$0x0], $0xffff  }
0xcf: {  	v3 =	vadd.f32 v4, v3;
	v6 =	vld.idx.msk [tilespmem:v15+s18+$0x0], $0xffff  }
0xd0: {  	v9 =	vadd.s32 v14, v2;
	v14 =	vadd.s32 v14, v1;
	v4 =	vmul.f32 v5, v12;
	v5 =	vld.idx.msk [tilespmem:v15+s20+$0x0], $0xffff  }
0xd1: {  	v15 =	vld [tilespmem:$0x1FCE0];
	_ =	sdelay $0x2  }
0xd2: {  	v10 =	vld.idx.msk [tilespmem:v11+s19+$0x0], $0xffff;
	v3 =	vadd.f32 v4, v3;
	v4 =	vmul.f32 v7, v8  }
0xd3: {  	v7 =	vld.idx.msk [tilespmem:v14+s18+$0x0], $0xffff  }
0xd4: {  	v3 =	vadd.f32 v4, v3;
	v11 =	vadd.s32 v15, v2;
	v4 =	vmul.f32 v6, v13;
	v6 =	vld.idx.msk [tilespmem:v14+s20+$0x0], $0xffff  }
0xd5: {  	v15 =	vadd.s32 v15, v1;
	v14 =	vld [tilespmem:$0x1FCF0]  }
0xd6: {  	v12 =	vld.idx.msk [tilespmem:v9+s17+$0x0], $0xffff;
	_ =	sdelay $0x1  }
0xd7: {  	v8 =	vld.idx.msk [tilespmem:v9+s19+$0x0], $0xffff  }
0xd8: {  	v3 =	vadd.f32 v4, v3;
	v4 =	vmul.f32 v5, v10;
	v13 =	vld.idx.msk [tilespmem:v11+s17+$0x0], $0xffff  }
0xd9: {  	v9 =	vadd.s32 v14, v2;
	v14 =	vadd.s32 v14, v1;
	v5 =	vld.idx.msk [tilespmem:v15+s18+$0x0], $0xffff  }
0xda: {  	v3 =	vadd.f32 v4, v3;
	v4 =	vmul.f32 v7, v12;
	v7 =	vld.idx.msk [tilespmem:v15+s20+$0x0], $0xffff  }
0xdb: {  	v15 =	vld [tilespmem:$0x1FD00];
	_ =	sdelay $0x1  }
0xdc: {  	v10 =	vld.idx.msk [tilespmem:v11+s19+$0x0], $0xffff;
	v3 =	vadd.f32 v4, v3;
	v4 =	vmul.f32 v6, v8  }
0xdd: {  	v6 =	vld.idx.msk [tilespmem:v14+s18+$0x0], $0xffff  }
0xde: {  	v3 =	vadd.f32 v4, v3;
	v4 =	vmul.f32 v5, v13;
	v5 =	vld.idx.msk [tilespmem:v14+s20+$0x0], $0xffff  }
0xdf: {  	v11 =	vadd.s32 v15, v2;
	v14 =	vld [tilespmem:$0x1FD10]  }
0xe0: {  	v15 =	vadd.s32 v15, v1  }
0xe1: {  	v12 =	vld.idx.msk [tilespmem:v9+s17+$0x0], $0xffff;
	_ =	sdelay $0x1  }
0xe2: {  	v8 =	vld.idx.msk [tilespmem:v9+s19+$0x0], $0xffff;
	v3 =	vadd.f32 v4, v3  }
0xe3: {  	v4 =	vmul.f32 v7, v10;
	v9 =	vadd.s32 v14, v2;
	v13 =	vld.idx.msk [tilespmem:v11+s17+$0x0], $0xffff;
	v14 =	vadd.s32 v14, v1  }
0xe4: {  	v7 =	vld.idx.msk [tilespmem:v15+s18+$0x0], $0xffff  }
0xe5: {  	v3 =	vadd.f32 v4, v3;
	v4 =	vmul.f32 v6, v12;
	v6 =	vld.idx.msk [tilespmem:v15+s20+$0x0], $0xffff  }
0xe6: {  	v15 =	vld [tilespmem:$0x1FD20]  }
0xe7: {  	v3 =	vadd.f32 v4, v3;
	v4 =	vmul.f32 v5, v8  }
0xe8: {  	v5 =	vld.idx.msk [tilespmem:v14+s18+$0x0], $0xffff  }
0xe9: {  	v3 =	vadd.f32 v4, v3;
	v4 =	vmul.f32 v7, v13;
	v7 =	vld.idx.msk [tilespmem:v14+s20+$0x0], $0xffff  }
0xea: {  	v14 =	vld [tilespmem:$0x1FD30]  }
0xeb: {  	v10 =	vld.idx.msk [tilespmem:v11+s19+$0x0], $0xffff;
	v11 =	vadd.s32 v15, v2  }
0xec: {  	v15 =	vadd.s32 v15, v1;
	_ =	sdelay $0x1  }
0xed: {  	v12 =	vld.idx.msk [tilespmem:v9+s17+$0x0], $0xffff  }
0xee: {  	v8 =	vld.idx.msk [tilespmem:v9+s19+$0x0], $0xffff;
	v9 =	vadd.s32 v14, v2  }
0xef: {  	v13 =	vld.idx.msk [tilespmem:v11+s17+$0x0], $0xffff;
	v14 =	vadd.s32 v14, v1  }
0xf0: {  	v3 =	vadd.f32 v4, v3;
	v4 =	vmul.f32 v6, v10;
	v6 =	vld.idx.msk [tilespmem:v15+s18+$0x0], $0xffff  }
0xf1: {  	v10 =	vld.idx.msk [tilespmem:v11+s19+$0x0], $0xffff  }
0xf2: {  	v3 =	vadd.f32 v4, v3;
	v4 =	vmul.f32 v5, v12;
	v5 =	vld.idx.msk [tilespmem:v15+s20+$0x0], $0xffff;
	v11 =	vadd.s32 v35, v2  }
0xf3: {  	v15 =	vadd.s32 v35, v1;
	v12 =	vld.idx.msk [tilespmem:v9+s17+$0x0], $0xffff  }
0xf4: {  	v3 =	vadd.f32 v4, v3;
	v4 =	vmul.f32 v7, v8;
	v7 =	vld.idx.msk [tilespmem:v14+s18+$0x0], $0xffff  }
0xf5: {  	v8 =	vld.idx.msk [tilespmem:v9+s19+$0x0], $0xffff  }
0xf6: {  	v3 =	vadd.f32 v4, v3;
	v4 =	vmul.f32 v6, v13;
	v6 =	vld.idx.msk [tilespmem:v14+s20+$0x0], $0xffff;
	v9 =	vadd.s32 v36, v2  }
0xf7: {  	v13 =	vld.idx.msk [tilespmem:v11+s17+$0x0], $0xffff;
	v14 =	vadd.s32 v36, v1  }
0xf8: {  	v3 =	vadd.f32 v4, v3;
	v4 =	vmul.f32 v5, v10;
	v5 =	vld.idx.msk [tilespmem:v15+s18+$0x0], $0xffff  }
0xf9: {  	v10 =	vld.idx.msk [tilespmem:v11+s19+$0x0], $0xffff  }
0xfa: {  	v11 =	vadd.s32 v37, v2;
	v3 =	vadd.f32 v4, v3;
	v4 =	vmul.f32 v7, v12;
	v7 =	vld.idx.msk [tilespmem:v15+s20+$0x0], $0xffff  }
0xfb: {  	v12 =	vld.idx.msk [tilespmem:v9+s17+$0x0], $0xffff;
	v15 =	vadd.s32 v37, v1  }
0xfc: {  	v3 =	vadd.f32 v4, v3;
	v4 =	vmul.f32 v6, v8;
	v6 =	vld.idx.msk [tilespmem:v14+s18+$0x0], $0xffff  }
0xfd: {  	v8 =	vld.idx.msk [tilespmem:v9+s19+$0x0], $0xffff  }
0xfe: {  	v9 =	vadd.s32 v38, v2;
	v3 =	vadd.f32 v4, v3;
	v4 =	vmul.f32 v5, v13;
	v5 =	vld.idx.msk [tilespmem:v14+s20+$0x0], $0xffff  }
0xff: {  	v13 =	vld.idx.msk [tilespmem:v11+s17+$0x0], $0xffff;
	v14 =	vadd.s32 v38, v1  }
0x100: {  	v3 =	vadd.f32 v4, v3;
	v4 =	vmul.f32 v7, v10;
	v7 =	vld.idx.msk [tilespmem:v15+s18+$0x0], $0xffff  }
0x101: {  	v10 =	vld.idx.msk [tilespmem:v11+s19+$0x0], $0xffff  }
0x102: {  	v11 =	vadd.s32 v39, v2;
	v3 =	vadd.f32 v4, v3;
	v4 =	vmul.f32 v6, v12;
	v6 =	vld.idx.msk [tilespmem:v15+s20+$0x0], $0xffff  }
0x103: {  	v12 =	vld.idx.msk [tilespmem:v9+s17+$0x0], $0xffff;
	v15 =	vadd.s32 v39, v1  }
0x104: {  	v3 =	vadd.f32 v4, v3;
	v4 =	vmul.f32 v5, v8;
	v5 =	vld.idx.msk [tilespmem:v14+s18+$0x0], $0xffff  }
0x105: {  	v8 =	vld.idx.msk [tilespmem:v9+s19+$0x0], $0xffff  }
0x106: {  	v9 =	vadd.s32 v40, v2;
	v3 =	vadd.f32 v4, v3;
	v4 =	vmul.f32 v7, v13;
	v7 =	vld.idx.msk [tilespmem:v14+s20+$0x0], $0xffff  }
0x107: {  	v13 =	vld.idx.msk [tilespmem:v11+s17+$0x0], $0xffff;
	v14 =	vadd.s32 v40, v1  }
0x108: {  	v3 =	vadd.f32 v4, v3;
	v4 =	vmul.f32 v6, v10;
	v6 =	vld.idx.msk [tilespmem:v15+s18+$0x0], $0xffff  }
0x109: {  	v10 =	vld.idx.msk [tilespmem:v11+s19+$0x0], $0xffff  }
0x10a: {  	v11 =	vadd.s32 v41, v2;
	v3 =	vadd.f32 v4, v3;
	v4 =	vmul.f32 v5, v12;
	v5 =	vld.idx.msk [tilespmem:v15+s20+$0x0], $0xffff  }
0x10b: {  	v12 =	vld.idx.msk [tilespmem:v9+s17+$0x0], $0xffff;
	v15 =	vadd.s32 v41, v1  }
0x10c: {  	v3 =	vadd.f32 v4, v3;
	v4 =	vmul.f32 v7, v8;
	v7 =	vld.idx.msk [tilespmem:v14+s18+$0x0], $0xffff  }
0x10d: {  	v8 =	vld.idx.msk [tilespmem:v9+s19+$0x0], $0xffff  }
0x10e: {  	v9 =	vadd.s32 v42, v2;
	v3 =	vadd.f32 v4, v3;
	v4 =	vmul.f32 v6, v13;
	v6 =	vld.idx.msk [tilespmem:v14+s20+$0x0], $0xffff  }
0x10f: {  	v13 =	vld.idx.msk [tilespmem:v11+s17+$0x0], $0xffff;
	v14 =	vadd.s32 v42, v1  }
0x110: {  	v3 =	vadd.f32 v4, v3;
	v4 =	vmul.f32 v5, v10;
	v5 =	vld.idx.msk [tilespmem:v15+s18+$0x0], $0xffff  }
0x111: {  	v10 =	vld.idx.msk [tilespmem:v11+s19+$0x0], $0xffff  }
0x112: {  	v11 =	vadd.s32 v43, v2;
	v3 =	vadd.f32 v4, v3;
	v4 =	vmul.f32 v7, v12;
	v7 =	vld.idx.msk [tilespmem:v15+s20+$0x0], $0xffff  }
0x113: {  	v12 =	vld.idx.msk [tilespmem:v9+s17+$0x0], $0xffff;
	v15 =	vadd.s32 v43, v1  }
0x114: {  	v3 =	vadd.f32 v4, v3;
	v4 =	vmul.f32 v6, v8;
	v6 =	vld.idx.msk [tilespmem:v14+s18+$0x0], $0xffff  }
0x115: {  	v8 =	vld.idx.msk [tilespmem:v9+s19+$0x0], $0xffff  }
0x116: {  	v9 =	vadd.s32 v44, v2;
	v3 =	vadd.f32 v4, v3;
	v4 =	vmul.f32 v5, v13;
	v5 =	vld.idx.msk [tilespmem:v14+s20+$0x0], $0xffff  }
0x117: {  	v13 =	vld.idx.msk [tilespmem:v11+s17+$0x0], $0xffff;
	v14 =	vadd.s32 v44, v1  }
0x118: {  	v3 =	vadd.f32 v4, v3;
	v4 =	vmul.f32 v7, v10;
	v7 =	vld.idx.msk [tilespmem:v15+s18+$0x0], $0xffff  }
0x119: {  	v10 =	vld.idx.msk [tilespmem:v11+s19+$0x0], $0xffff  }
0x11a: {  	v11 =	vadd.s32 v45, v2;
	v3 =	vadd.f32 v4, v3;
	v4 =	vmul.f32 v6, v12;
	v6 =	vld.idx.msk [tilespmem:v15+s20+$0x0], $0xffff  }
0x11b: {  	v12 =	vld.idx.msk [tilespmem:v9+s17+$0x0], $0xffff;
	v15 =	vadd.s32 v45, v1  }
0x11c: {  	v3 =	vadd.f32 v4, v3;
	v4 =	vmul.f32 v5, v8;
	v5 =	vld.idx.msk [tilespmem:v14+s18+$0x0], $0xffff  }
0x11d: {  	v2 =	vadd.s32 v46, v2;
	v8 =	vld.idx.msk [tilespmem:v9+s19+$0x0], $0xffff  }
0x11e: {  	v13 =	vmul.f32 v7, v13;
	v7 =	vld.idx.msk [tilespmem:v14+s20+$0x0], $0xffff;
	v3 =	vadd.f32 v4, v3  }
0x11f: {  	v1 =	vadd.s32 v46, v1;
	v9 =	vld.idx.msk [tilespmem:v11+s17+$0x0], $0xffff  }
0x120: {  	v3 =	vadd.f32 v13, v3;
	v13 =	vmul.f32 v6, v10;
	v6 =	vld.idx.msk [tilespmem:v15+s18+$0x0], $0xffff  }
0x121: {  	v10 =	vld.idx.msk [tilespmem:v11+s19+$0x0], $0xffff  }
0x122: {  	v11 =	vld.idx.msk [tilespmem:v2+s17+$0x0], $0xffff;
	v14 =	vmul.f32 v5, v12;
	v3 =	vadd.f32 v13, v3  }
0x123: {  	v5 =	vld.idx.msk [tilespmem:v15+s20+$0x0], $0xffff  }
0x124: {  	v12 =	vmul.f32 v7, v8;
	v13 =	vld.idx.msk [tilespmem:v1+s18+$0x0], $0xffff;
	v3 =	vadd.f32 v14, v3  }
0x125: {  	v14 =	vld.idx.msk [tilespmem:v2+s19+$0x0], $0xffff  }
0x126: {  	v2 =	vadd.f32 v12, v3;
	v3 =	vmul.f32 v6, v9;
	v12 =	vld.idx.msk [tilespmem:v1+s20+$0x0], $0xffff  }
0x127: {  	v1 =	vld [tilespmem:s28+$0x810]  }
0x128: {  	v5 =	vmul.f32 v5, v10;
	v3 =	vadd.f32 v3, v2  }
0x129: {  	v2 =	vld [tilespmem:s28+$0xA10]  }
0x12a: {  	v13 =	vmul.f32 v13, v11;
	v3 =	vadd.f32 v5, v3;
	_ =	sdelay $0x1  }
0x12b: {  	v4 =	vmul.f32 v12, v14;
	v14 =	vadd.s32 v47, v1;
	v3 =	vadd.f32 v13, v3;
	_ =	sdelay $0x1  }
0x12c: {  	v12 =	vadd.s32 v47, v2;
	v3 =	vadd.f32 v4, v3  }
0x12d: {  	v9 =	vadd.s32 v49, v1  }
0x12e: {  	[tilespmem:s28+$0x8C00] =	vst v3  }
0x12f: {  	v7 =	vadd.s32 v48, v2;
	v4 =	vld.idx.msk [tilespmem:v14+s17+$0x0], $0xffff  }
0x130: {  	v3 =	vadd.s32 v48, v1;
	v5 =	vld.idx.msk [tilespmem:v14+s19+$0x0], $0xffff  }
0x131: {  	v8 =	vld.idx.msk [tilespmem:v12+s18+$0x0], $0xffff  }
0x132: {  	v13 =	vld.idx.msk [tilespmem:v9+s17+$0x0], $0xffff  }
0x133: {  	v6 =	vld.idx.msk [tilespmem:v12+s20+$0x0], $0xffff  }
0x134: {  	v11 =	vadd.s32 v49, v2;
	v12 =	vld.idx.msk [tilespmem:v7+s18+$0x0], $0xffff  }
0x135: {  	v10 =	vld.idx.msk [tilespmem:v3+s17+$0x0], $0xffff  }
0x136: {  	v7 =	vld.idx.msk [tilespmem:v7+s20+$0x0], $0xffff;
	v4 =	vmul.f32 v8, v4;
	v8 =	vadd.s32 v50, v1  }
0x137: {  	v3 =	vld.idx.msk [tilespmem:v3+s19+$0x0], $0xffff  }
0x138: {  	v14 =	vadd.s32 v50, v2;
	v9 =	vld.idx.msk [tilespmem:v9+s19+$0x0], $0xffff;
	v5 =	vmul.f32 v6, v5;
	v4 =	vadd.f32 $0.0e+00, v4  }
0x139: {  	v6 =	vld.idx.msk [tilespmem:v11+s18+$0x0], $0xffff  }
0x13a: {  	v4 =	vadd.f32 v5, v4;
	v5 =	vmul.f32 v12, v10;
	v10 =	vld.idx.msk [tilespmem:v11+s20+$0x0], $0xffff;
	v11 =	vadd.s32 v51, v1  }
0x13b: {  	v15 =	vadd.s32 v51, v2;
	v12 =	vld.idx.msk [tilespmem:v8+s17+$0x0], $0xffff  }
0x13c: {  	v3 =	vmul.f32 v7, v3;
	v7 =	vld.idx.msk [tilespmem:v8+s19+$0x0], $0xffff;
	v4 =	vadd.f32 v5, v4  }
0x13d: {  	v5 =	vld.idx.msk [tilespmem:v14+s18+$0x0], $0xffff  }
0x13e: {  	v8 =	vadd.s32 v52, v1;
	v3 =	vadd.f32 v3, v4;
	v4 =	vmul.f32 v6, v13;
	v6 =	vld.idx.msk [tilespmem:v14+s20+$0x0], $0xffff  }
0x13f: {  	v14 =	vadd.s32 v52, v2;
	v13 =	vld.idx.msk [tilespmem:v11+s17+$0x0], $0xffff  }
0x140: {  	v3 =	vadd.f32 v4, v3;
	v4 =	vmul.f32 v10, v9;
	v9 =	vld.idx.msk [tilespmem:v15+s18+$0x0], $0xffff  }
0x141: {  	v10 =	vld.idx.msk [tilespmem:v11+s19+$0x0], $0xffff  }
0x142: {  	v11 =	vadd.s32 v53, v1;
	v3 =	vadd.f32 v4, v3;
	v4 =	vmul.f32 v5, v12;
	v5 =	vld.idx.msk [tilespmem:v15+s20+$0x0], $0xffff  }
0x143: {  	v12 =	vld.idx.msk [tilespmem:v8+s17+$0x0], $0xffff;
	v15 =	vadd.s32 v53, v2  }
0x144: {  	v3 =	vadd.f32 v4, v3;
	v4 =	vmul.f32 v6, v7;
	v6 =	vld.idx.msk [tilespmem:v14+s18+$0x0], $0xffff  }
0x145: {  	v7 =	vld.idx.msk [tilespmem:v8+s19+$0x0], $0xffff  }
0x146: {  	v8 =	vld.idx.msk [tilespmem:v14+s20+$0x0], $0xffff;
	v3 =	vadd.f32 v4, v3;
	v4 =	vmul.f32 v9, v13;
	v9 =	vadd.s32 v54, v1  }
0x147: {  	v14 =	vadd.s32 v54, v2;
	v13 =	vld.idx.msk [tilespmem:v11+s17+$0x0], $0xffff  }
0x148: {  	v3 =	vadd.f32 v4, v3;
	v4 =	vmul.f32 v5, v10;
	v5 =	vld.idx.msk [tilespmem:v15+s18+$0x0], $0xffff  }
0x149: {  	v10 =	vld.idx.msk [tilespmem:v11+s19+$0x0], $0xffff  }
0x14a: {  	v11 =	vadd.s32 v55, v1;
	v3 =	vadd.f32 v4, v3;
	v4 =	vmul.f32 v6, v12;
	v6 =	vld.idx.msk [tilespmem:v15+s20+$0x0], $0xffff  }
0x14b: {  	v15 =	vadd.s32 v55, v2;
	v12 =	vld.idx.msk [tilespmem:v9+s17+$0x0], $0xffff  }
0x14c: {  	v3 =	vadd.f32 v4, v3;
	v4 =	vmul.f32 v8, v7;
	v7 =	vld.idx.msk [tilespmem:v14+s18+$0x0], $0xffff  }
0x14d: {  	v8 =	vld.idx.msk [tilespmem:v9+s19+$0x0], $0xffff  }
0x14e: {  	v9 =	vadd.s32 v56, v1;
	v3 =	vadd.f32 v4, v3;
	v4 =	vmul.f32 v5, v13;
	v5 =	vld.idx.msk [tilespmem:v14+s20+$0x0], $0xffff  }
0x14f: {  	v13 =	vld.idx.msk [tilespmem:v11+s17+$0x0], $0xffff;
	v14 =	vadd.s32 v56, v2  }
0x150: {  	v3 =	vadd.f32 v4, v3;
	v4 =	vmul.f32 v6, v10;
	v6 =	vld.idx.msk [tilespmem:v15+s18+$0x0], $0xffff  }
0x151: {  	v10 =	vld.idx.msk [tilespmem:v11+s19+$0x0], $0xffff  }
0x152: {  	v11 =	vadd.s32 v57, v1;
	v3 =	vadd.f32 v4, v3;
	v4 =	vmul.f32 v7, v12;
	v7 =	vld.idx.msk [tilespmem:v15+s20+$0x0], $0xffff  }
0x153: {  	v12 =	vld.idx.msk [tilespmem:v9+s17+$0x0], $0xffff;
	v15 =	vadd.s32 v57, v2  }
0x154: {  	v3 =	vadd.f32 v4, v3;
	v4 =	vmul.f32 v5, v8;
	v5 =	vld.idx.msk [tilespmem:v14+s18+$0x0], $0xffff  }
0x155: {  	v8 =	vld.idx.msk [tilespmem:v9+s19+$0x0], $0xffff  }
0x156: {  	v9 =	vadd.s32 v58, v1;
	v3 =	vadd.f32 v4, v3;
	v4 =	vmul.f32 v6, v13;
	v6 =	vld.idx.msk [tilespmem:v14+s20+$0x0], $0xffff  }
0x157: {  	v13 =	vld.idx.msk [tilespmem:v11+s17+$0x0], $0xffff;
	v14 =	vadd.s32 v58, v2  }
0x158: {  	v3 =	vadd.f32 v4, v3;
	v4 =	vmul.f32 v7, v10;
	v7 =	vld.idx.msk [tilespmem:v15+s18+$0x0], $0xffff  }
0x159: {  	v10 =	vld.idx.msk [tilespmem:v11+s19+$0x0], $0xffff  }
0x15a: {  	v11 =	vadd.s32 v59, v1;
	v3 =	vadd.f32 v4, v3;
	v4 =	vmul.f32 v5, v12;
	v5 =	vld.idx.msk [tilespmem:v15+s20+$0x0], $0xffff  }
0x15b: {  	v12 =	vld.idx.msk [tilespmem:v9+s17+$0x0], $0xffff;
	v15 =	vadd.s32 v59, v2  }
0x15c: {  	v3 =	vadd.f32 v4, v3;
	v4 =	vmul.f32 v6, v8;
	v6 =	vld.idx.msk [tilespmem:v14+s18+$0x0], $0xffff  }
0x15d: {  	v8 =	vld.idx.msk [tilespmem:v9+s19+$0x0], $0xffff  }
0x15e: {  	v9 =	vadd.s32 v60, v1;
	v3 =	vadd.f32 v4, v3;
	v4 =	vmul.f32 v7, v13;
	v7 =	vld.idx.msk [tilespmem:v14+s20+$0x0], $0xffff  }
0x15f: {  	v13 =	vld.idx.msk [tilespmem:v11+s17+$0x0], $0xffff;
	v14 =	vadd.s32 v60, v2  }
0x160: {  	v3 =	vadd.f32 v4, v3;
	v4 =	vmul.f32 v5, v10;
	v5 =	vld.idx.msk [tilespmem:v15+s18+$0x0], $0xffff  }
0x161: {  	v10 =	vld.idx.msk [tilespmem:v11+s19+$0x0], $0xffff  }
0x162: {  	v11 =	vadd.s32 v61, v1;
	v3 =	vadd.f32 v4, v3;
	v4 =	vmul.f32 v6, v12;
	v6 =	vld.idx.msk [tilespmem:v15+s20+$0x0], $0xffff  }
0x163: {  	v12 =	vld.idx.msk [tilespmem:v9+s17+$0x0], $0xffff;
	v15 =	vadd.s32 v61, v2  }
0x164: {  	v3 =	vadd.f32 v4, v3;
	v4 =	vmul.f32 v7, v8;
	v7 =	vld.idx.msk [tilespmem:v14+s18+$0x0], $0xffff  }
0x165: {  	v8 =	vld.idx.msk [tilespmem:v9+s19+$0x0], $0xffff  }
0x166: {  	v9 =	vadd.s32 v62, v1;
	v3 =	vadd.f32 v4, v3;
	v4 =	vmul.f32 v5, v13;
	v5 =	vld.idx.msk [tilespmem:v14+s20+$0x0], $0xffff  }
0x167: {  	v13 =	vld.idx.msk [tilespmem:v11+s17+$0x0], $0xffff;
	v14 =	vadd.s32 v62, v2  }
0x168: {  	v3 =	vadd.f32 v4, v3;
	v4 =	vmul.f32 v6, v10;
	v6 =	vld.idx.msk [tilespmem:v15+s18+$0x0], $0xffff  }
0x169: {  	v10 =	vld.idx.msk [tilespmem:v11+s19+$0x0], $0xffff  }
0x16a: {  	v11 =	vadd.s32 v63, v1;
	v3 =	vadd.f32 v4, v3;
	v4 =	vmul.f32 v7, v12;
	v7 =	vld.idx.msk [tilespmem:v15+s20+$0x0], $0xffff  }
0x16b: {  	v12 =	vld.idx.msk [tilespmem:v9+s17+$0x0], $0xffff;
	v15 =	vadd.s32 v63, v2  }
0x16c: {  	v3 =	vadd.f32 v4, v3;
	v4 =	vmul.f32 v5, v8;
	v5 =	vld.idx.msk [tilespmem:v14+s18+$0x0], $0xffff  }
0x16d: {  	v8 =	vld.idx.msk [tilespmem:v9+s19+$0x0], $0xffff  }
0x16e: {  	v9 =	vadd.s32 v20, v1;
	v3 =	vadd.f32 v4, v3;
	v4 =	vmul.f32 v6, v13;
	v6 =	vld.idx.msk [tilespmem:v14+s20+$0x0], $0xffff  }
0x16f: {  	v13 =	vld.idx.msk [tilespmem:v11+s17+$0x0], $0xffff;
	v14 =	vadd.s32 v20, v2  }
0x170: {  	v3 =	vadd.f32 v4, v3;
	v4 =	vmul.f32 v7, v10;
	v7 =	vld.idx.msk [tilespmem:v15+s18+$0x0], $0xffff  }
0x171: {  	v10 =	vld.idx.msk [tilespmem:v11+s19+$0x0], $0xffff  }
0x172: {  	v11 =	vadd.s32 v21, v1;
	v3 =	vadd.f32 v4, v3;
	v4 =	vmul.f32 v5, v12;
	v5 =	vld.idx.msk [tilespmem:v15+s20+$0x0], $0xffff  }
0x173: {  	v12 =	vld.idx.msk [tilespmem:v9+s17+$0x0], $0xffff;
	v15 =	vadd.s32 v21, v2  }
0x174: {  	v3 =	vadd.f32 v4, v3;
	v4 =	vmul.f32 v6, v8;
	v6 =	vld.idx.msk [tilespmem:v14+s18+$0x0], $0xffff  }
0x175: {  	v8 =	vld.idx.msk [tilespmem:v9+s19+$0x0], $0xffff  }
0x176: {  	v9 =	vadd.s32 v22, v1;
	v3 =	vadd.f32 v4, v3;
	v4 =	vmul.f32 v7, v13;
	v7 =	vld.idx.msk [tilespmem:v14+s20+$0x0], $0xffff  }
0x177: {  	v13 =	vld.idx.msk [tilespmem:v11+s17+$0x0], $0xffff;
	v14 =	vadd.s32 v22, v2  }
0x178: {  	v3 =	vadd.f32 v4, v3;
	v4 =	vmul.f32 v5, v10;
	v5 =	vld.idx.msk [tilespmem:v15+s18+$0x0], $0xffff  }
0x179: {  	v10 =	vld.idx.msk [tilespmem:v11+s19+$0x0], $0xffff  }
0x17a: {  	v11 =	vadd.s32 v23, v1;
	v3 =	vadd.f32 v4, v3;
	v4 =	vmul.f32 v6, v12;
	v6 =	vld.idx.msk [tilespmem:v15+s20+$0x0], $0xffff  }
0x17b: {  	v12 =	vld.idx.msk [tilespmem:v9+s17+$0x0], $0xffff;
	v15 =	vadd.s32 v23, v2  }
0x17c: {  	v3 =	vadd.f32 v4, v3;
	v4 =	vmul.f32 v7, v8;
	v7 =	vld.idx.msk [tilespmem:v14+s18+$0x0], $0xffff  }
0x17d: {  	v8 =	vld.idx.msk [tilespmem:v9+s19+$0x0], $0xffff  }
0x17e: {  	v9 =	vadd.s32 v24, v1;
	v3 =	vadd.f32 v4, v3;
	v4 =	vmul.f32 v5, v13;
	v5 =	vld.idx.msk [tilespmem:v14+s20+$0x0], $0xffff  }
0x17f: {  	v13 =	vld.idx.msk [tilespmem:v11+s17+$0x0], $0xffff;
	v14 =	vadd.s32 v24, v2  }
0x180: {  	v3 =	vadd.f32 v4, v3;
	v4 =	vmul.f32 v6, v10;
	v6 =	vld.idx.msk [tilespmem:v15+s18+$0x0], $0xffff  }
0x181: {  	v10 =	vld.idx.msk [tilespmem:v11+s19+$0x0], $0xffff  }
0x182: {  	v11 =	vadd.s32 v25, v1;
	v3 =	vadd.f32 v4, v3;
	v4 =	vmul.f32 v7, v12;
	v7 =	vld.idx.msk [tilespmem:v15+s20+$0x0], $0xffff  }
0x183: {  	v12 =	vld.idx.msk [tilespmem:v9+s17+$0x0], $0xffff;
	v15 =	vadd.s32 v25, v2  }
0x184: {  	v3 =	vadd.f32 v4, v3;
	v4 =	vmul.f32 v5, v8;
	v5 =	vld.idx.msk [tilespmem:v14+s18+$0x0], $0xffff  }
0x185: {  	v8 =	vld.idx.msk [tilespmem:v9+s19+$0x0], $0xffff  }
0x186: {  	v9 =	vadd.s32 v26, v1;
	v3 =	vadd.f32 v4, v3;
	v4 =	vmul.f32 v6, v13;
	v6 =	vld.idx.msk [tilespmem:v14+s20+$0x0], $0xffff  }
0x187: {  	v13 =	vld.idx.msk [tilespmem:v11+s17+$0x0], $0xffff;
	v14 =	vadd.s32 v26, v2  }
0x188: {  	v3 =	vadd.f32 v4, v3;
	v4 =	vmul.f32 v7, v10;
	v7 =	vld.idx.msk [tilespmem:v15+s18+$0x0], $0xffff  }
0x189: {  	v10 =	vld.idx.msk [tilespmem:v11+s19+$0x0], $0xffff  }
0x18a: {  	v11 =	vadd.s32 v27, v1;
	v3 =	vadd.f32 v4, v3;
	v4 =	vmul.f32 v5, v12;
	v5 =	vld.idx.msk [tilespmem:v15+s20+$0x0], $0xffff  }
0x18b: {  	v12 =	vld.idx.msk [tilespmem:v9+s17+$0x0], $0xffff;
	v15 =	vadd.s32 v27, v2  }
0x18c: {  	v3 =	vadd.f32 v4, v3;
	v4 =	vmul.f32 v6, v8;
	v6 =	vld.idx.msk [tilespmem:v14+s18+$0x0], $0xffff  }
0x18d: {  	v8 =	vld.idx.msk [tilespmem:v9+s19+$0x0], $0xffff  }
0x18e: {  	v9 =	vadd.s32 v28, v1;
	v3 =	vadd.f32 v4, v3;
	v4 =	vmul.f32 v7, v13;
	v7 =	vld.idx.msk [tilespmem:v14+s20+$0x0], $0xffff  }
0x18f: {  	v13 =	vld.idx.msk [tilespmem:v11+s17+$0x0], $0xffff;
	v14 =	vadd.s32 v28, v2  }
0x190: {  	v3 =	vadd.f32 v4, v3;
	v4 =	vmul.f32 v5, v10;
	v5 =	vld.idx.msk [tilespmem:v15+s18+$0x0], $0xffff  }
0x191: {  	v10 =	vld.idx.msk [tilespmem:v11+s19+$0x0], $0xffff  }
0x192: {  	v11 =	vadd.s32 v29, v1;
	v3 =	vadd.f32 v4, v3;
	v4 =	vmul.f32 v6, v12;
	v6 =	vld.idx.msk [tilespmem:v15+s20+$0x0], $0xffff  }
0x193: {  	v12 =	vld.idx.msk [tilespmem:v9+s17+$0x0], $0xffff;
	v15 =	vadd.s32 v29, v2  }
0x194: {  	v3 =	vadd.f32 v4, v3;
	v4 =	vmul.f32 v7, v8;
	v7 =	vld.idx.msk [tilespmem:v14+s18+$0x0], $0xffff  }
0x195: {  	v8 =	vld.idx.msk [tilespmem:v9+s19+$0x0], $0xffff  }
0x196: {  	v9 =	vadd.s32 v30, v1;
	v3 =	vadd.f32 v4, v3;
	v4 =	vmul.f32 v5, v13;
	v5 =	vld.idx.msk [tilespmem:v14+s20+$0x0], $0xffff  }
0x197: {  	v13 =	vld.idx.msk [tilespmem:v11+s17+$0x0], $0xffff;
	v14 =	vadd.s32 v30, v2  }
0x198: {  	v3 =	vadd.f32 v4, v3;
	v4 =	vmul.f32 v6, v10;
	v6 =	vld.idx.msk [tilespmem:v15+s18+$0x0], $0xffff  }
0x199: {  	v10 =	vld.idx.msk [tilespmem:v11+s19+$0x0], $0xffff  }
0x19a: {  	v11 =	vadd.s32 v31, v1;
	v3 =	vadd.f32 v4, v3;
	v4 =	vmul.f32 v7, v12;
	v7 =	vld.idx.msk [tilespmem:v15+s20+$0x0], $0xffff  }
0x19b: {  	v12 =	vld.idx.msk [tilespmem:v9+s17+$0x0], $0xffff;
	v15 =	vadd.s32 v31, v2  }
0x19c: {  	v3 =	vadd.f32 v4, v3;
	v4 =	vmul.f32 v5, v8;
	v5 =	vld.idx.msk [tilespmem:v14+s18+$0x0], $0xffff  }
0x19d: {  	v8 =	vld.idx.msk [tilespmem:v9+s19+$0x0], $0xffff  }
0x19e: {  	v9 =	vadd.s32 v32, v1;
	v3 =	vadd.f32 v4, v3;
	v4 =	vmul.f32 v6, v13;
	v6 =	vld.idx.msk [tilespmem:v14+s20+$0x0], $0xffff  }
0x19f: {  	v13 =	vld.idx.msk [tilespmem:v11+s17+$0x0], $0xffff;
	v14 =	vadd.s32 v32, v2  }
0x1a0: {  	v3 =	vadd.f32 v4, v3;
	v4 =	vmul.f32 v7, v10;
	v7 =	vld.idx.msk [tilespmem:v15+s18+$0x0], $0xffff  }
0x1a1: {  	v10 =	vld.idx.msk [tilespmem:v11+s19+$0x0], $0xffff  }
0x1a2: {  	v11 =	vadd.s32 v33, v1;
	v3 =	vadd.f32 v4, v3;
	v4 =	vmul.f32 v5, v12;
	v5 =	vld.idx.msk [tilespmem:v15+s20+$0x0], $0xffff  }
0x1a3: {  	v12 =	vld.idx.msk [tilespmem:v9+s17+$0x0], $0xffff;
	v15 =	vadd.s32 v33, v2  }
0x1a4: {  	v3 =	vadd.f32 v4, v3;
	v4 =	vmul.f32 v6, v8;
	v6 =	vld.idx.msk [tilespmem:v14+s18+$0x0], $0xffff  }
0x1a5: {  	v1 =	vadd.s32 v34, v1;
	v8 =	vld.idx.msk [tilespmem:v9+s19+$0x0], $0xffff  }
0x1a6: {  	v13 =	vmul.f32 v7, v13;
	v7 =	vld.idx.msk [tilespmem:v14+s20+$0x0], $0xffff;
	v3 =	vadd.f32 v4, v3  }
0x1a7: {  	v2 =	vadd.s32 v34, v2;
	v9 =	vld.idx.msk [tilespmem:v11+s17+$0x0], $0xffff  }
0x1a8: {  	v14 =	vmul.f32 v5, v10;
	v5 =	vld.idx.msk [tilespmem:v15+s18+$0x0], $0xffff;
	v3 =	vadd.f32 v13, v3  }
0x1a9: {  	v10 =	vld.idx.msk [tilespmem:v11+s19+$0x0], $0xffff  }
0x1aa: {  	v11 =	vld.idx.msk [tilespmem:v1+s17+$0x0], $0xffff;
	v13 =	vmul.f32 v6, v12;
	v3 =	vadd.f32 v14, v3  }
0x1ab: {  	v6 =	vld.idx.msk [tilespmem:v15+s20+$0x0], $0xffff  }
0x1ac: {  	v12 =	vld.idx.msk [tilespmem:v2+s18+$0x0], $0xffff;
	v14 =	vmul.f32 v7, v8;
	v3 =	vadd.f32 v13, v3  }
0x1ad: {  	v13 =	vld.idx.msk [tilespmem:v1+s19+$0x0], $0xffff  }
0x1ae: {  	v1 =	vld [tilespmem:s28+$0x820];
	v3 =	vadd.f32 v14, v3;
	v14 =	vmul.f32 v5, v9  }
0x1af: {  	v9 =	vld.idx.msk [tilespmem:v2+s20+$0x0], $0xffff  }
0x1b0: {  	v10 =	vmul.f32 v6, v10;
	v2 =	vld [tilespmem:s28+$0xA20];
	v3 =	vadd.f32 v14, v3;
	_ =	sdelay $0x1  }
0x1b1: {  	v11 =	vmul.f32 v12, v11;
	v3 =	vadd.f32 v10, v3  }
0x1b2: {  	v12 =	vor.u32 $0x1000, v0  }
0x1b3: {  	v14 =	vadd.s32 v12, v1;
	v13 =	vmul.f32 v9, v13;
	v3 =	vadd.f32 v11, v3  }
0x1b4: {  	v6 =	vadd.s32 v12, v2  }
0x1b5: {  	v3 =	vadd.f32 v13, v3  }
0x1b6: {  	v12 =	vor.u32 $0x1001, v0  }
0x1b7: {  	v4 =	vadd.s32 v12, v2;
	[tilespmem:s28+$0x8C10] =	vst v3  }
0x1b8: {  	v7 =	vld.idx.msk [tilespmem:v14+s17+$0x0], $0xffff  }
0x1b9: {  	v13 =	vor.u32 $0x1002, v0;
	v3 =	vadd.s32 v12, v1;
	v8 =	vld.idx.msk [tilespmem:v6+s18+$0x0], $0xffff  }
0x1ba: {  	v10 =	vadd.s32 v13, v1;
	v5 =	vld.idx.msk [tilespmem:v14+s19+$0x0], $0xffff  }
0x1bb: {  	v6 =	vld.idx.msk [tilespmem:v6+s20+$0x0], $0xffff  }
0x1bc: {  	v12 =	vld.idx.msk [tilespmem:v4+s18+$0x0], $0xffff  }
0x1bd: {  	v9 =	vadd.s32 v13, v2;
	v4 =	vld.idx.msk [tilespmem:v4+s20+$0x0], $0xffff  }
0x1be: {  	v13 =	vor.u32 $0x1003, v0;
	v11 =	vld.idx.msk [tilespmem:v3+s17+$0x0], $0xffff  }
0x1bf: {  	v14 =	vld.idx.msk [tilespmem:v10+s17+$0x0], $0xffff;
	v7 =	vmul.f32 v8, v7;
	v8 =	vadd.s32 v13, v1  }
0x1c0: {  	v3 =	vld.idx.msk [tilespmem:v3+s19+$0x0], $0xffff;
	v13 =	vadd.s32 v13, v2  }
0x1c1: {  	v10 =	vld.idx.msk [tilespmem:v10+s19+$0x0], $0xffff;
	v5 =	vmul.f32 v6, v5;
	v7 =	vadd.f32 $0.0e+00, v7  }
0x1c2: {  	v15 =	vor.u32 $0x1004, v0;
	v6 =	vld.idx.msk [tilespmem:v9+s18+$0x0], $0xffff  }
0x1c3: {  	v9 =	vld.idx.msk [tilespmem:v9+s20+$0x0], $0xffff;
	v5 =	vadd.f32 v5, v7;
	v7 =	vmul.f32 v12, v11;
	v11 =	vadd.s32 v15, v1  }
0x1c4: {  	v15 =	vadd.s32 v15, v2;
	v12 =	vld.idx.msk [tilespmem:v8+s17+$0x0], $0xffff  }
0x1c5: {  	v3 =	vmul.f32 v4, v3;
	v4 =	vld.idx.msk [tilespmem:v13+s18+$0x0], $0xffff;
	v5 =	vadd.f32 v7, v5  }
0x1c6: {  	v7 =	vld.idx.msk [tilespmem:v8+s19+$0x0], $0xffff;
	v8 =	vor.u32 $0x1005, v0  }
0x1c7: {  	v3 =	vadd.f32 v3, v5;
	v5 =	vmul.f32 v6, v14;
	v6 =	vld.idx.msk [tilespmem:v13+s20+$0x0], $0xffff;
	v13 =	vadd.s32 v8, v1  }
0x1c8: {  	v8 =	vadd.s32 v8, v2;
	v14 =	vld.idx.msk [tilespmem:v11+s17+$0x0], $0xffff  }
0x1c9: {  	v3 =	vadd.f32 v5, v3;
	v5 =	vmul.f32 v9, v10;
	v9 =	vld.idx.msk [tilespmem:v15+s18+$0x0], $0xffff  }
0x1ca: {  	v10 =	vld.idx.msk [tilespmem:v11+s19+$0x0], $0xffff;
	v11 =	vor.u32 $0x1006, v0  }
0x1cb: {  	v4 =	vmul.f32 v4, v12;
	v12 =	vadd.s32 v11, v1;
	v3 =	vadd.f32 v5, v3;
	v5 =	vld.idx.msk [tilespmem:v15+s20+$0x0], $0xffff  }
0x1cc: {  	v11 =	vadd.s32 v11, v2;
	v15 =	vld.idx.msk [tilespmem:v13+s17+$0x0], $0xffff  }
0x1cd: {  	v3 =	vadd.f32 v4, v3;
	v4 =	vmul.f32 v6, v7;
	v6 =	vld.idx.msk [tilespmem:v8+s18+$0x0], $0xffff  }
0x1ce: {  	v7 =	vld.idx.msk [tilespmem:v13+s19+$0x0], $0xffff;
	v13 =	vor.u32 $0x1007, v0  }
0x1cf: {  	v8 =	vld.idx.msk [tilespmem:v8+s20+$0x0], $0xffff;
	v3 =	vadd.f32 v4, v3;
	v4 =	vmul.f32 v9, v14;
	v9 =	vadd.s32 v13, v1  }
0x1d0: {  	v14 =	vld.idx.msk [tilespmem:v12+s17+$0x0], $0xffff;
	v13 =	vadd.s32 v13, v2  }
0x1d1: {  	v3 =	vadd.f32 v4, v3;
	v4 =	vmul.f32 v5, v10;
	v5 =	vld.idx.msk [tilespmem:v11+s18+$0x0], $0xffff  }
0x1d2: {  	v10 =	vld.idx.msk [tilespmem:v12+s19+$0x0], $0xffff;
	v12 =	vor.u32 $0x1008, v0  }
0x1d3: {  	v3 =	vadd.f32 v4, v3;
	v4 =	vmul.f32 v6, v15;
	v6 =	vld.idx.msk [tilespmem:v11+s20+$0x0], $0xffff;
	v11 =	vadd.s32 v12, v1  }
0x1d4: {  	v12 =	vadd.s32 v12, v2;
	v15 =	vld.idx.msk [tilespmem:v9+s17+$0x0], $0xffff  }
0x1d5: {  	v3 =	vadd.f32 v4, v3;
	v4 =	vmul.f32 v8, v7;
	v7 =	vld.idx.msk [tilespmem:v13+s18+$0x0], $0xffff  }
0x1d6: {  	v8 =	vld.idx.msk [tilespmem:v9+s19+$0x0], $0xffff;
	v9 =	vor.u32 $0x1009, v0  }
0x1d7: {  	v3 =	vadd.f32 v4, v3;
	v4 =	vmul.f32 v5, v14;
	v5 =	vld.idx.msk [tilespmem:v13+s20+$0x0], $0xffff;
	v13 =	vadd.s32 v9, v1  }
0x1d8: {  	v9 =	vadd.s32 v9, v2;
	v14 =	vld.idx.msk [tilespmem:v11+s17+$0x0], $0xffff  }
0x1d9: {  	v3 =	vadd.f32 v4, v3;
	v4 =	vmul.f32 v6, v10;
	v6 =	vld.idx.msk [tilespmem:v12+s18+$0x0], $0xffff  }
0x1da: {  	v10 =	vld.idx.msk [tilespmem:v11+s19+$0x0], $0xffff;
	v11 =	vor.u32 $0x100A, v0  }
0x1db: {  	v3 =	vadd.f32 v4, v3;
	v4 =	vmul.f32 v7, v15;
	v7 =	vld.idx.msk [tilespmem:v12+s20+$0x0], $0xffff;
	v12 =	vadd.s32 v11, v1  }
0x1dc: {  	v11 =	vadd.s32 v11, v2;
	v15 =	vld.idx.msk [tilespmem:v13+s17+$0x0], $0xffff  }
0x1dd: {  	v3 =	vadd.f32 v4, v3;
	v4 =	vmul.f32 v5, v8;
	v5 =	vld.idx.msk [tilespmem:v9+s18+$0x0], $0xffff  }
0x1de: {  	v8 =	vld.idx.msk [tilespmem:v13+s19+$0x0], $0xffff;
	v13 =	vor.u32 $0x100B, v0  }
0x1df: {  	v3 =	vadd.f32 v4, v3;
	v4 =	vmul.f32 v6, v14;
	v6 =	vld.idx.msk [tilespmem:v9+s20+$0x0], $0xffff;
	v9 =	vadd.s32 v13, v1  }
0x1e0: {  	v13 =	vadd.s32 v13, v2;
	v14 =	vld.idx.msk [tilespmem:v12+s17+$0x0], $0xffff  }
0x1e1: {  	v3 =	vadd.f32 v4, v3;
	v4 =	vmul.f32 v7, v10;
	v7 =	vld.idx.msk [tilespmem:v11+s18+$0x0], $0xffff  }
0x1e2: {  	v10 =	vld.idx.msk [tilespmem:v12+s19+$0x0], $0xffff;
	v12 =	vor.u32 $0x100C, v0  }
0x1e3: {  	v3 =	vadd.f32 v4, v3;
	v4 =	vmul.f32 v5, v15;
	v5 =	vld.idx.msk [tilespmem:v11+s20+$0x0], $0xffff;
	v11 =	vadd.s32 v12, v1  }
0x1e4: {  	v12 =	vadd.s32 v12, v2;
	v15 =	vld.idx.msk [tilespmem:v9+s17+$0x0], $0xffff  }
0x1e5: {  	v3 =	vadd.f32 v4, v3;
	v4 =	vmul.f32 v6, v8;
	v6 =	vld.idx.msk [tilespmem:v13+s18+$0x0], $0xffff  }
0x1e6: {  	v8 =	vld.idx.msk [tilespmem:v9+s19+$0x0], $0xffff;
	v9 =	vor.u32 $0x100D, v0  }
0x1e7: {  	v3 =	vadd.f32 v4, v3;
	v4 =	vmul.f32 v7, v14;
	v7 =	vld.idx.msk [tilespmem:v13+s20+$0x0], $0xffff;
	v13 =	vadd.s32 v9, v1  }
0x1e8: {  	v9 =	vadd.s32 v9, v2;
	v14 =	vld.idx.msk [tilespmem:v11+s17+$0x0], $0xffff  }
0x1e9: {  	v3 =	vadd.f32 v4, v3;
	v4 =	vmul.f32 v5, v10;
	v5 =	vld.idx.msk [tilespmem:v12+s18+$0x0], $0xffff  }
0x1ea: {  	v10 =	vld.idx.msk [tilespmem:v11+s19+$0x0], $0xffff;
	v11 =	vor.u32 $0x100E, v0  }
0x1eb: {  	v3 =	vadd.f32 v4, v3;
	v4 =	vmul.f32 v6, v15;
	v6 =	vld.idx.msk [tilespmem:v12+s20+$0x0], $0xffff;
	v12 =	vadd.s32 v11, v1  }
0x1ec: {  	v11 =	vadd.s32 v11, v2;
	v15 =	vld.idx.msk [tilespmem:v13+s17+$0x0], $0xffff  }
0x1ed: {  	v3 =	vadd.f32 v4, v3;
	v4 =	vmul.f32 v7, v8;
	v7 =	vld.idx.msk [tilespmem:v9+s18+$0x0], $0xffff  }
0x1ee: {  	v8 =	vld.idx.msk [tilespmem:v13+s19+$0x0], $0xffff;
	v13 =	vor.u32 $0x100F, v0  }
0x1ef: {  	v3 =	vadd.f32 v4, v3;
	v4 =	vmul.f32 v5, v14;
	v5 =	vld.idx.msk [tilespmem:v9+s20+$0x0], $0xffff;
	v9 =	vadd.s32 v13, v1  }
0x1f0: {  	v13 =	vadd.s32 v13, v2;
	v14 =	vld.idx.msk [tilespmem:v12+s17+$0x0], $0xffff  }
0x1f1: {  	v3 =	vadd.f32 v4, v3;
	v4 =	vmul.f32 v6, v10;
	v6 =	vld.idx.msk [tilespmem:v11+s18+$0x0], $0xffff  }
0x1f2: {  	v10 =	vld.idx.msk [tilespmem:v12+s19+$0x0], $0xffff;
	v12 =	vor.u32 $0x1010, v0  }
0x1f3: {  	v3 =	vadd.f32 v4, v3;
	v4 =	vmul.f32 v7, v15;
	v7 =	vld.idx.msk [tilespmem:v11+s20+$0x0], $0xffff;
	v11 =	vadd.s32 v12, v1  }
0x1f4: {  	v12 =	vadd.s32 v12, v2;
	v15 =	vld.idx.msk [tilespmem:v9+s17+$0x0], $0xffff  }
0x1f5: {  	v3 =	vadd.f32 v4, v3;
	v4 =	vmul.f32 v5, v8;
	v5 =	vld.idx.msk [tilespmem:v13+s18+$0x0], $0xffff  }
0x1f6: {  	v8 =	vld.idx.msk [tilespmem:v9+s19+$0x0], $0xffff;
	v9 =	vor.u32 $0x1011, v0  }
0x1f7: {  	v3 =	vadd.f32 v4, v3;
	v4 =	vmul.f32 v6, v14;
	v6 =	vld.idx.msk [tilespmem:v13+s20+$0x0], $0xffff;
	v13 =	vadd.s32 v9, v1  }
0x1f8: {  	v9 =	vadd.s32 v9, v2;
	v14 =	vld.idx.msk [tilespmem:v11+s17+$0x0], $0xffff  }
0x1f9: {  	v3 =	vadd.f32 v4, v3;
	v4 =	vmul.f32 v7, v10;
	v7 =	vld.idx.msk [tilespmem:v12+s18+$0x0], $0xffff  }
0x1fa: {  	v10 =	vld.idx.msk [tilespmem:v11+s19+$0x0], $0xffff;
	v11 =	vor.u32 $0x1012, v0  }
0x1fb: {  	v3 =	vadd.f32 v4, v3;
	v4 =	vmul.f32 v5, v15;
	v5 =	vld.idx.msk [tilespmem:v12+s20+$0x0], $0xffff;
	v12 =	vadd.s32 v11, v1  }
0x1fc: {  	v11 =	vadd.s32 v11, v2;
	v15 =	vld.idx.msk [tilespmem:v13+s17+$0x0], $0xffff  }
0x1fd: {  	v3 =	vadd.f32 v4, v3;
	v4 =	vmul.f32 v6, v8;
	v6 =	vld.idx.msk [tilespmem:v9+s18+$0x0], $0xffff  }
0x1fe: {  	v8 =	vld.idx.msk [tilespmem:v13+s19+$0x0], $0xffff;
	v13 =	vor.u32 $0x1013, v0  }
0x1ff: {  	v3 =	vadd.f32 v4, v3;
	v4 =	vmul.f32 v7, v14;
	v7 =	vld.idx.msk [tilespmem:v9+s20+$0x0], $0xffff;
	v9 =	vadd.s32 v13, v1  }
0x200: {  	v13 =	vadd.s32 v13, v2;
	v14 =	vld.idx.msk [tilespmem:v12+s17+$0x0], $0xffff  }
0x201: {  	v3 =	vadd.f32 v4, v3;
	v4 =	vmul.f32 v5, v10;
	v5 =	vld.idx.msk [tilespmem:v11+s18+$0x0], $0xffff  }
0x202: {  	v10 =	vld.idx.msk [tilespmem:v12+s19+$0x0], $0xffff;
	v12 =	vor.u32 $0x1014, v0  }
0x203: {  	v3 =	vadd.f32 v4, v3;
	v4 =	vmul.f32 v6, v15;
	v6 =	vld.idx.msk [tilespmem:v11+s20+$0x0], $0xffff;
	v11 =	vadd.s32 v12, v1  }
0x204: {  	v12 =	vadd.s32 v12, v2;
	v15 =	vld.idx.msk [tilespmem:v9+s17+$0x0], $0xffff  }
0x205: {  	v3 =	vadd.f32 v4, v3;
	v4 =	vmul.f32 v7, v8;
	v7 =	vld.idx.msk [tilespmem:v13+s18+$0x0], $0xffff  }
0x206: {  	v8 =	vld.idx.msk [tilespmem:v9+s19+$0x0], $0xffff;
	v9 =	vor.u32 $0x1015, v0  }
0x207: {  	v3 =	vadd.f32 v4, v3;
	v4 =	vmul.f32 v5, v14;
	v5 =	vld.idx.msk [tilespmem:v13+s20+$0x0], $0xffff;
	v13 =	vadd.s32 v9, v1  }
0x208: {  	v9 =	vadd.s32 v9, v2;
	v14 =	vld.idx.msk [tilespmem:v11+s17+$0x0], $0xffff  }
0x209: {  	v3 =	vadd.f32 v4, v3;
	v4 =	vmul.f32 v6, v10;
	v6 =	vld.idx.msk [tilespmem:v12+s18+$0x0], $0xffff  }
0x20a: {  	v10 =	vld.idx.msk [tilespmem:v11+s19+$0x0], $0xffff;
	v11 =	vor.u32 $0x1016, v0  }
0x20b: {  	v3 =	vadd.f32 v4, v3;
	v4 =	vmul.f32 v7, v15;
	v7 =	vld.idx.msk [tilespmem:v12+s20+$0x0], $0xffff;
	v12 =	vadd.s32 v11, v1  }
0x20c: {  	v11 =	vadd.s32 v11, v2;
	v15 =	vld.idx.msk [tilespmem:v13+s17+$0x0], $0xffff  }
0x20d: {  	v3 =	vadd.f32 v4, v3;
	v4 =	vmul.f32 v5, v8;
	v5 =	vld.idx.msk [tilespmem:v9+s18+$0x0], $0xffff  }
0x20e: {  	v8 =	vld.idx.msk [tilespmem:v13+s19+$0x0], $0xffff;
	v13 =	vor.u32 $0x1017, v0  }
0x20f: {  	v3 =	vadd.f32 v4, v3;
	v4 =	vmul.f32 v6, v14;
	v6 =	vld.idx.msk [tilespmem:v9+s20+$0x0], $0xffff;
	v9 =	vadd.s32 v13, v1  }
0x210: {  	v13 =	vadd.s32 v13, v2;
	v14 =	vld.idx.msk [tilespmem:v12+s17+$0x0], $0xffff  }
0x211: {  	v3 =	vadd.f32 v4, v3;
	v4 =	vmul.f32 v7, v10;
	v7 =	vld.idx.msk [tilespmem:v11+s18+$0x0], $0xffff  }
0x212: {  	v10 =	vld.idx.msk [tilespmem:v12+s19+$0x0], $0xffff;
	v12 =	vor.u32 $0x1018, v0  }
0x213: {  	v3 =	vadd.f32 v4, v3;
	v4 =	vmul.f32 v5, v15;
	v5 =	vld.idx.msk [tilespmem:v11+s20+$0x0], $0xffff;
	v11 =	vadd.s32 v12, v1  }
0x214: {  	v12 =	vadd.s32 v12, v2;
	v15 =	vld.idx.msk [tilespmem:v9+s17+$0x0], $0xffff  }
0x215: {  	v3 =	vadd.f32 v4, v3;
	v4 =	vmul.f32 v6, v8;
	v6 =	vld.idx.msk [tilespmem:v13+s18+$0x0], $0xffff  }
0x216: {  	v8 =	vld.idx.msk [tilespmem:v9+s19+$0x0], $0xffff;
	v9 =	vor.u32 $0x1019, v0  }
0x217: {  	v3 =	vadd.f32 v4, v3;
	v4 =	vmul.f32 v7, v14;
	v7 =	vld.idx.msk [tilespmem:v13+s20+$0x0], $0xffff;
	v13 =	vadd.s32 v9, v1  }
0x218: {  	v9 =	vadd.s32 v9, v2;
	v14 =	vld.idx.msk [tilespmem:v11+s17+$0x0], $0xffff  }
0x219: {  	v3 =	vadd.f32 v4, v3;
	v4 =	vmul.f32 v5, v10;
	v5 =	vld.idx.msk [tilespmem:v12+s18+$0x0], $0xffff  }
0x21a: {  	v10 =	vld.idx.msk [tilespmem:v11+s19+$0x0], $0xffff;
	v11 =	vor.u32 $0x101A, v0  }
0x21b: {  	v3 =	vadd.f32 v4, v3;
	v4 =	vmul.f32 v6, v15;
	v6 =	vld.idx.msk [tilespmem:v12+s20+$0x0], $0xffff;
	v12 =	vadd.s32 v11, v1  }
0x21c: {  	v11 =	vadd.s32 v11, v2;
	v15 =	vld.idx.msk [tilespmem:v13+s17+$0x0], $0xffff  }
0x21d: {  	v3 =	vadd.f32 v4, v3;
	v4 =	vmul.f32 v7, v8;
	v7 =	vld.idx.msk [tilespmem:v9+s18+$0x0], $0xffff  }
0x21e: {  	v8 =	vld.idx.msk [tilespmem:v13+s19+$0x0], $0xffff;
	v13 =	vor.u32 $0x101B, v0  }
0x21f: {  	v3 =	vadd.f32 v4, v3;
	v4 =	vmul.f32 v5, v14;
	v5 =	vld.idx.msk [tilespmem:v9+s20+$0x0], $0xffff;
	v9 =	vadd.s32 v13, v1  }
0x220: {  	v13 =	vadd.s32 v13, v2;
	v14 =	vld.idx.msk [tilespmem:v12+s17+$0x0], $0xffff  }
0x221: {  	v3 =	vadd.f32 v4, v3;
	v4 =	vmul.f32 v6, v10;
	v6 =	vld.idx.msk [tilespmem:v11+s18+$0x0], $0xffff  }
0x222: {  	v10 =	vld.idx.msk [tilespmem:v12+s19+$0x0], $0xffff;
	v12 =	vor.u32 $0x101C, v0  }
0x223: {  	v3 =	vadd.f32 v4, v3;
	v4 =	vmul.f32 v7, v15;
	v7 =	vld.idx.msk [tilespmem:v11+s20+$0x0], $0xffff;
	v11 =	vadd.s32 v12, v1  }
0x224: {  	v12 =	vadd.s32 v12, v2;
	v15 =	vld.idx.msk [tilespmem:v9+s17+$0x0], $0xffff  }
0x225: {  	v3 =	vadd.f32 v4, v3;
	v4 =	vmul.f32 v5, v8;
	v5 =	vld.idx.msk [tilespmem:v13+s18+$0x0], $0xffff  }
0x226: {  	v8 =	vld.idx.msk [tilespmem:v9+s19+$0x0], $0xffff;
	v9 =	vor.u32 $0x101D, v0  }
0x227: {  	v3 =	vadd.f32 v4, v3;
	v4 =	vmul.f32 v6, v14;
	v6 =	vld.idx.msk [tilespmem:v13+s20+$0x0], $0xffff;
	v13 =	vadd.s32 v9, v1  }
0x228: {  	v9 =	vadd.s32 v9, v2;
	v14 =	vld.idx.msk [tilespmem:v11+s17+$0x0], $0xffff  }
0x229: {  	v3 =	vadd.f32 v4, v3;
	v4 =	vmul.f32 v7, v10;
	v7 =	vld.idx.msk [tilespmem:v12+s18+$0x0], $0xffff  }
0x22a: {  	v10 =	vld.idx.msk [tilespmem:v11+s19+$0x0], $0xffff;
	v11 =	vor.u32 $0x101E, v0  }
0x22b: {  	v3 =	vadd.f32 v4, v3;
	v4 =	vmul.f32 v5, v15;
	v5 =	vld.idx.msk [tilespmem:v12+s20+$0x0], $0xffff;
	v12 =	vadd.s32 v11, v1  }
0x22c: {  	v11 =	vadd.s32 v11, v2;
	v15 =	vld.idx.msk [tilespmem:v13+s17+$0x0], $0xffff  }
0x22d: {  	v3 =	vadd.f32 v4, v3;
	v4 =	vmul.f32 v6, v8;
	v6 =	vld.idx.msk [tilespmem:v9+s18+$0x0], $0xffff  }
0x22e: {  	v8 =	vld.idx.msk [tilespmem:v13+s19+$0x0], $0xffff;
	v13 =	vor.u32 $0x101F, v0  }
0x22f: {  	v14 =	vmul.f32 v7, v14;
	v7 =	vld.idx.msk [tilespmem:v9+s20+$0x0], $0xffff;
	v1 =	vadd.s32 v13, v1;
	v3 =	vadd.f32 v4, v3  }
0x230: {  	v2 =	vadd.s32 v13, v2;
	v9 =	vld.idx.msk [tilespmem:v12+s17+$0x0], $0xffff  }
0x231: {  	v13 =	vmul.f32 v5, v10;
	v5 =	vld.idx.msk [tilespmem:v11+s18+$0x0], $0xffff;
	v3 =	vadd.f32 v14, v3  }
0x232: {  	v10 =	vld.idx.msk [tilespmem:v12+s19+$0x0], $0xffff  }
0x233: {  	v14 =	vmul.f32 v6, v15;
	v6 =	vld.idx.msk [tilespmem:v11+s20+$0x0], $0xffff;
	v3 =	vadd.f32 v13, v3  }
0x234: {  	v11 =	vld.idx.msk [tilespmem:v1+s17+$0x0], $0xffff  }
0x235: {  	v12 =	vmul.f32 v7, v8;
	v13 =	vld.idx.msk [tilespmem:v2+s18+$0x0], $0xffff;
	v3 =	vadd.f32 v14, v3  }
0x236: {  	v14 =	vld.idx.msk [tilespmem:v1+s19+$0x0], $0xffff  }
0x237: {  	v1 =	vadd.f32 v12, v3;
	v3 =	vmul.f32 v5, v9;
	v9 =	vld.idx.msk [tilespmem:v2+s20+$0x0], $0xffff  }
0x238: {  	v2 =	vld [tilespmem:s28+$0x830]  }
0x239: {  	v10 =	vmul.f32 v6, v10;
	v3 =	vadd.f32 v3, v1;
	v1 =	vld [tilespmem:s28+$0xA30];
	_ =	sdelay $0x1  }
0x23a: {  	v12 =	vmul.f32 v13, v11;
	v3 =	vadd.f32 v10, v3  }
0x23b: {  	v13 =	vor.u32 $0x1800, v0  }
0x23c: {  	v4 =	vmul.f32 v9, v14;
	v14 =	vadd.s32 v13, v2;
	v3 =	vadd.f32 v12, v3  }
0x23d: {  	v6 =	vadd.s32 v13, v1  }
0x23e: {  	v3 =	vadd.f32 v4, v3  }
0x23f: {  	v12 =	vor.u32 $0x1801, v0  }
0x240: {  	v4 =	vadd.s32 v12, v1;
	[tilespmem:s28+$0x8C20] =	vst v3  }
0x241: {  	v3 =	vadd.s32 v12, v2;
	v7 =	vld.idx.msk [tilespmem:v14+s17+$0x0], $0xffff  }
0x242: {  	v8 =	vld.idx.msk [tilespmem:v6+s18+$0x0], $0xffff  }
0x243: {  	v13 =	vor.u32 $0x1802, v0;
	v5 =	vld.idx.msk [tilespmem:v14+s19+$0x0], $0xffff  }
0x244: {  	v9 =	vadd.s32 v13, v1;
	v6 =	vld.idx.msk [tilespmem:v6+s20+$0x0], $0xffff  }
0x245: {  	v10 =	vadd.s32 v13, v2;
	v12 =	vld.idx.msk [tilespmem:v4+s18+$0x0], $0xffff  }
0x246: {  	v11 =	vld.idx.msk [tilespmem:v3+s17+$0x0], $0xffff  }
0x247: {  	v4 =	vld.idx.msk [tilespmem:v4+s20+$0x0], $0xffff;
	v7 =	vmul.f32 v8, v7;
	v8 =	vor.u32 $0x1803, v0  }
0x248: {  	v3 =	vld.idx.msk [tilespmem:v3+s19+$0x0], $0xffff;
	v13 =	vadd.s32 v8, v2  }
0x249: {  	v14 =	vld.idx.msk [tilespmem:v9+s18+$0x0], $0xffff;
	v5 =	vmul.f32 v6, v5;
	v8 =	vadd.s32 v8, v1;
	v7 =	vadd.f32 $0.0e+00, v7  }
0x24a: {  	v6 =	vld.idx.msk [tilespmem:v10+s17+$0x0], $0xffff  }
0x24b: {  	v9 =	vld.idx.msk [tilespmem:v9+s20+$0x0], $0xffff;
	v5 =	vadd.f32 v5, v7;
	v7 =	vmul.f32 v12, v11;
	v11 =	vor.u32 $0x1804, v0  }
0x24c: {  	v10 =	vld.idx.msk [tilespmem:v10+s19+$0x0], $0xffff;
	v12 =	vadd.s32 v11, v2  }
0x24d: {  	v3 =	vmul.f32 v4, v3;
	v5 =	vadd.f32 v7, v5;
	v4 =	vld.idx.msk [tilespmem:v13+s17+$0x0], $0xffff;
	v7 =	vadd.s32 v11, v1  }
0x24e: {  	v11 =	vld.idx.msk [tilespmem:v8+s18+$0x0], $0xffff  }
0x24f: {  	v3 =	vadd.f32 v3, v5;
	v5 =	vmul.f32 v14, v6;
	v6 =	vld.idx.msk [tilespmem:v13+s19+$0x0], $0xffff;
	v13 =	vor.u32 $0x1805, v0  }
0x250: {  	v8 =	vld.idx.msk [tilespmem:v8+s20+$0x0], $0xffff;
	v14 =	vadd.s32 v13, v2  }
0x251: {  	v3 =	vadd.f32 v5, v3;
	v5 =	vmul.f32 v9, v10;
	v9 =	vld.idx.msk [tilespmem:v12+s17+$0x0], $0xffff;
	v10 =	vadd.s32 v13, v1  }
0x252: {  	v13 =	vld.idx.msk [tilespmem:v7+s18+$0x0], $0xffff  }
0x253: {  	v4 =	vmul.f32 v11, v4;
	v11 =	vor.u32 $0x1806, v0;
	v7 =	vld.idx.msk [tilespmem:v7+s20+$0x0], $0xffff;
	v3 =	vadd.f32 v5, v3  }
0x254: {  	v5 =	vld.idx.msk [tilespmem:v12+s19+$0x0], $0xffff;
	v12 =	vadd.s32 v11, v2  }
0x255: {  	v3 =	vadd.f32 v4, v3;
	v4 =	vmul.f32 v8, v6;
	v6 =	vld.idx.msk [tilespmem:v14+s17+$0x0], $0xffff;
	v8 =	vadd.s32 v11, v1  }
0x256: {  	v11 =	vld.idx.msk [tilespmem:v10+s18+$0x0], $0xffff  }
0x257: {  	v10 =	vld.idx.msk [tilespmem:v10+s20+$0x0], $0xffff;
	v3 =	vadd.f32 v4, v3;
	v4 =	vmul.f32 v13, v9;
	v13 =	vor.u32 $0x1807, v0  }
0x258: {  	v9 =	vld.idx.msk [tilespmem:v14+s19+$0x0], $0xffff;
	v14 =	vadd.s32 v13, v2  }
0x259: {  	v3 =	vadd.f32 v4, v3;
	v4 =	vmul.f32 v7, v5;
	v5 =	vld.idx.msk [tilespmem:v12+s17+$0x0], $0xffff;
	v7 =	vadd.s32 v13, v1  }
0x25a: {  	v13 =	vld.idx.msk [tilespmem:v8+s18+$0x0], $0xffff  }
0x25b: {  	v8 =	vld.idx.msk [tilespmem:v8+s20+$0x0], $0xffff;
	v3 =	vadd.f32 v4, v3;
	v4 =	vmul.f32 v11, v6;
	v11 =	vor.u32 $0x1808, v0  }
0x25c: {  	v6 =	vld.idx.msk [tilespmem:v12+s19+$0x0], $0xffff;
	v12 =	vadd.s32 v11, v2  }
0x25d: {  	v3 =	vadd.f32 v4, v3;
	v4 =	vmul.f32 v10, v9;
	v9 =	vld.idx.msk [tilespmem:v14+s17+$0x0], $0xffff;
	v10 =	vadd.s32 v11, v1  }
0x25e: {  	v11 =	vld.idx.msk [tilespmem:v7+s18+$0x0], $0xffff  }
0x25f: {  	v7 =	vld.idx.msk [tilespmem:v7+s20+$0x0], $0xffff;
	v3 =	vadd.f32 v4, v3;
	v4 =	vmul.f32 v13, v5;
	v13 =	vor.u32 $0x1809, v0  }
0x260: {  	v5 =	vld.idx.msk [tilespmem:v14+s19+$0x0], $0xffff;
	v14 =	vadd.s32 v13, v2  }
0x261: {  	v3 =	vadd.f32 v4, v3;
	v4 =	vmul.f32 v8, v6;
	v6 =	vld.idx.msk [tilespmem:v12+s17+$0x0], $0xffff;
	v8 =	vadd.s32 v13, v1  }
0x262: {  	v13 =	vld.idx.msk [tilespmem:v10+s18+$0x0], $0xffff  }
0x263: {  	v10 =	vld.idx.msk [tilespmem:v10+s20+$0x0], $0xffff;
	v3 =	vadd.f32 v4, v3;
	v4 =	vmul.f32 v11, v9;
	v11 =	vor.u32 $0x180A, v0  }
0x264: {  	v9 =	vld.idx.msk [tilespmem:v12+s19+$0x0], $0xffff;
	v12 =	vadd.s32 v11, v2  }
0x265: {  	v3 =	vadd.f32 v4, v3;
	v4 =	vmul.f32 v7, v5;
	v5 =	vld.idx.msk [tilespmem:v14+s17+$0x0], $0xffff;
	v7 =	vadd.s32 v11, v1  }
0x266: {  	v11 =	vld.idx.msk [tilespmem:v8+s18+$0x0], $0xffff  }
0x267: {  	v8 =	vld.idx.msk [tilespmem:v8+s20+$0x0], $0xffff;
	v3 =	vadd.f32 v4, v3;
	v4 =	vmul.f32 v13, v6;
	v13 =	vor.u32 $0x180B, v0  }
0x268: {  	v6 =	vld.idx.msk [tilespmem:v14+s19+$0x0], $0xffff;
	v14 =	vadd.s32 v13, v2  }
0x269: {  	v3 =	vadd.f32 v4, v3;
	v4 =	vmul.f32 v10, v9;
	v9 =	vld.idx.msk [tilespmem:v12+s17+$0x0], $0xffff;
	v10 =	vadd.s32 v13, v1  }
0x26a: {  	v13 =	vld.idx.msk [tilespmem:v7+s18+$0x0], $0xffff  }
0x26b: {  	v7 =	vld.idx.msk [tilespmem:v7+s20+$0x0], $0xffff;
	v3 =	vadd.f32 v4, v3;
	v4 =	vmul.f32 v11, v5;
	v11 =	vor.u32 $0x180C, v0  }
0x26c: {  	v5 =	vld.idx.msk [tilespmem:v12+s19+$0x0], $0xffff;
	v12 =	vadd.s32 v11, v2  }
0x26d: {  	v3 =	vadd.f32 v4, v3;
	v4 =	vmul.f32 v8, v6;
	v6 =	vld.idx.msk [tilespmem:v14+s17+$0x0], $0xffff;
	v8 =	vadd.s32 v11, v1  }
0x26e: {  	v11 =	vld.idx.msk [tilespmem:v10+s18+$0x0], $0xffff  }
0x26f: {  	v10 =	vld.idx.msk [tilespmem:v10+s20+$0x0], $0xffff;
	v3 =	vadd.f32 v4, v3;
	v4 =	vmul.f32 v13, v9;
	v13 =	vor.u32 $0x180D, v0  }
0x270: {  	v9 =	vld.idx.msk [tilespmem:v14+s19+$0x0], $0xffff;
	v14 =	vadd.s32 v13, v2  }
0x271: {  	v3 =	vadd.f32 v4, v3;
	v4 =	vmul.f32 v7, v5;
	v5 =	vld.idx.msk [tilespmem:v12+s17+$0x0], $0xffff;
	v7 =	vadd.s32 v13, v1  }
0x272: {  	v13 =	vld.idx.msk [tilespmem:v8+s18+$0x0], $0xffff  }
0x273: {  	v8 =	vld.idx.msk [tilespmem:v8+s20+$0x0], $0xffff;
	v3 =	vadd.f32 v4, v3;
	v4 =	vmul.f32 v11, v6;
	v11 =	vor.u32 $0x180E, v0  }
0x274: {  	v6 =	vld.idx.msk [tilespmem:v12+s19+$0x0], $0xffff;
	v12 =	vadd.s32 v11, v2  }
0x275: {  	v3 =	vadd.f32 v4, v3;
	v4 =	vmul.f32 v10, v9;
	v9 =	vld.idx.msk [tilespmem:v14+s17+$0x0], $0xffff;
	v10 =	vadd.s32 v11, v1  }
0x276: {  	v11 =	vld.idx.msk [tilespmem:v7+s18+$0x0], $0xffff  }
0x277: {  	v7 =	vld.idx.msk [tilespmem:v7+s20+$0x0], $0xffff;
	v3 =	vadd.f32 v4, v3;
	v4 =	vmul.f32 v13, v5;
	v13 =	vor.u32 $0x180F, v0  }
0x278: {  	v5 =	vld.idx.msk [tilespmem:v14+s19+$0x0], $0xffff;
	v14 =	vadd.s32 v13, v2  }
0x279: {  	v3 =	vadd.f32 v4, v3;
	v4 =	vmul.f32 v8, v6;
	v6 =	vld.idx.msk [tilespmem:v12+s17+$0x0], $0xffff;
	v8 =	vadd.s32 v13, v1  }
0x27a: {  	v13 =	vld.idx.msk [tilespmem:v10+s18+$0x0], $0xffff  }
0x27b: {  	v10 =	vld.idx.msk [tilespmem:v10+s20+$0x0], $0xffff;
	v3 =	vadd.f32 v4, v3;
	v4 =	vmul.f32 v11, v9;
	v11 =	vor.u32 $0x1810, v0  }
0x27c: {  	v9 =	vld.idx.msk [tilespmem:v12+s19+$0x0], $0xffff;
	v12 =	vadd.s32 v11, v2  }
0x27d: {  	v3 =	vadd.f32 v4, v3;
	v4 =	vmul.f32 v7, v5;
	v5 =	vld.idx.msk [tilespmem:v14+s17+$0x0], $0xffff;
	v7 =	vadd.s32 v11, v1  }
0x27e: {  	v11 =	vld.idx.msk [tilespmem:v8+s18+$0x0], $0xffff  }
0x27f: {  	v8 =	vld.idx.msk [tilespmem:v8+s20+$0x0], $0xffff;
	v3 =	vadd.f32 v4, v3;
	v4 =	vmul.f32 v13, v6;
	v13 =	vor.u32 $0x1811, v0  }
0x280: {  	v6 =	vld.idx.msk [tilespmem:v14+s19+$0x0], $0xffff;
	v14 =	vadd.s32 v13, v2  }
0x281: {  	v3 =	vadd.f32 v4, v3;
	v4 =	vmul.f32 v10, v9;
	v9 =	vld.idx.msk [tilespmem:v12+s17+$0x0], $0xffff;
	v10 =	vadd.s32 v13, v1  }
0x282: {  	v13 =	vld.idx.msk [tilespmem:v7+s18+$0x0], $0xffff  }
0x283: {  	v7 =	vld.idx.msk [tilespmem:v7+s20+$0x0], $0xffff;
	v3 =	vadd.f32 v4, v3;
	v4 =	vmul.f32 v11, v5;
	v11 =	vor.u32 $0x1812, v0  }
0x284: {  	v5 =	vld.idx.msk [tilespmem:v12+s19+$0x0], $0xffff;
	v12 =	vadd.s32 v11, v2  }
0x285: {  	v3 =	vadd.f32 v4, v3;
	v4 =	vmul.f32 v8, v6;
	v6 =	vld.idx.msk [tilespmem:v14+s17+$0x0], $0xffff;
	v8 =	vadd.s32 v11, v1  }
0x286: {  	v11 =	vld.idx.msk [tilespmem:v10+s18+$0x0], $0xffff  }
0x287: {  	v10 =	vld.idx.msk [tilespmem:v10+s20+$0x0], $0xffff;
	v3 =	vadd.f32 v4, v3;
	v4 =	vmul.f32 v13, v9;
	v13 =	vor.u32 $0x1813, v0  }
0x288: {  	v9 =	vld.idx.msk [tilespmem:v14+s19+$0x0], $0xffff;
	v14 =	vadd.s32 v13, v2  }
0x289: {  	v3 =	vadd.f32 v4, v3;
	v4 =	vmul.f32 v7, v5;
	v5 =	vld.idx.msk [tilespmem:v12+s17+$0x0], $0xffff;
	v7 =	vadd.s32 v13, v1  }
0x28a: {  	v13 =	vld.idx.msk [tilespmem:v8+s18+$0x0], $0xffff  }
0x28b: {  	v8 =	vld.idx.msk [tilespmem:v8+s20+$0x0], $0xffff;
	v3 =	vadd.f32 v4, v3;
	v4 =	vmul.f32 v11, v6;
	v11 =	vor.u32 $0x1814, v0  }
0x28c: {  	v6 =	vld.idx.msk [tilespmem:v12+s19+$0x0], $0xffff;
	v12 =	vadd.s32 v11, v2  }
0x28d: {  	v3 =	vadd.f32 v4, v3;
	v4 =	vmul.f32 v10, v9;
	v9 =	vld.idx.msk [tilespmem:v14+s17+$0x0], $0xffff;
	v10 =	vadd.s32 v11, v1  }
0x28e: {  	v11 =	vld.idx.msk [tilespmem:v7+s18+$0x0], $0xffff  }
0x28f: {  	v7 =	vld.idx.msk [tilespmem:v7+s20+$0x0], $0xffff;
	v3 =	vadd.f32 v4, v3;
	v4 =	vmul.f32 v13, v5;
	v13 =	vor.u32 $0x1815, v0  }
0x290: {  	v5 =	vld.idx.msk [tilespmem:v14+s19+$0x0], $0xffff;
	v14 =	vadd.s32 v13, v2  }
0x291: {  	v3 =	vadd.f32 v4, v3;
	v4 =	vmul.f32 v8, v6;
	v6 =	vld.idx.msk [tilespmem:v12+s17+$0x0], $0xffff;
	v8 =	vadd.s32 v13, v1  }
0x292: {  	v13 =	vld.idx.msk [tilespmem:v10+s18+$0x0], $0xffff  }
0x293: {  	v10 =	vld.idx.msk [tilespmem:v10+s20+$0x0], $0xffff;
	v3 =	vadd.f32 v4, v3;
	v4 =	vmul.f32 v11, v9;
	v11 =	vor.u32 $0x1816, v0  }
0x294: {  	v9 =	vld.idx.msk [tilespmem:v12+s19+$0x0], $0xffff;
	v12 =	vadd.s32 v11, v2  }
0x295: {  	v3 =	vadd.f32 v4, v3;
	v4 =	vmul.f32 v7, v5;
	v5 =	vld.idx.msk [tilespmem:v14+s17+$0x0], $0xffff;
	v7 =	vadd.s32 v11, v1  }
0x296: {  	v11 =	vld.idx.msk [tilespmem:v8+s18+$0x0], $0xffff  }
0x297: {  	v8 =	vld.idx.msk [tilespmem:v8+s20+$0x0], $0xffff;
	v3 =	vadd.f32 v4, v3;
	v4 =	vmul.f32 v13, v6;
	v13 =	vor.u32 $0x1817, v0  }
0x298: {  	v6 =	vld.idx.msk [tilespmem:v14+s19+$0x0], $0xffff;
	v14 =	vadd.s32 v13, v2  }
0x299: {  	v3 =	vadd.f32 v4, v3;
	v4 =	vmul.f32 v10, v9;
	v9 =	vld.idx.msk [tilespmem:v12+s17+$0x0], $0xffff;
	v10 =	vadd.s32 v13, v1  }
0x29a: {  	v13 =	vld.idx.msk [tilespmem:v7+s18+$0x0], $0xffff  }
0x29b: {  	v7 =	vld.idx.msk [tilespmem:v7+s20+$0x0], $0xffff;
	v3 =	vadd.f32 v4, v3;
	v4 =	vmul.f32 v11, v5;
	v11 =	vor.u32 $0x1818, v0  }
0x29c: {  	v5 =	vld.idx.msk [tilespmem:v12+s19+$0x0], $0xffff;
	v12 =	vadd.s32 v11, v2  }
0x29d: {  	v3 =	vadd.f32 v4, v3;
	v4 =	vmul.f32 v8, v6;
	v6 =	vld.idx.msk [tilespmem:v14+s17+$0x0], $0xffff;
	v8 =	vadd.s32 v11, v1  }
0x29e: {  	v11 =	vld.idx.msk [tilespmem:v10+s18+$0x0], $0xffff  }
0x29f: {  	v10 =	vld.idx.msk [tilespmem:v10+s20+$0x0], $0xffff;
	v3 =	vadd.f32 v4, v3;
	v4 =	vmul.f32 v13, v9;
	v13 =	vor.u32 $0x1819, v0  }
0x2a0: {  	v9 =	vld.idx.msk [tilespmem:v14+s19+$0x0], $0xffff;
	v14 =	vadd.s32 v13, v2  }
0x2a1: {  	v3 =	vadd.f32 v4, v3;
	v4 =	vmul.f32 v7, v5;
	v5 =	vld.idx.msk [tilespmem:v12+s17+$0x0], $0xffff;
	v7 =	vadd.s32 v13, v1  }
0x2a2: {  	v13 =	vld.idx.msk [tilespmem:v8+s18+$0x0], $0xffff  }
0x2a3: {  	v8 =	vld.idx.msk [tilespmem:v8+s20+$0x0], $0xffff;
	v3 =	vadd.f32 v4, v3;
	v4 =	vmul.f32 v11, v6;
	v11 =	vor.u32 $0x181A, v0  }
0x2a4: {  	v6 =	vld.idx.msk [tilespmem:v12+s19+$0x0], $0xffff;
	v12 =	vadd.s32 v11, v2  }
0x2a5: {  	v3 =	vadd.f32 v4, v3;
	v4 =	vmul.f32 v10, v9;
	v9 =	vld.idx.msk [tilespmem:v14+s17+$0x0], $0xffff;
	v10 =	vadd.s32 v11, v1  }
0x2a6: {  	v11 =	vld.idx.msk [tilespmem:v7+s18+$0x0], $0xffff  }
0x2a7: {  	v7 =	vld.idx.msk [tilespmem:v7+s20+$0x0], $0xffff;
	v3 =	vadd.f32 v4, v3;
	v4 =	vmul.f32 v13, v5;
	v13 =	vor.u32 $0x181B, v0  }
0x2a8: {  	v5 =	vld.idx.msk [tilespmem:v14+s19+$0x0], $0xffff;
	v14 =	vadd.s32 v13, v2  }
0x2a9: {  	v3 =	vadd.f32 v4, v3;
	v4 =	vmul.f32 v8, v6;
	v6 =	vld.idx.msk [tilespmem:v12+s17+$0x0], $0xffff;
	v8 =	vadd.s32 v13, v1  }
0x2aa: {  	v13 =	vld.idx.msk [tilespmem:v10+s18+$0x0], $0xffff  }
0x2ab: {  	v10 =	vld.idx.msk [tilespmem:v10+s20+$0x0], $0xffff;
	v3 =	vadd.f32 v4, v3;
	v4 =	vmul.f32 v11, v9;
	v11 =	vor.u32 $0x181C, v0  }
0x2ac: {  	v9 =	vld.idx.msk [tilespmem:v12+s19+$0x0], $0xffff;
	v12 =	vadd.s32 v11, v2  }
0x2ad: {  	v3 =	vadd.f32 v4, v3;
	v4 =	vmul.f32 v7, v5;
	v5 =	vld.idx.msk [tilespmem:v14+s17+$0x0], $0xffff;
	v7 =	vadd.s32 v11, v1  }
0x2ae: {  	v11 =	vld.idx.msk [tilespmem:v8+s18+$0x0], $0xffff  }
0x2af: {  	v8 =	vld.idx.msk [tilespmem:v8+s20+$0x0], $0xffff;
	v3 =	vadd.f32 v4, v3;
	v4 =	vmul.f32 v13, v6;
	v13 =	vor.u32 $0x181D, v0  }
0x2b0: {  	v6 =	vld.idx.msk [tilespmem:v14+s19+$0x0], $0xffff;
	v14 =	vadd.s32 v13, v2  }
0x2b1: {  	v3 =	vadd.f32 v4, v3;
	v4 =	vmul.f32 v10, v9;
	v9 =	vld.idx.msk [tilespmem:v12+s17+$0x0], $0xffff;
	v10 =	vadd.s32 v13, v1  }
0x2b2: {  	v13 =	vld.idx.msk [tilespmem:v7+s18+$0x0], $0xffff  }
0x2b3: {  	v7 =	vld.idx.msk [tilespmem:v7+s20+$0x0], $0xffff;
	v3 =	vadd.f32 v4, v3;
	v4 =	vmul.f32 v11, v5;
	v11 =	vor.u32 $0x181E, v0  }
0x2b4: {  	v5 =	vld.idx.msk [tilespmem:v12+s19+$0x0], $0xffff;
	v12 =	vadd.s32 v11, v2  }
0x2b5: {  	v3 =	vadd.f32 v4, v3;
	v4 =	vmul.f32 v8, v6;
	v6 =	vld.idx.msk [tilespmem:v14+s17+$0x0], $0xffff;
	v8 =	vadd.s32 v11, v1  }
0x2b6: {  	v11 =	vld.idx.msk [tilespmem:v10+s18+$0x0], $0xffff  }
0x2b7: {  	v10 =	vld.idx.msk [tilespmem:v10+s20+$0x0], $0xffff;
	v3 =	vadd.f32 v4, v3;
	v4 =	vmul.f32 v13, v9;
	v13 =	vor.u32 $0x181F, v0  }
0x2b8: {  	v9 =	vld.idx.msk [tilespmem:v14+s19+$0x0], $0xffff;
	v2 =	vadd.s32 v13, v2  }
0x2b9: {  	v14 =	vmul.f32 v7, v5;
	v1 =	vadd.s32 v13, v1;
	v3 =	vadd.f32 v4, v3;
	v5 =	vld.idx.msk [tilespmem:v12+s17+$0x0], $0xffff  }
0x2ba: {  	v7 =	vld.idx.msk [tilespmem:v8+s18+$0x0], $0xffff  }
0x2bb: {  	v8 =	vld.idx.msk [tilespmem:v8+s20+$0x0], $0xffff;
	v3 =	vadd.f32 v14, v3;
	v14 =	vmul.f32 v11, v6  }
0x2bc: {  	v6 =	vld.idx.msk [tilespmem:v12+s19+$0x0], $0xffff  }
0x2bd: {  	v13 =	vmul.f32 v10, v9;
	v3 =	vadd.f32 v14, v3;
	v9 =	vld.idx.msk [tilespmem:v2+s17+$0x0], $0xffff  }
0x2be: {  	v14 =	vld.idx.msk [tilespmem:v1+s18+$0x0], $0xffff  }
0x2bf: {  	v2 =	vld.idx.msk [tilespmem:v2+s19+$0x0], $0xffff;
	v3 =	vadd.f32 v13, v3;
	v12 =	vmul.f32 v7, v5  }
0x2c0: {  	v1 =	vld.idx.msk [tilespmem:v1+s20+$0x0], $0xffff  }
0x2c1: {  	v13 =	vmul.f32 v8, v6;
	v3 =	vadd.f32 v12, v3;
	_ =	sdelay $0x1  }
0x2c2: {  	v14 =	vmul.f32 v14, v9;
	v3 =	vadd.f32 v13, v3  }
0x2c3: {  	p0 =	sne.s32 s26, $0x700  }
.Ltmp0:
0x2c4: {  	v1 =	vmul.f32 v1, v2;
	v3 =	vadd.f32 v14, v3;
	(pc) =	sbr.rel @p0 .LBB2_2-.Ltmp0, $3  }
0x2c5: {  	_ = 	snop  }
0x2c6: {  	v1 =	vadd.f32 v1, v3;
	_ =	sdelay $0x1  }
0x2c7: {  	s26 =	sadd.s32 $0x100, s26;
	s25 =	sadd.s32 $0x80, s25;
	s24 =	sadd.s32 $0x80, s24;
	[tilespmem:s28+$0x8C30] =	vst v1  }
0x2c8: {  	s23 =	sadd.s32 $0x1, s23  }
0x2c9: {  	p0 =	sne.s32 s23, s11  }
.Ltmp1:
0x2ca: {  	_ = 	snop;
	(pc) =	sbr.rel @p0 .LBB2_1-.Ltmp1, $4  }
0x2cb: {  	[hbm4b:s10+s2] =	stream.linear.scatter [tilespmem:s22], [sflag:$0x2], $0x200, $0x38;
	[tilespmem:$0x8E00] =	vst v63  }
0x2cc: {  	_ =	swait.ge [sflag:s12], $0x200  }
0x2cd: {  	[sflag:s12] =	ssyncset.done $0x0  }
0x2ce: {  	[sflag:s12] =	ssyncadd.s32 $0xFFFFFE00  }
0x2cf: {  	_ =	sfence.sel $0x180000  }
0x2d0: {  	[bflag:$0x0] =	sbarrier.arrive $0xFFFF  }
0x2d1: {  	p0 =	sne.s32 s0, $0x0;
	_ =	strace $0x90000047  }
0x2d2: {  	s0 =	sadd.s32 @!p0 $0x100000, s1;
	[bflag:$0x2] =	sbarrier.arrive $0xFFFF  }
0x2d3: {  	[sflag:s0] =	ssyncadd.tile.s32 @!p0 $0x1;
	_ =	shalt  }
.Lfunc_end2:
_tile_overlayer_lowered:
.L_overlay_start_2:
0x2d4: {  	(tag) =	ssettag $0x2  }
0x2d5: {  	s0 =	rddreg [dreg:$0x0];
	s2 =	stileid.u32  }
0x2d6: {  	s1 =	rddreg [dreg:$0x1];
	p0 =	sne.s32 s2, $0x0  }
0x2d7: {  	s3 =	rddreg [dreg:$0x2];
	[bflag:$0x3] =	sbarrier.arrive $0xFFFF;
	s2 =	simm.s32 @!p0 $0x1C02  }
0x2d8: {  	[timem:s3], [sflag:s2] =	dma.local @!p0 [hbm:s0], s1  }
0x2d9: {  	s0 =	simm.s32 @!p0 $0x2  }
0x2da: {  	_ =	swait.ge @!p0 [sflag:s0], s1  }
0x2db: {  	s1 =	ssub.s32 @!p0 $0x0, s1;
	[sflag:s0] =	ssyncset.done @!p0 $0x0  }
0x2dc: {  	[sflag:s0] =	ssyncadd.s32 @!p0 s1  }
0x2dd: {  	[bflag:$0x3] =	sbarrier.arrive $0xFFFF  }
0x2de: {  	_ =	shalt  }

</sc_bundles>
